<compile_context>
chip_gen: v7x
topology: tpu7x:2x2x1
jax: 0.10.2.dev20260603
libtpu: 0.0.44.dev20260713+nightly
codegen_flags: <defaults>
</compile_context>

<pallas_src>
import jax
import jax.numpy as jnp
from jax import lax
from jax.experimental import pallas as pl
from jax.experimental.pallas import tpu as pltpu
from jax.experimental.pallas import tpu_sc as plsc

_B, _T, _N, _E = 4, 4, 10000, 160000
_BT = _B * _T
_F = 128
_NC, _NS = 2, 16
_NW = _NC * _NS
_EPAD = 163840
_EPW = _EPAD // _NW
_NB = _EPW // 128
_NP = 10240
_RPT = _NP // _NS
_RBLK = 1024
_NBLK = _NP // _RBLK
_EB = 128
_NB0 = 64
_NB1 = 16
_NACC = 10112
_RPTA = _NACC // _NS


def _sc_deg_body(dst_hbm, out_hbm, deg_sp, dstbuf, ones_v, zeros_v, stage, dsem):
    c = lax.axis_index("c")
    s = lax.axis_index("s")
    wid = s * _NC + c
    zero16 = jnp.zeros((16,), jnp.float32)
    one16 = jnp.ones((16,), jnp.float32)

    def fill(i, _):
        zeros_v[pl.ds(i * 16, 16)] = zero16
        return 0
    lax.fori_loop(0, _RPT // 16, fill, 0)
    def fill1(i, _):
        ones_v[pl.ds(i * 16, 16)] = one16
        return 0
    lax.fori_loop(0, 8, fill1, 0)

    def per_graph(g, carry):
        pltpu.sync_copy(zeros_v, deg_sp.at[pl.ds(s * _RPT, _RPT)])
        ebase = g * _EPAD + wid * _EPW
        dstds = [
            pltpu.async_copy(dst_hbm.at[pl.ds(ebase + b * 128, 128)],
                             dstbuf.at[b], dsem)
            for b in range(_NB)
        ]
        for d in dstds:
            d.wait()
        plsc.subcore_barrier()
        for b in range(_NB):
            pltpu.sync_copy(ones_v, deg_sp.at[dstbuf.at[b]], add=True)
        plsc.subcore_barrier()
        pltpu.sync_copy(deg_sp.at[pl.ds(s * _RPT, _RPT)], stage)
        pltpu.sync_copy(stage,
                        out_hbm.at[pl.ds((g * 2 + c) * _NP + s * _RPT, _RPT)])
        plsc.subcore_barrier()
        return 0

    lax.fori_loop(0, _BT, per_graph, 0)


@jax.jit
def _sc_deg(dst_flat):
    fn = pl.kernel(
        _sc_deg_body,
        out_type=jax.ShapeDtypeStruct((_BT * 2 * _NP,), jnp.float32),
        mesh=plsc.VectorSubcoreMesh(core_axis_name="c", subcore_axis_name="s",
                                    num_cores=_NC, num_subcores=_NS),
        scratch_types=[
            pltpu.VMEM_SHARED((_NP,), jnp.float32),
            pltpu.VMEM((_NB, 128), jnp.int32),
            pltpu.VMEM((128,), jnp.float32),
            pltpu.VMEM((_RPT,), jnp.float32),
            pltpu.VMEM((_RPT,), jnp.float32),
            pltpu.SemaphoreType.DMA,
        ],
    )
    return fn(dst_flat)


def _sc_agg_body(src_hbm, dst_hbm, xp_hbm, out_hbm,
                 acc_sp, srcbuf, dstbuf, rows0, rows1, sem0, sem1, dsem):
    c = lax.axis_index("c")
    s = lax.axis_index("s")
    zero16 = jnp.zeros((16,), jnp.float32)
    bufs = (rows0, rows1)
    sems = (sem0, sem1)

    def per_graph(g, carry):
        base = s * _RPTA
        def zr(i, _):
            for j in range(8):
                rows0[i, pl.ds(j * 16, 16)] = zero16
            return 0
        lax.fori_loop(0, 128, zr, 0)
        for k in range(4):
            pltpu.sync_copy(rows0, acc_sp.at[pl.ds(base + k * 128, 128)])
        pltpu.sync_copy(rows0.at[pl.ds(0, _RPTA - 512)],
                        acc_sp.at[pl.ds(base + 512, _RPTA - 512)])
        ebase = g * _EPAD + s * (2 * _EPW) + jnp.where(c == 0, 0, _NB0 * _EB)
        srcd = pltpu.async_copy(src_hbm.at[pl.ds(ebase, _NB0 * _EB)],
                                srcbuf, dsem)
        dstds = [
            pltpu.async_copy(dst_hbm.at[pl.ds(ebase + b * _EB, _EB)],
                             dstbuf.at[b], dsem)
            for b in range(_NB0)
        ]
        srcd.wait()
        for d in dstds:
            d.wait()
        plsc.subcore_barrier()

        def _issue(b):
            buf = bufs[b % 2]
            sem = sems[b % 2]
            return (
                pltpu.async_copy(xp_hbm.at[srcbuf.at[pl.ds(b * _EB, 64)]],
                                 buf.at[pl.ds(0, 64)], sem),
                pltpu.async_copy(xp_hbm.at[srcbuf.at[pl.ds(b * _EB + 64, 64)]],
                                 buf.at[pl.ds(64, 64)], sem),
            )

        def _pipeline(n):
            cur = _issue(0)
            for b in range(n):
                nxt = _issue(b + 1) if b + 1 < n else None
                cur[0].wait()
                cur[1].wait()
                pltpu.sync_copy(bufs[b % 2], acc_sp.at[dstbuf.at[b]],
                                add=True)
                cur = nxt

        @pl.when(c == 0)
        def _():
            _pipeline(_NB0)

        @pl.when(c == 1)
        def _():
            _pipeline(_NB1)
        plsc.subcore_barrier()

        ob = (g * 2 + c) * _NP + base
        for k in range(4):
            pltpu.sync_copy(acc_sp.at[pl.ds(base + k * 128, 128)], rows0)
            pltpu.sync_copy(rows0, out_hbm.at[pl.ds(ob + k * 128, 128)])
        pltpu.sync_copy(acc_sp.at[pl.ds(base + 512, _RPTA - 512)],
                        rows0.at[pl.ds(0, _RPTA - 512)])
        pltpu.sync_copy(rows0.at[pl.ds(0, _RPTA - 512)],
                        out_hbm.at[pl.ds(ob + 512, _RPTA - 512)])
        plsc.subcore_barrier()
        return 0

    lax.fori_loop(0, _BT, per_graph, 0)


@jax.jit
def _sc_agg(src_flat, dst_flat, xp_flat):
    fn = pl.kernel(
        _sc_agg_body,
        out_type=jax.ShapeDtypeStruct((_BT * 2 * _NP, _F), jnp.float32),
        mesh=plsc.VectorSubcoreMesh(core_axis_name="c", subcore_axis_name="s",
                                    num_cores=_NC, num_subcores=_NS),
        scratch_types=[
            pltpu.VMEM_SHARED((_NACC, _F), jnp.float32),
            pltpu.VMEM((_NB0 * _EB,), jnp.int32),
            pltpu.VMEM((_NB0, _EB), jnp.int32),
            pltpu.VMEM((128, _F), jnp.float32),
            pltpu.VMEM((128, _F), jnp.float32),
            pltpu.SemaphoreType.DMA,
            pltpu.SemaphoreType.DMA,
            pltpu.SemaphoreType.DMA,
        ],
    )
    return fn(src_flat, dst_flat, xp_flat)


def _dinv_block(degp_ref):
    return lax.rsqrt(degp_ref[0, 0, 0, :] + degp_ref[0, 0, 1, :] + 1.0)


def _tc_prep_body(degp_ref, x_ref, out_ref):
    dv = _dinv_block(degp_ref)
    out_ref[0] = x_ref[0] * dv[:, None]


def _tc_layer_body(degp_ref, raw_ref, xp_ref, w_ref, b_ref, out_ref):
    dv = _dinv_block(degp_ref)
    t = (raw_ref[0, 0] + raw_ref[0, 1] + xp_ref[0]) * dv[:, None]
    h = jnp.dot(t, w_ref[...], preferred_element_type=jnp.float32) + b_ref[...]
    h = jnp.maximum(h, 0.0)
    out_ref[0] = h * dv[:, None]


def _tc_pool_body(degp_ref, raw_ref, xp_ref, w_ref, b_ref, out_ref):
    i = pl.program_id(1)
    dv = _dinv_block(degp_ref)
    t = (raw_ref[0, 0] + raw_ref[0, 1] + xp_ref[0]) * dv[:, None]
    h = jnp.dot(t, w_ref[...], preferred_element_type=jnp.float32) + b_ref[...]
    h = jnp.maximum(h, 0.0)
    rowid = i * _RBLK + lax.broadcasted_iota(jnp.int32, (_RBLK, 1), 0)
    h = jnp.where(rowid < _N, h, 0.0)
    part = jnp.sum(h, axis=0, keepdims=True) * (1.0 / _N)

    @pl.when(i == 0)
    def _():
        out_ref[0] = part

    @pl.when(i > 0)
    def _():
        out_ref[0] = out_ref[0] + part


def _tc_lstm_body(seq_ref, wih_ref, whh_ref, bi_ref, bh_ref, fw_ref, fb_ref,
                  out_ref):
    h = jnp.zeros((_B, _F), jnp.float32)
    cc = jnp.zeros((_B, _F), jnp.float32)
    for t in range(_T):
        xt = seq_ref[t]
        gates = (jnp.dot(xt, wih_ref[...], preferred_element_type=jnp.float32)
                 + jnp.dot(h, whh_ref[...], preferred_element_type=jnp.float32)
                 + bi_ref[...] + bh_ref[...])
        ig = jax.nn.sigmoid(gates[:, 0:_F])
        fg = jax.nn.sigmoid(gates[:, _F:2 * _F])
        gg = jnp.tanh(gates[:, 2 * _F:3 * _F])
        og = jax.nn.sigmoid(gates[:, 3 * _F:4 * _F])
        cc = fg * cc + ig * gg
        h = og * jnp.tanh(cc)
    out_ref[...] = jax.nn.sigmoid(
        jnp.dot(h, fw_ref[...], preferred_element_type=jnp.float32)
        + fb_ref[...])


def _tc_prep(degp, xpad):
    return pl.pallas_call(
        _tc_prep_body,
        grid=(_BT, _NBLK),
        in_specs=[
            pl.BlockSpec((1, 1, 2, _RBLK), lambda g, i: (g, i, 0, 0)),
            pl.BlockSpec((1, _RBLK, _F), lambda g, i: (g, i, 0)),
        ],
        out_specs=pl.BlockSpec((1, _RBLK, _F), lambda g, i: (g, i, 0)),
        out_shape=jax.ShapeDtypeStruct((_BT, _NP, _F), jnp.float32),
    )(degp, xpad)


def _tc_layer(degp, raw, xp, w, b):
    return pl.pallas_call(
        _tc_layer_body,
        grid=(_BT, _NBLK),
        in_specs=[
            pl.BlockSpec((1, 1, 2, _RBLK), lambda g, i: (g, i, 0, 0)),
            pl.BlockSpec((1, 2, _RBLK, _F), lambda g, i: (g, 0, i, 0)),
            pl.BlockSpec((1, _RBLK, _F), lambda g, i: (g, i, 0)),
            pl.BlockSpec((_F, _F), lambda g, i: (0, 0)),
            pl.BlockSpec((1, _F), lambda g, i: (0, 0)),
        ],
        out_specs=pl.BlockSpec((1, _RBLK, _F), lambda g, i: (g, i, 0)),
        out_shape=jax.ShapeDtypeStruct((_BT, _NP, _F), jnp.float32),
    )(degp, raw, xp, w, b)


def _tc_pool(degp, raw, xp, w, b):
    return pl.pallas_call(
        _tc_pool_body,
        grid=(_BT, _NBLK),
        in_specs=[
            pl.BlockSpec((1, 1, 2, _RBLK), lambda g, i: (g, i, 0, 0)),
            pl.BlockSpec((1, 2, _RBLK, _F), lambda g, i: (g, 0, i, 0)),
            pl.BlockSpec((1, _RBLK, _F), lambda g, i: (g, i, 0)),
            pl.BlockSpec((_F, _F), lambda g, i: (0, 0)),
            pl.BlockSpec((1, _F), lambda g, i: (0, 0)),
        ],
        out_specs=pl.BlockSpec((1, 1, _F), lambda g, i: (g, 0, 0)),
        out_shape=jax.ShapeDtypeStruct((_BT, 1, _F), jnp.float32),
    )(degp, raw, xp, w, b)


def _tc_lstm(seq, wih_t, whh_t, bi, bh, fw_t, fb):
    return pl.pallas_call(
        _tc_lstm_body,
        out_shape=jax.ShapeDtypeStruct((_B, 1), jnp.float32),
    )(seq, wih_t, whh_t, bi, bh, fw_t, fb)


def kernel(x, edge_index, W1, b1, W2, b2, W_ih, W_hh, b_ih, b_hh, fc_w, fc_b):
    ei = edge_index.reshape(_BT, 2, _E)
    src = ei[:, 0, :]
    dst = ei[:, 1, :]
    src_p = jnp.pad(src, ((0, 0), (0, _EPAD - _E)))
    dst_p = jnp.pad(dst, ((0, 0), (0, _EPAD - _E)), constant_values=_N)
    src_g = (src_p + (jnp.arange(_BT, dtype=jnp.int32) * _NP)[:, None]).reshape(-1)
    src_g = jnp.pad(src_g, (0, _NB0 * _EB))
    dst_f = jnp.pad(dst_p.reshape(-1), (0, _NB0 * _EB), constant_values=_N)

    xpad = jnp.pad(x.reshape(_BT, _N, _F), ((0, 0), (0, _NP - _N), (0, 0)))

    degf = _sc_deg(dst_f[:_BT * _EPAD])
    degp = degf.reshape(_BT, 2, _NBLK, _RBLK).transpose(0, 2, 1, 3)

    xp = _tc_prep(degp, xpad)
    raw1 = _sc_agg(src_g, dst_f, xp.reshape(_BT * _NP, _F))
    x2p = _tc_layer(degp, raw1.reshape(_BT, 2, _NP, _F), xp, W1,
                    b1.reshape(1, _F))

    raw2 = _sc_agg(src_g, dst_f, x2p.reshape(_BT * _NP, _F))
    emb = _tc_pool(degp, raw2.reshape(_BT, 2, _NP, _F), x2p, W2,
                   b2.reshape(1, _F))

    seq = emb.reshape(_B, _T, _F).transpose(1, 0, 2)
    out = _tc_lstm(seq, W_ih.T, W_hh.T, b_ih.reshape(1, 4 * _F),
                   b_hh.reshape(1, 4 * _F), fc_w.T, fc_b.reshape(1, 1))
    return out

# --- scband reference (transcript-rebuilt; emitter-appended) ---
"""Pipeline reference for scband-gnn-lstm-model-1340029796416 (READ-ONLY COPY).

The authoritative reference and input builder live on the scoring server;
editing this copy changes nothing except your own understanding.
"""

import jax, jax.numpy as jnp
import numpy as np


def _gcn_layer(x, src, dst, W, b):
    # Faithful GCNConv: add self-loops, symmetric normalization D^-1/2 (A+I) D^-1/2,
    # linear transform then scatter-add aggregation.
    N = x.shape[0]
    loop = jnp.arange(N, dtype=src.dtype)
    src2 = jnp.concatenate([src, loop])
    dst2 = jnp.concatenate([dst, loop])
    deg = jax.ops.segment_sum(jnp.ones(src2.shape[0], dtype=x.dtype), dst2, num_segments=N)
    dinv = jnp.where(deg > 0, jax.lax.rsqrt(jnp.maximum(deg, 1e-12)), 0.0)
    norm = dinv[src2] * dinv[dst2]
    h = x @ W
    msg = h[src2] * norm[:, None]
    out = jax.ops.segment_sum(msg, dst2, num_segments=N) + b
    return out


def _graph_embed(x, edges, W1, b1, W2, b2):
    src, dst = edges[0], edges[1]
    h = jax.nn.relu(_gcn_layer(x, src, dst, W1, b1))
    h = jax.nn.relu(_gcn_layer(h, src, dst, W2, b2))
    # global_mean_pool with a single graph per batch == mean over nodes
    return h.mean(axis=0)


def _lstm_last(seq, W_ih, W_hh, b_ih, b_hh):
    # PyTorch LSTM, single layer, batch_first; gate order i, f, g, o.
    B = seq.shape[0]
    H = W_hh.shape[1]
    def step(carry, xt):
        h, c = carry
        gates = xt @ W_ih.T + b_ih + h @ W_hh.T + b_hh
        i, f, g, o = jnp.split(gates, 4, axis=-1)
        i = jax.nn.sigmoid(i)
        f = jax.nn.sigmoid(f)
        g = jnp.tanh(g)
        o = jax.nn.sigmoid(o)
        c = f * c + i * g
        h = o * jnp.tanh(c)
        return (h, c), h
    init = (jnp.zeros((B, H), seq.dtype), jnp.zeros((B, H), seq.dtype))
    _, hs = jax.lax.scan(step, init, jnp.swapaxes(seq, 0, 1))
    return hs[-1]


def setup_inputs(seed: int = 0) -> dict:
    key = jax.random.key(seed)
    ks = jax.random.split(key, 12)
    B, T, N, E = 4, 4, 10000, 160000
    F, G, L, O = 128, 128, 128, 1
    x = jax.random.normal(ks[0], (B, T, N, F), dtype=jnp.float32)
    edge_index = jax.random.randint(ks[1], (B, T, 2, E), 0, N, dtype=jnp.int32)
    W1 = jax.random.normal(ks[2], (F, G), dtype=jnp.float32) * (1.0 / np.sqrt(F))
    b1 = jnp.zeros((G,), dtype=jnp.float32)
    W2 = jax.random.normal(ks[3], (G, G), dtype=jnp.float32) * (1.0 / np.sqrt(G))
    b2 = jnp.zeros((G,), dtype=jnp.float32)
    W_ih = jax.random.normal(ks[4], (4 * L, G), dtype=jnp.float32) * (1.0 / np.sqrt(G))
    W_hh = jax.random.normal(ks[5], (4 * L, L), dtype=jnp.float32) * (1.0 / np.sqrt(L))
    b_ih = jnp.zeros((4 * L,), dtype=jnp.float32)
    b_hh = jnp.zeros((4 * L,), dtype=jnp.float32)
    fc_w = jax.random.normal(ks[6], (O, L), dtype=jnp.float32) * (1.0 / np.sqrt(L))
    fc_b = jnp.zeros((O,), dtype=jnp.float32)
    return {"x": x, "edge_index": edge_index, "W1": W1, "b1": b1, "W2": W2, "b2": b2,
            "W_ih": W_ih, "W_hh": W_hh, "b_ih": b_ih, "b_hh": b_hh, "fc_w": fc_w, "fc_b": fc_b}


def reference(x, edge_index, W1, b1, W2, b2, W_ih, W_hh, b_ih, b_hh, fc_w, fc_b):
    B, T, N, F = x.shape
    xf = x.reshape(B * T, N, F)
    ef = edge_index.reshape(B * T, 2, -1)
    emb = jax.vmap(_graph_embed, in_axes=(0, 0, None, None, None, None))(xf, ef, W1, b1, W2, b2)
    emb = emb.reshape(B, T, -1)
    last = _lstm_last(emb, W_ih, W_hh, b_ih, b_hh)
    out = jax.nn.sigmoid(last @ fc_w.T + fc_b)
    return out

if __name__ == "__main__":
    import jax
    _d = setup_inputs()
    print(jax.jit(kernel)(*tuple(_d.values())))

</pallas_src>

<mosaic_0001>
#map = affine_map<(d0, d1) -> (0)>
module attributes {stable_mosaic.version = 14 : i64} {
  func.func @_sc_deg_body(%arg0: i32, %arg1: i32, %arg2: memref<2621440xi32, #tpu.memory_space<hbm>>, %arg3: memref<327680xf32, #tpu.memory_space<hbm>>, %arg4: memref<10240xf32, #tpu.memory_space<vmem_shared>>, %arg5: memref<40x128xi32, #tpu.memory_space<vmem>>, %arg6: memref<128xf32, #tpu.memory_space<vmem>>, %arg7: memref<640xf32, #tpu.memory_space<vmem>>, %arg8: memref<640xf32, #tpu.memory_space<vmem>>, %arg9: memref<!tpu.dma_semaphore, #tpu.memory_space<semaphore_mem>>) attributes {dimension_semantics = [#tpu.dimension_semantics<core_parallel>, #tpu.dimension_semantics<subcore_parallel>], iteration_bounds = array<i64: 2, 16>, scalar_prefetch = 0 : i64, scratch_operands = 6 : i64, tpu.core_type = #tpu.core_type<sc_vector_subcore>, window_params = [{transform_indices = #map}, {transform_indices = #map}]} {
    %mul3A = arith.constant 2 : i32
    %mul3A_0 = arith.muli %arg1, %mul3A : i32
    %add3A = arith.addi %mul3A_0, %arg0 : i32
    %broadcast_in_dim3A = arith.constant 0.000000e+00 : f32
    %broadcast_in_dim3A_1 = vector.broadcast %broadcast_in_dim3A : f32 to vector<16xf32>
    %broadcast_in_dim3A_2 = arith.constant 1.000000e+00 : f32
    %broadcast_in_dim3A_3 = vector.broadcast %broadcast_in_dim3A_2 : f32 to vector<16xf32>
    %scan3A = arith.constant 0 : i32
    %scan3A_4 = arith.constant 0 : i32
    %scan3A_5 = arith.constant 40 : i32
    %scan3A_6 = arith.addi %scan3A_4, %scan3A_5 : i32
    %scan3A_7 = arith.constant 1 : i32
    %scan3A_8 = scf.for %scan3A_24 = %scan3A_4 to %scan3A_6 step %scan3A_7 iter_args(%scan3A_25 = %scan3A) -> (i32)  : i32 {
      %mul3A_26 = arith.constant 16 : i32
      %mul3A_27 = arith.muli %scan3A_24, %mul3A_26 : i32
      %swap3A = arith.index_cast %mul3A_27 : i32 to index
      %swap3A_28 = tpu.vector_load %arg7[%swap3A] {strides = array<i32>} : memref<640xf32, #tpu.memory_space<vmem>>, vector<16xf32>,
      %swap3A_29 = vector.shape_cast %swap3A_28 : vector<16xf32> to vector<16xf32>
      %swap3A_30 = vector.shape_cast %broadcast_in_dim3A_1 : vector<16xf32> to vector<16xf32>
      tpu.vector_store %arg7[%swap3A], %swap3A_30 {strides = array<i32>} : memref<640xf32, #tpu.memory_space<vmem>>, vector<16xf32>,
      %scan3A_31 = arith.constant 0 : i32
      scf.yield %scan3A_31 : i32
    }
    %scan3A_9 = arith.constant 40 : i32
    %scan3A_10 = arith.constant 0 : i32
    %scan3A_11 = arith.constant 0 : i32
    %scan3A_12 = arith.constant 8 : i32
    %scan3A_13 = arith.addi %scan3A_11, %scan3A_12 : i32
    %scan3A_14 = arith.constant 1 : i32
    %scan3A_15 = scf.for %scan3A_24 = %scan3A_11 to %scan3A_13 step %scan3A_14 iter_args(%scan3A_25 = %scan3A_10) -> (i32)  : i32 {
      %mul3A_26 = arith.constant 16 : i32
      %mul3A_27 = arith.muli %scan3A_24, %mul3A_26 : i32
      %swap3A = arith.index_cast %mul3A_27 : i32 to index
      %swap3A_28 = tpu.vector_load %arg6[%swap3A] {strides = array<i32>} : memref<128xf32, #tpu.memory_space<vmem>>, vector<16xf32>,
      %swap3A_29 = vector.shape_cast %swap3A_28 : vector<16xf32> to vector<16xf32>
      %swap3A_30 = vector.shape_cast %broadcast_in_dim3A_3 : vector<16xf32> to vector<16xf32>
      tpu.vector_store %arg6[%swap3A], %swap3A_30 {strides = array<i32>} : memref<128xf32, #tpu.memory_space<vmem>>, vector<16xf32>,
      %scan3A_31 = arith.constant 0 : i32
      scf.yield %scan3A_31 : i32
    }
    %scan3A_16 = arith.constant 8 : i32
    %scan3A_17 = arith.constant 0 : i32
    %scan3A_18 = arith.constant 0 : i32
    %scan3A_19 = arith.constant 16 : i32
    %scan3A_20 = arith.addi %scan3A_18, %scan3A_19 : i32
    %scan3A_21 = arith.constant 1 : i32
    %scan3A_22 = scf.for %scan3A_24 = %scan3A_18 to %scan3A_20 step %scan3A_21 iter_args(%scan3A_25 = %scan3A_17) -> (i32)  : i32 {
      %mul3A_26 = arith.constant 640 : i32
      %mul3A_27 = arith.muli %arg1, %mul3A_26 : i32
      "tpu.region"() ({
        %run_scoped3A_883 = tpu.sem_alloc : memref<!tpu.dma_semaphore, #tpu.memory_space<semaphore_mem>>
        %dma_start3A_884 = tpu.memref_slice %arg4[%mul3A_27] : memref<10240xf32, #tpu.memory_space<vmem_shared>> -> memref<640xf32, #tpu.memory_space<vmem_shared>>
        %dma_start3A_885 = tpu.memref_slice %arg4[%mul3A_27] : memref<10240xf32, #tpu.memory_space<vmem_shared>> -> memref<640xf32, #tpu.memory_space<vmem_shared>>
        tpu.enqueue_dma source(%arg7 : memref<640xf32, #tpu.memory_space<vmem>>) target(%dma_start3A_885 : memref<640xf32, #tpu.memory_space<vmem_shared>>) target_semaphore(%run_scoped3A_883 : memref<!tpu.dma_semaphore, #tpu.memory_space<semaphore_mem>>)
        %dma_wait3A_886 = tpu.memref_slice %arg4[%mul3A_27] : memref<10240xf32, #tpu.memory_space<vmem_shared>> -> memref<640xf32, #tpu.memory_space<vmem_shared>>
        %dma_wait3A_887 = tpu.memref_slice %arg4[%mul3A_27] : memref<10240xf32, #tpu.memory_space<vmem_shared>> -> memref<640xf32, #tpu.memory_space<vmem_shared>>
        tpu.wait_dma2 semaphore(%run_scoped3A_883 : memref<!tpu.dma_semaphore, #tpu.memory_space<semaphore_mem>>) src(%arg7 : memref<640xf32, #tpu.memory_space<vmem>>) dst(%dma_wait3A_887 : memref<640xf32, #tpu.memory_space<vmem_shared>>)
        tpu.yield
      }) : () -> ()
      %mul3A_28 = arith.constant 163840 : i32
      %mul3A_29 = arith.muli %scan3A_24, %mul3A_28 : i32
      %mul3A_30 = arith.constant 5120 : i32
      %mul3A_31 = arith.muli %add3A, %mul3A_30 : i32
      %add3A_32 = arith.addi %mul3A_29, %mul3A_31 : i32
      %add3A_33 = arith.constant 0 : i32
      %add3A_34 = arith.addi %add3A_32, %add3A_33 : i32
      %dma_start3A = arith.constant 0 : i32
      %dma_start3A_35 = arith.constant 0 : i32
      %dma_start3A_36 = tpu.memref_slice %arg5[%dma_start3A, %dma_start3A_35] : memref<40x128xi32, #tpu.memory_space<vmem>> -> memref<1x128xi32, #tpu.memory_space<vmem>>
      %dma_start3A_37 = tpu.memref_squeeze %dma_start3A_36 : memref<1x128xi32, #tpu.memory_space<vmem>> -> memref<128xi32, #tpu.memory_space<vmem>>
      %dma_start3A_38 = tpu.memref_slice %arg2[%add3A_34] : memref<2621440xi32, #tpu.memory_space<hbm>> -> memref<128xi32, #tpu.memory_space<hbm>>
      %dma_start3A_39 = arith.constant 0 : i32
      %dma_start3A_40 = tpu.memref_slice %arg5[%dma_start3A, %dma_start3A_39] : memref<40x128xi32, #tpu.memory_space<vmem>> -> memref<1x128xi32, #tpu.memory_space<vmem>>
      %dma_start3A_41 = tpu.memref_squeeze %dma_start3A_40 : memref<1x128xi32, #tpu.memory_space<vmem>> -> memref<128xi32, #tpu.memory_space<vmem>>
      %dma_start3A_42 = tpu.memref_slice %arg2[%add3A_34] : memref<2621440xi32, #tpu.memory_space<hbm>> -> memref<128xi32, #tpu.memory_space<hbm>>
      tpu.enqueue_dma source(%dma_start3A_42 : memref<128xi32, #tpu.memory_space<hbm>>) target(%dma_start3A_41 : memref<128xi32, #tpu.memory_space<vmem>>) target_semaphore(%arg9 : memref<!tpu.dma_semaphore, #tpu.memory_space<semaphore_mem>>)
      %add3A_43 = arith.constant 128 : i32
      %add3A_44 = arith.addi %add3A_32, %add3A_43 : i32
      %dma_start3A_45 = arith.constant 1 : i32
      %dma_start3A_46 = arith.constant 0 : i32
      %dma_start3A_47 = tpu.memref_slice %arg5[%dma_start3A_45, %dma_start3A_46] : memref<40x128xi32, #tpu.memory_space<vmem>> -> memref<1x128xi32, #tpu.memory_space<vmem>>
      %dma_start3A_48 = tpu.memref_squeeze %dma_start3A_47 : memref<1x128xi32, #tpu.memory_space<vmem>> -> memref<128xi32, #tpu.memory_space<vmem>>
      %dma_start3A_49 = tpu.memref_slice %arg2[%add3A_44] : memref<2621440xi32, #tpu.memory_space<hbm>> -> memref<128xi32, #tpu.memory_space<hbm>>
      %dma_start3A_50 = arith.constant 0 : i32
      %dma_start3A_51 = tpu.memref_slice %arg5[%dma_start3A_45, %dma_start3A_50] : memref<40x128xi32, #tpu.memory_space<vmem>> -> memref<1x128xi32, #tpu.memory_space<vmem>>
      %dma_start3A_52 = tpu.memref_squeeze %dma_start3A_51 : memref<1x128xi32, #tpu.memory_space<vmem>> -> memref<128xi32, #tpu.memory_space<vmem>>
      %dma_start3A_53 = tpu.memref_slice %arg2[%add3A_44] : memref<2621440xi32, #tpu.memory_space<hbm>> -> memref<128xi32, #tpu.memory_space<hbm>>
      tpu.enqueue_dma source(%dma_start3A_53 : memref<128xi32, #tpu.memory_space<hbm>>) target(%dma_start3A_52 : memref<128xi32, #tpu.memory_space<vmem>>) target_semaphore(%arg9 : memref<!tpu.dma_semaphore, #tpu.memory_space<semaphore_mem>>)
      %add3A_54 = arith.constant 256 : i32
      %add3A_55 = arith.addi %add3A_32, %add3A_54 : i32
      %dma_start3A_56 = arith.constant 2 : i32
      %dma_start3A_57 = arith.constant 0 : i32
      %dma_start3A_58 = tpu.memref_slice %arg5[%dma_start3A_56, %dma_start3A_57] : memref<40x128xi32, #tpu.memory_space<vmem>> -> memref<1x128xi32, #tpu.memory_space<vmem>>
      %dma_start3A_59 = tpu.memref_squeeze %dma_start3A_58 : memref<1x128xi32, #tpu.memory_space<vmem>> -> memref<128xi32, #tpu.memory_space<vmem>>
      %dma_start3A_60 = tpu.memref_slice %arg2[%add3A_55] : memref<2621440xi32, #tpu.memory_space<hbm>> -> memref<128xi32, #tpu.memory_space<hbm>>
      %dma_start3A_61 = arith.constant 0 : i32
      %dma_start3A_62 = tpu.memref_slice %arg5[%dma_start3A_56, %dma_start3A_61] : memref<40x128xi32, #tpu.memory_space<vmem>> -> memref<1x128xi32, #tpu.memory_space<vmem>>
      %dma_start3A_63 = tpu.memref_squeeze %dma_start3A_62 : memref<1x128xi32, #tpu.memory_space<vmem>> -> memref<128xi32, #tpu.memory_space<vmem>>
      %dma_start3A_64 = tpu.memref_slice %arg2[%add3A_55] : memref<2621440xi32, #tpu.memory_space<hbm>> -> memref<128xi32, #tpu.memory_space<hbm>>
      tpu.enqueue_dma source(%dma_start3A_64 : memref<128xi32, #tpu.memory_space<hbm>>) target(%dma_start3A_63 : memref<128xi32, #tpu.memory_space<vmem>>) target_semaphore(%arg9 : memref<!tpu.dma_semaphore, #tpu.memory_space<semaphore_mem>>)
      %add3A_65 = arith.constant 384 : i32
      %add3A_66 = arith.addi %add3A_32, %add3A_65 : i32
      %dma_start3A_67 = arith.constant 3 : i32
      %dma_start3A_68 = arith.constant 0 : i32
      %dma_start3A_69 = tpu.memref_slice %arg5[%dma_start3A_67, %dma_start3A_68] : memref<40x128xi32, #tpu.memory_space<vmem>> -> memref<1x128xi32, #tpu.memory_space<vmem>>
      %dma_start3A_70 = tpu.memref_squeeze %dma_start3A_69 : memref<1x128xi32, #tpu.memory_space<vmem>> -> memref<128xi32, #tpu.memory_space<vmem>>
      %dma_start3A_71 = tpu.memref_slice %arg2[%add3A_66] : memref<2621440xi32, #tpu.memory_space<hbm>> -> memref<128xi32, #tpu.memory_space<hbm>>
      %dma_start3A_72 = arith.constant 0 : i32
      %dma_start3A_73 = tpu.memref_slice %arg5[%dma_start3A_67, %dma_start3A_72] : memref<40x128xi32, #tpu.memory_space<vmem>> -> memref<1x128xi32, #tpu.memory_space<vmem>>
      %dma_start3A_74 = tpu.memref_squeeze %dma_start3A_73 : memref<1x128xi32, #tpu.memory_space<vmem>> -> memref<128xi32, #tpu.memory_space<vmem>>
      %dma_start3A_75 = tpu.memref_slice %arg2[%add3A_66] : memref<2621440xi32, #tpu.memory_space<hbm>> -> memref<128xi32, #tpu.memory_space<hbm>>
      tpu.enqueue_dma source(%dma_start3A_75 : memref<128xi32, #tpu.memory_space<hbm>>) target(%dma_start3A_74 : memref<128xi32, #tpu.memory_space<vmem>>) target_semaphore(%arg9 : memref<!tpu.dma_semaphore, #tpu.memory_space<semaphore_mem>>)
      %add3A_76 = arith.constant 512 : i32
      %add3A_77 = arith.addi %add3A_32, %add3A_76 : i32
      %dma_start3A_78 = arith.constant 4 : i32
      %dma_start3A_79 = arith.constant 0 : i32
      %dma_start3A_80 = tpu.memref_slice %arg5[%dma_start3A_78, %dma_start3A_79] : memref<40x128xi32, #tpu.memory_space<vmem>> -> memref<1x128xi32, #tpu.memory_space<vmem>>
      %dma_start3A_81 = tpu.memref_squeeze %dma_start3A_80 : memref<1x128xi32, #tpu.memory_space<vmem>> -> memref<128xi32, #tpu.memory_space<vmem>>
      %dma_start3A_82 = tpu.memref_slice %arg2[%add3A_77] : memref<2621440xi32, #tpu.memory_space<hbm>> -> memref<128xi32, #tpu.memory_space<hbm>>
      %dma_start3A_83 = arith.constant 0 : i32
      %dma_start3A_84 = tpu.memref_slice %arg5[%dma_start3A_78, %dma_start3A_83] : memref<40x128xi32, #tpu.memory_space<vmem>> -> memref<1x128xi32, #tpu.memory_space<vmem>>
      %dma_start3A_85 = tpu.memref_squeeze %dma_start3A_84 : memref<1x128xi32, #tpu.memory_space<vmem>> -> memref<128xi32, #tpu.memory_space<vmem>>
      %dma_start3A_86 = tpu.memref_slice %arg2[%add3A_77] : memref<2621440xi32, #tpu.memory_space<hbm>> -> memref<128xi32, #tpu.memory_space<hbm>>
      tpu.enqueue_dma source(%dma_start3A_86 : memref<128xi32, #tpu.memory_space<hbm>>) target(%dma_start3A_85 : memref<128xi32, #tpu.memory_space<vmem>>) target_semaphore(%arg9 : memref<!tpu.dma_semaphore, #tpu.memory_space<semaphore_mem>>)
      %add3A_87 = arith.constant 640 : i32
      %add3A_88 = arith.addi %add3A_32, %add3A_87 : i32
      %dma_start3A_89 = arith.constant 5 : i32
      %dma_start3A_90 = arith.constant 0 : i32
      %dma_start3A_91 = tpu.memref_slice %arg5[%dma_start3A_89, %dma_start3A_90] : memref<40x128xi32, #tpu.memory_space<vmem>> -> memref<1x128xi32, #tpu.memory_space<vmem>>
      %dma_start3A_92 = tpu.memref_squeeze %dma_start3A_91 : memref<1x128xi32, #tpu.memory_space<vmem>> -> memref<128xi32, #tpu.memory_space<vmem>>
      %dma_start3A_93 = tpu.memref_slice %arg2[%add3A_88] : memref<2621440xi32, #tpu.memory_space<hbm>> -> memref<128xi32, #tpu.memory_space<hbm>>
      %dma_start3A_94 = arith.constant 0 : i32
      %dma_start3A_95 = tpu.memref_slice %arg5[%dma_start3A_89, %dma_start3A_94] : memref<40x128xi32, #tpu.memory_space<vmem>> -> memref<1x128xi32, #tpu.memory_space<vmem>>
      %dma_start3A_96 = tpu.memref_squeeze %dma_start3A_95 : memref<1x128xi32, #tpu.memory_space<vmem>> -> memref<128xi32, #tpu.memory_space<vmem>>
      %dma_start3A_97 = tpu.memref_slice %arg2[%add3A_88] : memref<2621440xi32, #tpu.memory_space<hbm>> -> memref<128xi32, #tpu.memory_space<hbm>>
      tpu.enqueue_dma source(%dma_start3A_97 : memref<128xi32, #tpu.memory_space<hbm>>) target(%dma_start3A_96 : memref<128xi32, #tpu.memory_space<vmem>>) target_semaphore(%arg9 : memref<!tpu.dma_semaphore, #tpu.memory_space<semaphore_mem>>)
      %add3A_98 = arith.constant 768 : i32
      %add3A_99 = arith.addi %add3A_32, %add3A_98 : i32
      %dma_start3A_100 = arith.constant 6 : i32
      %dma_start3A_101 = arith.constant 0 : i32
      %dma_start3A_102 = tpu.memref_slice %arg5[%dma_start3A_100, %dma_start3A_101] : memref<40x128xi32, #tpu.memory_space<vmem>> -> memref<1x128xi32, #tpu.memory_space<vmem>>
      %dma_start3A_103 = tpu.memref_squeeze %dma_start3A_102 : memref<1x128xi32, #tpu.memory_space<vmem>> -> memref<128xi32, #tpu.memory_space<vmem>>
      %dma_start3A_104 = tpu.memref_slice %arg2[%add3A_99] : memref<2621440xi32, #tpu.memory_space<hbm>> -> memref<128xi32, #tpu.memory_space<hbm>>
      %dma_start3A_105 = arith.constant 0 : i32
      %dma_start3A_106 = tpu.memref_slice %arg5[%dma_start3A_100, %dma_start3A_105] : memref<40x128xi32, #tpu.memory_space<vmem>> -> memref<1x128xi32, #tpu.memory_space<vmem>>
      %dma_start3A_107 = tpu.memref_squeeze %dma_start3A_106 : memref<1x128xi32, #tpu.memory_space<vmem>> -> memref<128xi32, #tpu.memory_space<vmem>>
      %dma_start3A_108 = tpu.memref_slice %arg2[%add3A_99] : memref<2621440xi32, #tpu.memory_space<hbm>> -> memref<128xi32, #tpu.memory_space<hbm>>
      tpu.enqueue_dma source(%dma_start3A_108 : memref<128xi32, #tpu.memory_space<hbm>>) target(%dma_start3A_107 : memref<128xi32, #tpu.memory_space<vmem>>) target_semaphore(%arg9 : memref<!tpu.dma_semaphore, #tpu.memory_space<semaphore_mem>>)
      %add3A_109 = arith.constant 896 : i32
      %add3A_110 = arith.addi %add3A_32, %add3A_109 : i32
      %dma_start3A_111 = arith.constant 7 : i32
      %dma_start3A_112 = arith.constant 0 : i32
      %dma_start3A_113 = tpu.memref_slice %arg5[%dma_start3A_111, %dma_start3A_112] : memref<40x128xi32, #tpu.memory_space<vmem>> -> memref<1x128xi32, #tpu.memory_space<vmem>>
      %dma_start3A_114 = tpu.memref_squeeze %dma_start3A_113 : memref<1x128xi32, #tpu.memory_space<vmem>> -> memref<128xi32, #tpu.memory_space<vmem>>
      %dma_start3A_115 = tpu.memref_slice %arg2[%add3A_110] : memref<2621440xi32, #tpu.memory_space<hbm>> -> memref<128xi32, #tpu.memory_space<hbm>>
      %dma_start3A_116 = arith.constant 0 : i32
      %dma_start3A_117 = tpu.memref_slice %arg5[%dma_start3A_111, %dma_start3A_116] : memref<40x128xi32, #tpu.memory_space<vmem>> -> memref<1x128xi32, #tpu.memory_space<vmem>>
      %dma_start3A_118 = tpu.memref_squeeze %dma_start3A_117 : memref<1x128xi32, #tpu.memory_space<vmem>> -> memref<128xi32, #tpu.memory_space<vmem>>
      %dma_start3A_119 = tpu.memref_slice %arg2[%add3A_110] : memref<2621440xi32, #tpu.memory_space<hbm>> -> memref<128xi32, #tpu.memory_space<hbm>>
      tpu.enqueue_dma source(%dma_start3A_119 : memref<128xi32, #tpu.memory_space<hbm>>) target(%dma_start3A_118 : memref<128xi32, #tpu.memory_space<vmem>>) target_semaphore(%arg9 : memref<!tpu.dma_semaphore, #tpu.memory_space<semaphore_mem>>)
      %add3A_120 = arith.constant 1024 : i32
      %add3A_121 = arith.addi %add3A_32, %add3A_120 : i32
      %dma_start3A_122 = arith.constant 8 : i32
      %dma_start3A_123 = arith.constant 0 : i32
      %dma_start3A_124 = tpu.memref_slice %arg5[%dma_start3A_122, %dma_start3A_123] : memref<40x128xi32, #tpu.memory_space<vmem>> -> memref<1x128xi32, #tpu.memory_space<vmem>>
      %dma_start3A_125 = tpu.memref_squeeze %dma_start3A_124 : memref<1x128xi32, #tpu.memory_space<vmem>> -> memref<128xi32, #tpu.memory_space<vmem>>
      %dma_start3A_126 = tpu.memref_slice %arg2[%add3A_121] : memref<2621440xi32, #tpu.memory_space<hbm>> -> memref<128xi32, #tpu.memory_space<hbm>>
      %dma_start3A_127 = arith.constant 0 : i32
      %dma_start3A_128 = tpu.memref_slice %arg5[%dma_start3A_122, %dma_start3A_127] : memref<40x128xi32, #tpu.memory_space<vmem>> -> memref<1x128xi32, #tpu.memory_space<vmem>>
      %dma_start3A_129 = tpu.memref_squeeze %dma_start3A_128 : memref<1x128xi32, #tpu.memory_space<vmem>> -> memref<128xi32, #tpu.memory_space<vmem>>
      %dma_start3A_130 = tpu.memref_slice %arg2[%add3A_121] : memref<2621440xi32, #tpu.memory_space<hbm>> -> memref<128xi32, #tpu.memory_space<hbm>>
      tpu.enqueue_dma source(%dma_start3A_130 : memref<128xi32, #tpu.memory_space<hbm>>) target(%dma_start3A_129 : memref<128xi32, #tpu.memory_space<vmem>>) target_semaphore(%arg9 : memref<!tpu.dma_semaphore, #tpu.memory_space<semaphore_mem>>)
      %add3A_131 = arith.constant 1152 : i32
      %add3A_132 = arith.addi %add3A_32, %add3A_131 : i32
      %dma_start3A_133 = arith.constant 9 : i32
      %dma_start3A_134 = arith.constant 0 : i32
      %dma_start3A_135 = tpu.memref_slice %arg5[%dma_start3A_133, %dma_start3A_134] : memref<40x128xi32, #tpu.memory_space<vmem>> -> memref<1x128xi32, #tpu.memory_space<vmem>>
      %dma_start3A_136 = tpu.memref_squeeze %dma_start3A_135 : memref<1x128xi32, #tpu.memory_space<vmem>> -> memref<128xi32, #tpu.memory_space<vmem>>
      %dma_start3A_137 = tpu.memref_slice %arg2[%add3A_132] : memref<2621440xi32, #tpu.memory_space<hbm>> -> memref<128xi32, #tpu.memory_space<hbm>>
      %dma_start3A_138 = arith.constant 0 : i32
      %dma_start3A_139 = tpu.memref_slice %arg5[%dma_start3A_133, %dma_start3A_138] : memref<40x128xi32, #tpu.memory_space<vmem>> -> memref<1x128xi32, #tpu.memory_space<vmem>>
      %dma_start3A_140 = tpu.memref_squeeze %dma_start3A_139 : memref<1x128xi32, #tpu.memory_space<vmem>> -> memref<128xi32, #tpu.memory_space<vmem>>
      %dma_start3A_141 = tpu.memref_slice %arg2[%add3A_132] : memref<2621440xi32, #tpu.memory_space<hbm>> -> memref<128xi32, #tpu.memory_space<hbm>>
      tpu.enqueue_dma source(%dma_start3A_141 : memref<128xi32, #tpu.memory_space<hbm>>) target(%dma_start3A_140 : memref<128xi32, #tpu.memory_space<vmem>>) target_semaphore(%arg9 : memref<!tpu.dma_semaphore, #tpu.memory_space<semaphore_mem>>)
      %add3A_142 = arith.constant 1280 : i32
      %add3A_143 = arith.addi %add3A_32, %add3A_142 : i32
      %dma_start3A_144 = arith.constant 10 : i32
      %dma_start3A_145 = arith.constant 0 : i32
      %dma_start3A_146 = tpu.memref_slice %arg5[%dma_start3A_144, %dma_start3A_145] : memref<40x128xi32, #tpu.memory_space<vmem>> -> memref<1x128xi32, #tpu.memory_space<vmem>>
      %dma_start3A_147 = tpu.memref_squeeze %dma_start3A_146 : memref<1x128xi32, #tpu.memory_space<vmem>> -> memref<128xi32, #tpu.memory_space<vmem>>
      %dma_start3A_148 = tpu.memref_slice %arg2[%add3A_143] : memref<2621440xi32, #tpu.memory_space<hbm>> -> memref<128xi32, #tpu.memory_space<hbm>>
      %dma_start3A_149 = arith.constant 0 : i32
      %dma_start3A_150 = tpu.memref_slice %arg5[%dma_start3A_144, %dma_start3A_149] : memref<40x128xi32, #tpu.memory_space<vmem>> -> memref<1x128xi32, #tpu.memory_space<vmem>>
      %dma_start3A_151 = tpu.memref_squeeze %dma_start3A_150 : memref<1x128xi32, #tpu.memory_space<vmem>> -> memref<128xi32, #tpu.memory_space<vmem>>
      %dma_start3A_152 = tpu.memref_slice %arg2[%add3A_143] : memref<2621440xi32, #tpu.memory_space<hbm>> -> memref<128xi32, #tpu.memory_space<hbm>>
      tpu.enqueue_dma source(%dma_start3A_152 : memref<128xi32, #tpu.memory_space<hbm>>) target(%dma_start3A_151 : memref<128xi32, #tpu.memory_space<vmem>>) target_semaphore(%arg9 : memref<!tpu.dma_semaphore, #tpu.memory_space<semaphore_mem>>)
      %add3A_153 = arith.constant 1408 : i32
      %add3A_154 = arith.addi %add3A_32, %add3A_153 : i32
      %dma_start3A_155 = arith.constant 11 : i32
      %dma_start3A_156 = arith.constant 0 : i32
      %dma_start3A_157 = tpu.memref_slice %arg5[%dma_start3A_155, %dma_start3A_156] : memref<40x128xi32, #tpu.memory_space<vmem>> -> memref<1x128xi32, #tpu.memory_space<vmem>>
      %dma_start3A_158 = tpu.memref_squeeze %dma_start3A_157 : memref<1x128xi32, #tpu.memory_space<vmem>> -> memref<128xi32, #tpu.memory_space<vmem>>
      %dma_start3A_159 = tpu.memref_slice %arg2[%add3A_154] : memref<2621440xi32, #tpu.memory_space<hbm>> -> memref<128xi32, #tpu.memory_space<hbm>>
      %dma_start3A_160 = arith.constant 0 : i32
      %dma_start3A_161 = tpu.memref_slice %arg5[%dma_start3A_155, %dma_start3A_160] : memref<40x128xi32, #tpu.memory_space<vmem>> -> memref<1x128xi32, #tpu.memory_space<vmem>>
      %dma_start3A_162 = tpu.memref_squeeze %dma_start3A_161 : memref<1x128xi32, #tpu.memory_space<vmem>> -> memref<128xi32, #tpu.memory_space<vmem>>
      %dma_start3A_163 = tpu.memref_slice %arg2[%add3A_154] : memref<2621440xi32, #tpu.memory_space<hbm>> -> memref<128xi32, #tpu.memory_space<hbm>>
      tpu.enqueue_dma source(%dma_start3A_163 : memref<128xi32, #tpu.memory_space<hbm>>) target(%dma_start3A_162 : memref<128xi32, #tpu.memory_space<vmem>>) target_semaphore(%arg9 : memref<!tpu.dma_semaphore, #tpu.memory_space<semaphore_mem>>)
      %add3A_164 = arith.constant 1536 : i32
      %add3A_165 = arith.addi %add3A_32, %add3A_164 : i32
      %dma_start3A_166 = arith.constant 12 : i32
      %dma_start3A_167 = arith.constant 0 : i32
      %dma_start3A_168 = tpu.memref_slice %arg5[%dma_start3A_166, %dma_start3A_167] : memref<40x128xi32, #tpu.memory_space<vmem>> -> memref<1x128xi32, #tpu.memory_space<vmem>>
      %dma_start3A_169 = tpu.memref_squeeze %dma_start3A_168 : memref<1x128xi32, #tpu.memory_space<vmem>> -> memref<128xi32, #tpu.memory_space<vmem>>
      %dma_start3A_170 = tpu.memref_slice %arg2[%add3A_165] : memref<2621440xi32, #tpu.memory_space<hbm>> -> memref<128xi32, #tpu.memory_space<hbm>>
      %dma_start3A_171 = arith.constant 0 : i32
      %dma_start3A_172 = tpu.memref_slice %arg5[%dma_start3A_166, %dma_start3A_171] : memref<40x128xi32, #tpu.memory_space<vmem>> -> memref<1x128xi32, #tpu.memory_space<vmem>>
      %dma_start3A_173 = tpu.memref_squeeze %dma_start3A_172 : memref<1x128xi32, #tpu.memory_space<vmem>> -> memref<128xi32, #tpu.memory_space<vmem>>
      %dma_start3A_174 = tpu.memref_slice %arg2[%add3A_165] : memref<2621440xi32, #tpu.memory_space<hbm>> -> memref<128xi32, #tpu.memory_space<hbm>>
      tpu.enqueue_dma source(%dma_start3A_174 : memref<128xi32, #tpu.memory_space<hbm>>) target(%dma_start3A_173 : memref<128xi32, #tpu.memory_space<vmem>>) target_semaphore(%arg9 : memref<!tpu.dma_semaphore, #tpu.memory_space<semaphore_mem>>)
      %add3A_175 = arith.constant 1664 : i32
      %add3A_176 = arith.addi %add3A_32, %add3A_175 : i32
      %dma_start3A_177 = arith.constant 13 : i32
      %dma_start3A_178 = arith.constant 0 : i32
      %dma_start3A_179 = tpu.memref_slice %arg5[%dma_start3A_177, %dma_start3A_178] : memref<40x128xi32, #tpu.memory_space<vmem>> -> memref<1x128xi32, #tpu.memory_space<vmem>>
      %dma_start3A_180 = tpu.memref_squeeze %dma_start3A_179 : memref<1x128xi32, #tpu.memory_space<vmem>> -> memref<128xi32, #tpu.memory_space<vmem>>
      %dma_start3A_181 = tpu.memref_slice %arg2[%add3A_176] : memref<2621440xi32, #tpu.memory_space<hbm>> -> memref<128xi32, #tpu.memory_space<hbm>>
      %dma_start3A_182 = arith.constant 0 : i32
      %dma_start3A_183 = tpu.memref_slice %arg5[%dma_start3A_177, %dma_start3A_182] : memref<40x128xi32, #tpu.memory_space<vmem>> -> memref<1x128xi32, #tpu.memory_space<vmem>>
      %dma_start3A_184 = tpu.memref_squeeze %dma_start3A_183 : memref<1x128xi32, #tpu.memory_space<vmem>> -> memref<128xi32, #tpu.memory_space<vmem>>
      %dma_start3A_185 = tpu.memref_slice %arg2[%add3A_176] : memref<2621440xi32, #tpu.memory_space<hbm>> -> memref<128xi32, #tpu.memory_space<hbm>>
      tpu.enqueue_dma source(%dma_start3A_185 : memref<128xi32, #tpu.memory_space<hbm>>) target(%dma_start3A_184 : memref<128xi32, #tpu.memory_space<vmem>>) target_semaphore(%arg9 : memref<!tpu.dma_semaphore, #tpu.memory_space<semaphore_mem>>)
      %add3A_186 = arith.constant 1792 : i32
      %add3A_187 = arith.addi %add3A_32, %add3A_186 : i32
      %dma_start3A_188 = arith.constant 14 : i32
      %dma_start3A_189 = arith.constant 0 : i32
      %dma_start3A_190 = tpu.memref_slice %arg5[%dma_start3A_188, %dma_start3A_189] : memref<40x128xi32, #tpu.memory_space<vmem>> -> memref<1x128xi32, #tpu.memory_space<vmem>>
      %dma_start3A_191 = tpu.memref_squeeze %dma_start3A_190 : memref<1x128xi32, #tpu.memory_space<vmem>> -> memref<128xi32, #tpu.memory_space<vmem>>
      %dma_start3A_192 = tpu.memref_slice %arg2[%add3A_187] : memref<2621440xi32, #tpu.memory_space<hbm>> -> memref<128xi32, #tpu.memory_space<hbm>>
      %dma_start3A_193 = arith.constant 0 : i32
      %dma_start3A_194 = tpu.memref_slice %arg5[%dma_start3A_188, %dma_start3A_193] : memref<40x128xi32, #tpu.memory_space<vmem>> -> memref<1x128xi32, #tpu.memory_space<vmem>>
      %dma_start3A_195 = tpu.memref_squeeze %dma_start3A_194 : memref<1x128xi32, #tpu.memory_space<vmem>> -> memref<128xi32, #tpu.memory_space<vmem>>
      %dma_start3A_196 = tpu.memref_slice %arg2[%add3A_187] : memref<2621440xi32, #tpu.memory_space<hbm>> -> memref<128xi32, #tpu.memory_space<hbm>>
      tpu.enqueue_dma source(%dma_start3A_196 : memref<128xi32, #tpu.memory_space<hbm>>) target(%dma_start3A_195 : memref<128xi32, #tpu.memory_space<vmem>>) target_semaphore(%arg9 : memref<!tpu.dma_semaphore, #tpu.memory_space<semaphore_mem>>)
      %add3A_197 = arith.constant 1920 : i32
      %add3A_198 = arith.addi %add3A_32, %add3A_197 : i32
      %dma_start3A_199 = arith.constant 15 : i32
      %dma_start3A_200 = arith.constant 0 : i32
      %dma_start3A_201 = tpu.memref_slice %arg5[%dma_start3A_199, %dma_start3A_200] : memref<40x128xi32, #tpu.memory_space<vmem>> -> memref<1x128xi32, #tpu.memory_space<vmem>>
      %dma_start3A_202 = tpu.memref_squeeze %dma_start3A_201 : memref<1x128xi32, #tpu.memory_space<vmem>> -> memref<128xi32, #tpu.memory_space<vmem>>
      %dma_start3A_203 = tpu.memref_slice %arg2[%add3A_198] : memref<2621440xi32, #tpu.memory_space<hbm>> -> memref<128xi32, #tpu.memory_space<hbm>>
      %dma_start3A_204 = arith.constant 0 : i32
      %dma_start3A_205 = tpu.memref_slice %arg5[%dma_start3A_199, %dma_start3A_204] : memref<40x128xi32, #tpu.memory_space<vmem>> -> memref<1x128xi32, #tpu.memory_space<vmem>>
      %dma_start3A_206 = tpu.memref_squeeze %dma_start3A_205 : memref<1x128xi32, #tpu.memory_space<vmem>> -> memref<128xi32, #tpu.memory_space<vmem>>
      %dma_start3A_207 = tpu.memref_slice %arg2[%add3A_198] : memref<2621440xi32, #tpu.memory_space<hbm>> -> memref<128xi32, #tpu.memory_space<hbm>>
      tpu.enqueue_dma source(%dma_start3A_207 : memref<128xi32, #tpu.memory_space<hbm>>) target(%dma_start3A_206 : memref<128xi32, #tpu.memory_space<vmem>>) target_semaphore(%arg9 : memref<!tpu.dma_semaphore, #tpu.memory_space<semaphore_mem>>)
      %add3A_208 = arith.constant 2048 : i32
      %add3A_209 = arith.addi %add3A_32, %add3A_208 : i32
      %dma_start3A_210 = arith.constant 16 : i32
      %dma_start3A_211 = arith.constant 0 : i32
      %dma_start3A_212 = tpu.memref_slice %arg5[%dma_start3A_210, %dma_start3A_211] : memref<40x128xi32, #tpu.memory_space<vmem>> -> memref<1x128xi32, #tpu.memory_space<vmem>>
      %dma_start3A_213 = tpu.memref_squeeze %dma_start3A_212 : memref<1x128xi32, #tpu.memory_space<vmem>> -> memref<128xi32, #tpu.memory_space<vmem>>
      %dma_start3A_214 = tpu.memref_slice %arg2[%add3A_209] : memref<2621440xi32, #tpu.memory_space<hbm>> -> memref<128xi32, #tpu.memory_space<hbm>>
      %dma_start3A_215 = arith.constant 0 : i32
      %dma_start3A_216 = tpu.memref_slice %arg5[%dma_start3A_210, %dma_start3A_215] : memref<40x128xi32, #tpu.memory_space<vmem>> -> memref<1x128xi32, #tpu.memory_space<vmem>>
      %dma_start3A_217 = tpu.memref_squeeze %dma_start3A_216 : memref<1x128xi32, #tpu.memory_space<vmem>> -> memref<128xi32, #tpu.memory_space<vmem>>
      %dma_start3A_218 = tpu.memref_slice %arg2[%add3A_209] : memref<2621440xi32, #tpu.memory_space<hbm>> -> memref<128xi32, #tpu.memory_space<hbm>>
      tpu.enqueue_dma source(%dma_start3A_218 : memref<128xi32, #tpu.memory_space<hbm>>) target(%dma_start3A_217 : memref<128xi32, #tpu.memory_space<vmem>>) target_semaphore(%arg9 : memref<!tpu.dma_semaphore, #tpu.memory_space<semaphore_mem>>)
      %add3A_219 = arith.constant 2176 : i32
      %add3A_220 = arith.addi %add3A_32, %add3A_219 : i32
      %dma_start3A_221 = arith.constant 17 : i32
      %dma_start3A_222 = arith.constant 0 : i32
      %dma_start3A_223 = tpu.memref_slice %arg5[%dma_start3A_221, %dma_start3A_222] : memref<40x128xi32, #tpu.memory_space<vmem>> -> memref<1x128xi32, #tpu.memory_space<vmem>>
      %dma_start3A_224 = tpu.memref_squeeze %dma_start3A_223 : memref<1x128xi32, #tpu.memory_space<vmem>> -> memref<128xi32, #tpu.memory_space<vmem>>
      %dma_start3A_225 = tpu.memref_slice %arg2[%add3A_220] : memref<2621440xi32, #tpu.memory_space<hbm>> -> memref<128xi32, #tpu.memory_space<hbm>>
      %dma_start3A_226 = arith.constant 0 : i32
      %dma_start3A_227 = tpu.memref_slice %arg5[%dma_start3A_221, %dma_start3A_226] : memref<40x128xi32, #tpu.memory_space<vmem>> -> memref<1x128xi32, #tpu.memory_space<vmem>>
      %dma_start3A_228 = tpu.memref_squeeze %dma_start3A_227 : memref<1x128xi32, #tpu.memory_space<vmem>> -> memref<128xi32, #tpu.memory_space<vmem>>
      %dma_start3A_229 = tpu.memref_slice %arg2[%add3A_220] : memref<2621440xi32, #tpu.memory_space<hbm>> -> memref<128xi32, #tpu.memory_space<hbm>>
      tpu.enqueue_dma source(%dma_start3A_229 : memref<128xi32, #tpu.memory_space<hbm>>) target(%dma_start3A_228 : memref<128xi32, #tpu.memory_space<vmem>>) target_semaphore(%arg9 : memref<!tpu.dma_semaphore, #tpu.memory_space<semaphore_mem>>)
      %add3A_230 = arith.constant 2304 : i32
      %add3A_231 = arith.addi %add3A_32, %add3A_230 : i32
      %dma_start3A_232 = arith.constant 18 : i32
      %dma_start3A_233 = arith.constant 0 : i32
      %dma_start3A_234 = tpu.memref_slice %arg5[%dma_start3A_232, %dma_start3A_233] : memref<40x128xi32, #tpu.memory_space<vmem>> -> memref<1x128xi32, #tpu.memory_space<vmem>>
      %dma_start3A_235 = tpu.memref_squeeze %dma_start3A_234 : memref<1x128xi32, #tpu.memory_space<vmem>> -> memref<128xi32, #tpu.memory_space<vmem>>
      %dma_start3A_236 = tpu.memref_slice %arg2[%add3A_231] : memref<2621440xi32, #tpu.memory_space<hbm>> -> memref<128xi32, #tpu.memory_space<hbm>>
      %dma_start3A_237 = arith.constant 0 : i32
      %dma_start3A_238 = tpu.memref_slice %arg5[%dma_start3A_232, %dma_start3A_237] : memref<40x128xi32, #tpu.memory_space<vmem>> -> memref<1x128xi32, #tpu.memory_space<vmem>>
      %dma_start3A_239 = tpu.memref_squeeze %dma_start3A_238 : memref<1x128xi32, #tpu.memory_space<vmem>> -> memref<128xi32, #tpu.memory_space<vmem>>
      %dma_start3A_240 = tpu.memref_slice %arg2[%add3A_231] : memref<2621440xi32, #tpu.memory_space<hbm>> -> memref<128xi32, #tpu.memory_space<hbm>>
      tpu.enqueue_dma source(%dma_start3A_240 : memref<128xi32, #tpu.memory_space<hbm>>) target(%dma_start3A_239 : memref<128xi32, #tpu.memory_space<vmem>>) target_semaphore(%arg9 : memref<!tpu.dma_semaphore, #tpu.memory_space<semaphore_mem>>)
      %add3A_241 = arith.constant 2432 : i32
      %add3A_242 = arith.addi %add3A_32, %add3A_241 : i32
      %dma_start3A_243 = arith.constant 19 : i32
      %dma_start3A_244 = arith.constant 0 : i32
      %dma_start3A_245 = tpu.memref_slice %arg5[%dma_start3A_243, %dma_start3A_244] : memref<40x128xi32, #tpu.memory_space<vmem>> -> memref<1x128xi32, #tpu.memory_space<vmem>>
      %dma_start3A_246 = tpu.memref_squeeze %dma_start3A_245 : memref<1x128xi32, #tpu.memory_space<vmem>> -> memref<128xi32, #tpu.memory_space<vmem>>
      %dma_start3A_247 = tpu.memref_slice %arg2[%add3A_242] : memref<2621440xi32, #tpu.memory_space<hbm>> -> memref<128xi32, #tpu.memory_space<hbm>>
      %dma_start3A_248 = arith.constant 0 : i32
      %dma_start3A_249 = tpu.memref_slice %arg5[%dma_start3A_243, %dma_start3A_248] : memref<40x128xi32, #tpu.memory_space<vmem>> -> memref<1x128xi32, #tpu.memory_space<vmem>>
      %dma_start3A_250 = tpu.memref_squeeze %dma_start3A_249 : memref<1x128xi32, #tpu.memory_space<vmem>> -> memref<128xi32, #tpu.memory_space<vmem>>
      %dma_start3A_251 = tpu.memref_slice %arg2[%add3A_242] : memref<2621440xi32, #tpu.memory_space<hbm>> -> memref<128xi32, #tpu.memory_space<hbm>>
      tpu.enqueue_dma source(%dma_start3A_251 : memref<128xi32, #tpu.memory_space<hbm>>) target(%dma_start3A_250 : memref<128xi32, #tpu.memory_space<vmem>>) target_semaphore(%arg9 : memref<!tpu.dma_semaphore, #tpu.memory_space<semaphore_mem>>)
      %add3A_252 = arith.constant 2560 : i32
      %add3A_253 = arith.addi %add3A_32, %add3A_252 : i32
      %dma_start3A_254 = arith.constant 20 : i32
      %dma_start3A_255 = arith.constant 0 : i32
      %dma_start3A_256 = tpu.memref_slice %arg5[%dma_start3A_254, %dma_start3A_255] : memref<40x128xi32, #tpu.memory_space<vmem>> -> memref<1x128xi32, #tpu.memory_space<vmem>>
      %dma_start3A_257 = tpu.memref_squeeze %dma_start3A_256 : memref<1x128xi32, #tpu.memory_space<vmem>> -> memref<128xi32, #tpu.memory_space<vmem>>
      %dma_start3A_258 = tpu.memref_slice %arg2[%add3A_253] : memref<2621440xi32, #tpu.memory_space<hbm>> -> memref<128xi32, #tpu.memory_space<hbm>>
      %dma_start3A_259 = arith.constant 0 : i32
      %dma_start3A_260 = tpu.memref_slice %arg5[%dma_start3A_254, %dma_start3A_259] : memref<40x128xi32, #tpu.memory_space<vmem>> -> memref<1x128xi32, #tpu.memory_space<vmem>>
      %dma_start3A_261 = tpu.memref_squeeze %dma_start3A_260 : memref<1x128xi32, #tpu.memory_space<vmem>> -> memref<128xi32, #tpu.memory_space<vmem>>
      %dma_start3A_262 = tpu.memref_slice %arg2[%add3A_253] : memref<2621440xi32, #tpu.memory_space<hbm>> -> memref<128xi32, #tpu.memory_space<hbm>>
      tpu.enqueue_dma source(%dma_start3A_262 : memref<128xi32, #tpu.memory_space<hbm>>) target(%dma_start3A_261 : memref<128xi32, #tpu.memory_space<vmem>>) target_semaphore(%arg9 : memref<!tpu.dma_semaphore, #tpu.memory_space<semaphore_mem>>)
      %add3A_263 = arith.constant 2688 : i32
      %add3A_264 = arith.addi %add3A_32, %add3A_263 : i32
      %dma_start3A_265 = arith.constant 21 : i32
      %dma_start3A_266 = arith.constant 0 : i32
      %dma_start3A_267 = tpu.memref_slice %arg5[%dma_start3A_265, %dma_start3A_266] : memref<40x128xi32, #tpu.memory_space<vmem>> -> memref<1x128xi32, #tpu.memory_space<vmem>>
      %dma_start3A_268 = tpu.memref_squeeze %dma_start3A_267 : memref<1x128xi32, #tpu.memory_space<vmem>> -> memref<128xi32, #tpu.memory_space<vmem>>
      %dma_start3A_269 = tpu.memref_slice %arg2[%add3A_264] : memref<2621440xi32, #tpu.memory_space<hbm>> -> memref<128xi32, #tpu.memory_space<hbm>>
      %dma_start3A_270 = arith.constant 0 : i32
      %dma_start3A_271 = tpu.memref_slice %arg5[%dma_start3A_265, %dma_start3A_270] : memref<40x128xi32, #tpu.memory_space<vmem>> -> memref<1x128xi32, #tpu.memory_space<vmem>>
      %dma_start3A_272 = tpu.memref_squeeze %dma_start3A_271 : memref<1x128xi32, #tpu.memory_space<vmem>> -> memref<128xi32, #tpu.memory_space<vmem>>
      %dma_start3A_273 = tpu.memref_slice %arg2[%add3A_264] : memref<2621440xi32, #tpu.memory_space<hbm>> -> memref<128xi32, #tpu.memory_space<hbm>>
      tpu.enqueue_dma source(%dma_start3A_273 : memref<128xi32, #tpu.memory_space<hbm>>) target(%dma_start3A_272 : memref<128xi32, #tpu.memory_space<vmem>>) target_semaphore(%arg9 : memref<!tpu.dma_semaphore, #tpu.memory_space<semaphore_mem>>)
      %add3A_274 = arith.constant 2816 : i32
      %add3A_275 = arith.addi %add3A_32, %add3A_274 : i32
      %dma_start3A_276 = arith.constant 22 : i32
      %dma_start3A_277 = arith.constant 0 : i32
      %dma_start3A_278 = tpu.memref_slice %arg5[%dma_start3A_276, %dma_start3A_277] : memref<40x128xi32, #tpu.memory_space<vmem>> -> memref<1x128xi32, #tpu.memory_space<vmem>>
      %dma_start3A_279 = tpu.memref_squeeze %dma_start3A_278 : memref<1x128xi32, #tpu.memory_space<vmem>> -> memref<128xi32, #tpu.memory_space<vmem>>
      %dma_start3A_280 = tpu.memref_slice %arg2[%add3A_275] : memref<2621440xi32, #tpu.memory_space<hbm>> -> memref<128xi32, #tpu.memory_space<hbm>>
      %dma_start3A_281 = arith.constant 0 : i32
      %dma_start3A_282 = tpu.memref_slice %arg5[%dma_start3A_276, %dma_start3A_281] : memref<40x128xi32, #tpu.memory_space<vmem>> -> memref<1x128xi32, #tpu.memory_space<vmem>>
      %dma_start3A_283 = tpu.memref_squeeze %dma_start3A_282 : memref<1x128xi32, #tpu.memory_space<vmem>> -> memref<128xi32, #tpu.memory_space<vmem>>
      %dma_start3A_284 = tpu.memref_slice %arg2[%add3A_275] : memref<2621440xi32, #tpu.memory_space<hbm>> -> memref<128xi32, #tpu.memory_space<hbm>>
      tpu.enqueue_dma source(%dma_start3A_284 : memref<128xi32, #tpu.memory_space<hbm>>) target(%dma_start3A_283 : memref<128xi32, #tpu.memory_space<vmem>>) target_semaphore(%arg9 : memref<!tpu.dma_semaphore, #tpu.memory_space<semaphore_mem>>)
      %add3A_285 = arith.constant 2944 : i32
      %add3A_286 = arith.addi %add3A_32, %add3A_285 : i32
      %dma_start3A_287 = arith.constant 23 : i32
      %dma_start3A_288 = arith.constant 0 : i32
      %dma_start3A_289 = tpu.memref_slice %arg5[%dma_start3A_287, %dma_start3A_288] : memref<40x128xi32, #tpu.memory_space<vmem>> -> memref<1x128xi32, #tpu.memory_space<vmem>>
      %dma_start3A_290 = tpu.memref_squeeze %dma_start3A_289 : memref<1x128xi32, #tpu.memory_space<vmem>> -> memref<128xi32, #tpu.memory_space<vmem>>
      %dma_start3A_291 = tpu.memref_slice %arg2[%add3A_286] : memref<2621440xi32, #tpu.memory_space<hbm>> -> memref<128xi32, #tpu.memory_space<hbm>>
      %dma_start3A_292 = arith.constant 0 : i32
      %dma_start3A_293 = tpu.memref_slice %arg5[%dma_start3A_287, %dma_start3A_292] : memref<40x128xi32, #tpu.memory_space<vmem>> -> memref<1x128xi32, #tpu.memory_space<vmem>>
      %dma_start3A_294 = tpu.memref_squeeze %dma_start3A_293 : memref<1x128xi32, #tpu.memory_space<vmem>> -> memref<128xi32, #tpu.memory_space<vmem>>
      %dma_start3A_295 = tpu.memref_slice %arg2[%add3A_286] : memref<2621440xi32, #tpu.memory_space<hbm>> -> memref<128xi32, #tpu.memory_space<hbm>>
      tpu.enqueue_dma source(%dma_start3A_295 : memref<128xi32, #tpu.memory_space<hbm>>) target(%dma_start3A_294 : memref<128xi32, #tpu.memory_space<vmem>>) target_semaphore(%arg9 : memref<!tpu.dma_semaphore, #tpu.memory_space<semaphore_mem>>)
      %add3A_296 = arith.constant 3072 : i32
      %add3A_297 = arith.addi %add3A_32, %add3A_296 : i32
      %dma_start3A_298 = arith.constant 24 : i32
      %dma_start3A_299 = arith.constant 0 : i32
      %dma_start3A_300 = tpu.memref_slice %arg5[%dma_start3A_298, %dma_start3A_299] : memref<40x128xi32, #tpu.memory_space<vmem>> -> memref<1x128xi32, #tpu.memory_space<vmem>>
      %dma_start3A_301 = tpu.memref_squeeze %dma_start3A_300 : memref<1x128xi32, #tpu.memory_space<vmem>> -> memref<128xi32, #tpu.memory_space<vmem>>
      %dma_start3A_302 = tpu.memref_slice %arg2[%add3A_297] : memref<2621440xi32, #tpu.memory_space<hbm>> -> memref<128xi32, #tpu.memory_space<hbm>>
      %dma_start3A_303 = arith.constant 0 : i32
      %dma_start3A_304 = tpu.memref_slice %arg5[%dma_start3A_298, %dma_start3A_303] : memref<40x128xi32, #tpu.memory_space<vmem>> -> memref<1x128xi32, #tpu.memory_space<vmem>>
      %dma_start3A_305 = tpu.memref_squeeze %dma_start3A_304 : memref<1x128xi32, #tpu.memory_space<vmem>> -> memref<128xi32, #tpu.memory_space<vmem>>
      %dma_start3A_306 = tpu.memref_slice %arg2[%add3A_297] : memref<2621440xi32, #tpu.memory_space<hbm>> -> memref<128xi32, #tpu.memory_space<hbm>>
      tpu.enqueue_dma source(%dma_start3A_306 : memref<128xi32, #tpu.memory_space<hbm>>) target(%dma_start3A_305 : memref<128xi32, #tpu.memory_space<vmem>>) target_semaphore(%arg9 : memref<!tpu.dma_semaphore, #tpu.memory_space<semaphore_mem>>)
      %add3A_307 = arith.constant 3200 : i32
      %add3A_308 = arith.addi %add3A_32, %add3A_307 : i32
      %dma_start3A_309 = arith.constant 25 : i32
      %dma_start3A_310 = arith.constant 0 : i32
      %dma_start3A_311 = tpu.memref_slice %arg5[%dma_start3A_309, %dma_start3A_310] : memref<40x128xi32, #tpu.memory_space<vmem>> -> memref<1x128xi32, #tpu.memory_space<vmem>>
      %dma_start3A_312 = tpu.memref_squeeze %dma_start3A_311 : memref<1x128xi32, #tpu.memory_space<vmem>> -> memref<128xi32, #tpu.memory_space<vmem>>
      %dma_start3A_313 = tpu.memref_slice %arg2[%add3A_308] : memref<2621440xi32, #tpu.memory_space<hbm>> -> memref<128xi32, #tpu.memory_space<hbm>>
      %dma_start3A_314 = arith.constant 0 : i32
      %dma_start3A_315 = tpu.memref_slice %arg5[%dma_start3A_309, %dma_start3A_314] : memref<40x128xi32, #tpu.memory_space<vmem>> -> memref<1x128xi32, #tpu.memory_space<vmem>>
      %dma_start3A_316 = tpu.memref_squeeze %dma_start3A_315 : memref<1x128xi32, #tpu.memory_space<vmem>> -> memref<128xi32, #tpu.memory_space<vmem>>
      %dma_start3A_317 = tpu.memref_slice %arg2[%add3A_308] : memref<2621440xi32, #tpu.memory_space<hbm>> -> memref<128xi32, #tpu.memory_space<hbm>>
      tpu.enqueue_dma source(%dma_start3A_317 : memref<128xi32, #tpu.memory_space<hbm>>) target(%dma_start3A_316 : memref<128xi32, #tpu.memory_space<vmem>>) target_semaphore(%arg9 : memref<!tpu.dma_semaphore, #tpu.memory_space<semaphore_mem>>)
      %add3A_318 = arith.constant 3328 : i32
      %add3A_319 = arith.addi %add3A_32, %add3A_318 : i32
      %dma_start3A_320 = arith.constant 26 : i32
      %dma_start3A_321 = arith.constant 0 : i32
      %dma_start3A_322 = tpu.memref_slice %arg5[%dma_start3A_320, %dma_start3A_321] : memref<40x128xi32, #tpu.memory_space<vmem>> -> memref<1x128xi32, #tpu.memory_space<vmem>>
      %dma_start3A_323 = tpu.memref_squeeze %dma_start3A_322 : memref<1x128xi32, #tpu.memory_space<vmem>> -> memref<128xi32, #tpu.memory_space<vmem>>
      %dma_start3A_324 = tpu.memref_slice %arg2[%add3A_319] : memref<2621440xi32, #tpu.memory_space<hbm>> -> memref<128xi32, #tpu.memory_space<hbm>>
      %dma_start3A_325 = arith.constant 0 : i32
      %dma_start3A_326 = tpu.memref_slice %arg5[%dma_start3A_320, %dma_start3A_325] : memref<40x128xi32, #tpu.memory_space<vmem>> -> memref<1x128xi32, #tpu.memory_space<vmem>>
      %dma_start3A_327 = tpu.memref_squeeze %dma_start3A_326 : memref<1x128xi32, #tpu.memory_space<vmem>> -> memref<128xi32, #tpu.memory_space<vmem>>
      %dma_start3A_328 = tpu.memref_slice %arg2[%add3A_319] : memref<2621440xi32, #tpu.memory_space<hbm>> -> memref<128xi32, #tpu.memory_space<hbm>>
      tpu.enqueue_dma source(%dma_start3A_328 : memref<128xi32, #tpu.memory_space<hbm>>) target(%dma_start3A_327 : memref<128xi32, #tpu.memory_space<vmem>>) target_semaphore(%arg9 : memref<!tpu.dma_semaphore, #tpu.memory_space<semaphore_mem>>)
      %add3A_329 = arith.constant 3456 : i32
      %add3A_330 = arith.addi %add3A_32, %add3A_329 : i32
      %dma_start3A_331 = arith.constant 27 : i32
      %dma_start3A_332 = arith.constant 0 : i32
      %dma_start3A_333 = tpu.memref_slice %arg5[%dma_start3A_331, %dma_start3A_332] : memref<40x128xi32, #tpu.memory_space<vmem>> -> memref<1x128xi32, #tpu.memory_space<vmem>>
      %dma_start3A_334 = tpu.memref_squeeze %dma_start3A_333 : memref<1x128xi32, #tpu.memory_space<vmem>> -> memref<128xi32, #tpu.memory_space<vmem>>
      %dma_start3A_335 = tpu.memref_slice %arg2[%add3A_330] : memref<2621440xi32, #tpu.memory_space<hbm>> -> memref<128xi32, #tpu.memory_space<hbm>>
      %dma_start3A_336 = arith.constant 0 : i32
      %dma_start3A_337 = tpu.memref_slice %arg5[%dma_start3A_331, %dma_start3A_336] : memref<40x128xi32, #tpu.memory_space<vmem>> -> memref<1x128xi32, #tpu.memory_space<vmem>>
      %dma_start3A_338 = tpu.memref_squeeze %dma_start3A_337 : memref<1x128xi32, #tpu.memory_space<vmem>> -> memref<128xi32, #tpu.memory_space<vmem>>
      %dma_start3A_339 = tpu.memref_slice %arg2[%add3A_330] : memref<2621440xi32, #tpu.memory_space<hbm>> -> memref<128xi32, #tpu.memory_space<hbm>>
      tpu.enqueue_dma source(%dma_start3A_339 : memref<128xi32, #tpu.memory_space<hbm>>) target(%dma_start3A_338 : memref<128xi32, #tpu.memory_space<vmem>>) target_semaphore(%arg9 : memref<!tpu.dma_semaphore, #tpu.memory_space<semaphore_mem>>)
      %add3A_340 = arith.constant 3584 : i32
      %add3A_341 = arith.addi %add3A_32, %add3A_340 : i32
      %dma_start3A_342 = arith.constant 28 : i32
      %dma_start3A_343 = arith.constant 0 : i32
      %dma_start3A_344 = tpu.memref_slice %arg5[%dma_start3A_342, %dma_start3A_343] : memref<40x128xi32, #tpu.memory_space<vmem>> -> memref<1x128xi32, #tpu.memory_space<vmem>>
      %dma_start3A_345 = tpu.memref_squeeze %dma_start3A_344 : memref<1x128xi32, #tpu.memory_space<vmem>> -> memref<128xi32, #tpu.memory_space<vmem>>
      %dma_start3A_346 = tpu.memref_slice %arg2[%add3A_341] : memref<2621440xi32, #tpu.memory_space<hbm>> -> memref<128xi32, #tpu.memory_space<hbm>>
      %dma_start3A_347 = arith.constant 0 : i32
      %dma_start3A_348 = tpu.memref_slice %arg5[%dma_start3A_342, %dma_start3A_347] : memref<40x128xi32, #tpu.memory_space<vmem>> -> memref<1x128xi32, #tpu.memory_space<vmem>>
      %dma_start3A_349 = tpu.memref_squeeze %dma_start3A_348 : memref<1x128xi32, #tpu.memory_space<vmem>> -> memref<128xi32, #tpu.memory_space<vmem>>
      %dma_start3A_350 = tpu.memref_slice %arg2[%add3A_341] : memref<2621440xi32, #tpu.memory_space<hbm>> -> memref<128xi32, #tpu.memory_space<hbm>>
      tpu.enqueue_dma source(%dma_start3A_350 : memref<128xi32, #tpu.memory_space<hbm>>) target(%dma_start3A_349 : memref<128xi32, #tpu.memory_space<vmem>>) target_semaphore(%arg9 : memref<!tpu.dma_semaphore, #tpu.memory_space<semaphore_mem>>)
      %add3A_351 = arith.constant 3712 : i32
      %add3A_352 = arith.addi %add3A_32, %add3A_351 : i32
      %dma_start3A_353 = arith.constant 29 : i32
      %dma_start3A_354 = arith.constant 0 : i32
      %dma_start3A_355 = tpu.memref_slice %arg5[%dma_start3A_353, %dma_start3A_354] : memref<40x128xi32, #tpu.memory_space<vmem>> -> memref<1x128xi32, #tpu.memory_space<vmem>>
      %dma_start3A_356 = tpu.memref_squeeze %dma_start3A_355 : memref<1x128xi32, #tpu.memory_space<vmem>> -> memref<128xi32, #tpu.memory_space<vmem>>
      %dma_start3A_357 = tpu.memref_slice %arg2[%add3A_352] : memref<2621440xi32, #tpu.memory_space<hbm>> -> memref<128xi32, #tpu.memory_space<hbm>>
      %dma_start3A_358 = arith.constant 0 : i32
      %dma_start3A_359 = tpu.memref_slice %arg5[%dma_start3A_353, %dma_start3A_358] : memref<40x128xi32, #tpu.memory_space<vmem>> -> memref<1x128xi32, #tpu.memory_space<vmem>>
      %dma_start3A_360 = tpu.memref_squeeze %dma_start3A_359 : memref<1x128xi32, #tpu.memory_space<vmem>> -> memref<128xi32, #tpu.memory_space<vmem>>
      %dma_start3A_361 = tpu.memref_slice %arg2[%add3A_352] : memref<2621440xi32, #tpu.memory_space<hbm>> -> memref<128xi32, #tpu.memory_space<hbm>>
      tpu.enqueue_dma source(%dma_start3A_361 : memref<128xi32, #tpu.memory_space<hbm>>) target(%dma_start3A_360 : memref<128xi32, #tpu.memory_space<vmem>>) target_semaphore(%arg9 : memref<!tpu.dma_semaphore, #tpu.memory_space<semaphore_mem>>)
      %add3A_362 = arith.constant 3840 : i32
      %add3A_363 = arith.addi %add3A_32, %add3A_362 : i32
      %dma_start3A_364 = arith.constant 30 : i32
      %dma_start3A_365 = arith.constant 0 : i32
      %dma_start3A_366 = tpu.memref_slice %arg5[%dma_start3A_364, %dma_start3A_365] : memref<40x128xi32, #tpu.memory_space<vmem>> -> memref<1x128xi32, #tpu.memory_space<vmem>>
      %dma_start3A_367 = tpu.memref_squeeze %dma_start3A_366 : memref<1x128xi32, #tpu.memory_space<vmem>> -> memref<128xi32, #tpu.memory_space<vmem>>
      %dma_start3A_368 = tpu.memref_slice %arg2[%add3A_363] : memref<2621440xi32, #tpu.memory_space<hbm>> -> memref<128xi32, #tpu.memory_space<hbm>>
      %dma_start3A_369 = arith.constant 0 : i32
      %dma_start3A_370 = tpu.memref_slice %arg5[%dma_start3A_364, %dma_start3A_369] : memref<40x128xi32, #tpu.memory_space<vmem>> -> memref<1x128xi32, #tpu.memory_space<vmem>>
      %dma_start3A_371 = tpu.memref_squeeze %dma_start3A_370 : memref<1x128xi32, #tpu.memory_space<vmem>> -> memref<128xi32, #tpu.memory_space<vmem>>
      %dma_start3A_372 = tpu.memref_slice %arg2[%add3A_363] : memref<2621440xi32, #tpu.memory_space<hbm>> -> memref<128xi32, #tpu.memory_space<hbm>>
      tpu.enqueue_dma source(%dma_start3A_372 : memref<128xi32, #tpu.memory_space<hbm>>) target(%dma_start3A_371 : memref<128xi32, #tpu.memory_space<vmem>>) target_semaphore(%arg9 : memref<!tpu.dma_semaphore, #tpu.memory_space<semaphore_mem>>)
      %add3A_373 = arith.constant 3968 : i32
      %add3A_374 = arith.addi %add3A_32, %add3A_373 : i32
      %dma_start3A_375 = arith.constant 31 : i32
      %dma_start3A_376 = arith.constant 0 : i32
      %dma_start3A_377 = tpu.memref_slice %arg5[%dma_start3A_375, %dma_start3A_376] : memref<40x128xi32, #tpu.memory_space<vmem>> -> memref<1x128xi32, #tpu.memory_space<vmem>>
      %dma_start3A_378 = tpu.memref_squeeze %dma_start3A_377 : memref<1x128xi32, #tpu.memory_space<vmem>> -> memref<128xi32, #tpu.memory_space<vmem>>
      %dma_start3A_379 = tpu.memref_slice %arg2[%add3A_374] : memref<2621440xi32, #tpu.memory_space<hbm>> -> memref<128xi32, #tpu.memory_space<hbm>>
      %dma_start3A_380 = arith.constant 0 : i32
      %dma_start3A_381 = tpu.memref_slice %arg5[%dma_start3A_375, %dma_start3A_380] : memref<40x128xi32, #tpu.memory_space<vmem>> -> memref<1x128xi32, #tpu.memory_space<vmem>>
      %dma_start3A_382 = tpu.memref_squeeze %dma_start3A_381 : memref<1x128xi32, #tpu.memory_space<vmem>> -> memref<128xi32, #tpu.memory_space<vmem>>
      %dma_start3A_383 = tpu.memref_slice %arg2[%add3A_374] : memref<2621440xi32, #tpu.memory_space<hbm>> -> memref<128xi32, #tpu.memory_space<hbm>>
      tpu.enqueue_dma source(%dma_start3A_383 : memref<128xi32, #tpu.memory_space<hbm>>) target(%dma_start3A_382 : memref<128xi32, #tpu.memory_space<vmem>>) target_semaphore(%arg9 : memref<!tpu.dma_semaphore, #tpu.memory_space<semaphore_mem>>)
      %add3A_384 = arith.constant 4096 : i32
      %add3A_385 = arith.addi %add3A_32, %add3A_384 : i32
      %dma_start3A_386 = arith.constant 32 : i32
      %dma_start3A_387 = arith.constant 0 : i32
      %dma_start3A_388 = tpu.memref_slice %arg5[%dma_start3A_386, %dma_start3A_387] : memref<40x128xi32, #tpu.memory_space<vmem>> -> memref<1x128xi32, #tpu.memory_space<vmem>>
      %dma_start3A_389 = tpu.memref_squeeze %dma_start3A_388 : memref<1x128xi32, #tpu.memory_space<vmem>> -> memref<128xi32, #tpu.memory_space<vmem>>
      %dma_start3A_390 = tpu.memref_slice %arg2[%add3A_385] : memref<2621440xi32, #tpu.memory_space<hbm>> -> memref<128xi32, #tpu.memory_space<hbm>>
      %dma_start3A_391 = arith.constant 0 : i32
      %dma_start3A_392 = tpu.memref_slice %arg5[%dma_start3A_386, %dma_start3A_391] : memref<40x128xi32, #tpu.memory_space<vmem>> -> memref<1x128xi32, #tpu.memory_space<vmem>>
      %dma_start3A_393 = tpu.memref_squeeze %dma_start3A_392 : memref<1x128xi32, #tpu.memory_space<vmem>> -> memref<128xi32, #tpu.memory_space<vmem>>
      %dma_start3A_394 = tpu.memref_slice %arg2[%add3A_385] : memref<2621440xi32, #tpu.memory_space<hbm>> -> memref<128xi32, #tpu.memory_space<hbm>>
      tpu.enqueue_dma source(%dma_start3A_394 : memref<128xi32, #tpu.memory_space<hbm>>) target(%dma_start3A_393 : memref<128xi32, #tpu.memory_space<vmem>>) target_semaphore(%arg9 : memref<!tpu.dma_semaphore, #tpu.memory_space<semaphore_mem>>)
      %add3A_395 = arith.constant 4224 : i32
      %add3A_396 = arith.addi %add3A_32, %add3A_395 : i32
      %dma_start3A_397 = arith.constant 33 : i32
      %dma_start3A_398 = arith.constant 0 : i32
      %dma_start3A_399 = tpu.memref_slice %arg5[%dma_start3A_397, %dma_start3A_398] : memref<40x128xi32, #tpu.memory_space<vmem>> -> memref<1x128xi32, #tpu.memory_space<vmem>>
      %dma_start3A_400 = tpu.memref_squeeze %dma_start3A_399 : memref<1x128xi32, #tpu.memory_space<vmem>> -> memref<128xi32, #tpu.memory_space<vmem>>
      %dma_start3A_401 = tpu.memref_slice %arg2[%add3A_396] : memref<2621440xi32, #tpu.memory_space<hbm>> -> memref<128xi32, #tpu.memory_space<hbm>>
      %dma_start3A_402 = arith.constant 0 : i32
      %dma_start3A_403 = tpu.memref_slice %arg5[%dma_start3A_397, %dma_start3A_402] : memref<40x128xi32, #tpu.memory_space<vmem>> -> memref<1x128xi32, #tpu.memory_space<vmem>>
      %dma_start3A_404 = tpu.memref_squeeze %dma_start3A_403 : memref<1x128xi32, #tpu.memory_space<vmem>> -> memref<128xi32, #tpu.memory_space<vmem>>
      %dma_start3A_405 = tpu.memref_slice %arg2[%add3A_396] : memref<2621440xi32, #tpu.memory_space<hbm>> -> memref<128xi32, #tpu.memory_space<hbm>>
      tpu.enqueue_dma source(%dma_start3A_405 : memref<128xi32, #tpu.memory_space<hbm>>) target(%dma_start3A_404 : memref<128xi32, #tpu.memory_space<vmem>>) target_semaphore(%arg9 : memref<!tpu.dma_semaphore, #tpu.memory_space<semaphore_mem>>)
      %add3A_406 = arith.constant 4352 : i32
      %add3A_407 = arith.addi %add3A_32, %add3A_406 : i32
      %dma_start3A_408 = arith.constant 34 : i32
      %dma_start3A_409 = arith.constant 0 : i32
      %dma_start3A_410 = tpu.memref_slice %arg5[%dma_start3A_408, %dma_start3A_409] : memref<40x128xi32, #tpu.memory_space<vmem>> -> memref<1x128xi32, #tpu.memory_space<vmem>>
      %dma_start3A_411 = tpu.memref_squeeze %dma_start3A_410 : memref<1x128xi32, #tpu.memory_space<vmem>> -> memref<128xi32, #tpu.memory_space<vmem>>
      %dma_start3A_412 = tpu.memref_slice %arg2[%add3A_407] : memref<2621440xi32, #tpu.memory_space<hbm>> -> memref<128xi32, #tpu.memory_space<hbm>>
      %dma_start3A_413 = arith.constant 0 : i32
      %dma_start3A_414 = tpu.memref_slice %arg5[%dma_start3A_408, %dma_start3A_413] : memref<40x128xi32, #tpu.memory_space<vmem>> -> memref<1x128xi32, #tpu.memory_space<vmem>>
      %dma_start3A_415 = tpu.memref_squeeze %dma_start3A_414 : memref<1x128xi32, #tpu.memory_space<vmem>> -> memref<128xi32, #tpu.memory_space<vmem>>
      %dma_start3A_416 = tpu.memref_slice %arg2[%add3A_407] : memref<2621440xi32, #tpu.memory_space<hbm>> -> memref<128xi32, #tpu.memory_space<hbm>>
      tpu.enqueue_dma source(%dma_start3A_416 : memref<128xi32, #tpu.memory_space<hbm>>) target(%dma_start3A_415 : memref<128xi32, #tpu.memory_space<vmem>>) target_semaphore(%arg9 : memref<!tpu.dma_semaphore, #tpu.memory_space<semaphore_mem>>)
      %add3A_417 = arith.constant 4480 : i32
      %add3A_418 = arith.addi %add3A_32, %add3A_417 : i32
      %dma_start3A_419 = arith.constant 35 : i32
      %dma_start3A_420 = arith.constant 0 : i32
      %dma_start3A_421 = tpu.memref_slice %arg5[%dma_start3A_419, %dma_start3A_420] : memref<40x128xi32, #tpu.memory_space<vmem>> -> memref<1x128xi32, #tpu.memory_space<vmem>>
      %dma_start3A_422 = tpu.memref_squeeze %dma_start3A_421 : memref<1x128xi32, #tpu.memory_space<vmem>> -> memref<128xi32, #tpu.memory_space<vmem>>
      %dma_start3A_423 = tpu.memref_slice %arg2[%add3A_418] : memref<2621440xi32, #tpu.memory_space<hbm>> -> memref<128xi32, #tpu.memory_space<hbm>>
      %dma_start3A_424 = arith.constant 0 : i32
      %dma_start3A_425 = tpu.memref_slice %arg5[%dma_start3A_419, %dma_start3A_424] : memref<40x128xi32, #tpu.memory_space<vmem>> -> memref<1x128xi32, #tpu.memory_space<vmem>>
      %dma_start3A_426 = tpu.memref_squeeze %dma_start3A_425 : memref<1x128xi32, #tpu.memory_space<vmem>> -> memref<128xi32, #tpu.memory_space<vmem>>
      %dma_start3A_427 = tpu.memref_slice %arg2[%add3A_418] : memref<2621440xi32, #tpu.memory_space<hbm>> -> memref<128xi32, #tpu.memory_space<hbm>>
      tpu.enqueue_dma source(%dma_start3A_427 : memref<128xi32, #tpu.memory_space<hbm>>) target(%dma_start3A_426 : memref<128xi32, #tpu.memory_space<vmem>>) target_semaphore(%arg9 : memref<!tpu.dma_semaphore, #tpu.memory_space<semaphore_mem>>)
      %add3A_428 = arith.constant 4608 : i32
      %add3A_429 = arith.addi %add3A_32, %add3A_428 : i32
      %dma_start3A_430 = arith.constant 36 : i32
      %dma_start3A_431 = arith.constant 0 : i32
      %dma_start3A_432 = tpu.memref_slice %arg5[%dma_start3A_430, %dma_start3A_431] : memref<40x128xi32, #tpu.memory_space<vmem>> -> memref<1x128xi32, #tpu.memory_space<vmem>>
      %dma_start3A_433 = tpu.memref_squeeze %dma_start3A_432 : memref<1x128xi32, #tpu.memory_space<vmem>> -> memref<128xi32, #tpu.memory_space<vmem>>
      %dma_start3A_434 = tpu.memref_slice %arg2[%add3A_429] : memref<2621440xi32, #tpu.memory_space<hbm>> -> memref<128xi32, #tpu.memory_space<hbm>>
      %dma_start3A_435 = arith.constant 0 : i32
      %dma_start3A_436 = tpu.memref_slice %arg5[%dma_start3A_430, %dma_start3A_435] : memref<40x128xi32, #tpu.memory_space<vmem>> -> memref<1x128xi32, #tpu.memory_space<vmem>>
      %dma_start3A_437 = tpu.memref_squeeze %dma_start3A_436 : memref<1x128xi32, #tpu.memory_space<vmem>> -> memref<128xi32, #tpu.memory_space<vmem>>
      %dma_start3A_438 = tpu.memref_slice %arg2[%add3A_429] : memref<2621440xi32, #tpu.memory_space<hbm>> -> memref<128xi32, #tpu.memory_space<hbm>>
      tpu.enqueue_dma source(%dma_start3A_438 : memref<128xi32, #tpu.memory_space<hbm>>) target(%dma_start3A_437 : memref<128xi32, #tpu.memory_space<vmem>>) target_semaphore(%arg9 : memref<!tpu.dma_semaphore, #tpu.memory_space<semaphore_mem>>)
      %add3A_439 = arith.constant 4736 : i32
      %add3A_440 = arith.addi %add3A_32, %add3A_439 : i32
      %dma_start3A_441 = arith.constant 37 : i32
      %dma_start3A_442 = arith.constant 0 : i32
      %dma_start3A_443 = tpu.memref_slice %arg5[%dma_start3A_441, %dma_start3A_442] : memref<40x128xi32, #tpu.memory_space<vmem>> -> memref<1x128xi32, #tpu.memory_space<vmem>>
      %dma_start3A_444 = tpu.memref_squeeze %dma_start3A_443 : memref<1x128xi32, #tpu.memory_space<vmem>> -> memref<128xi32, #tpu.memory_space<vmem>>
      %dma_start3A_445 = tpu.memref_slice %arg2[%add3A_440] : memref<2621440xi32, #tpu.memory_space<hbm>> -> memref<128xi32, #tpu.memory_space<hbm>>
      %dma_start3A_446 = arith.constant 0 : i32
      %dma_start3A_447 = tpu.memref_slice %arg5[%dma_start3A_441, %dma_start3A_446] : memref<40x128xi32, #tpu.memory_space<vmem>> -> memref<1x128xi32, #tpu.memory_space<vmem>>
      %dma_start3A_448 = tpu.memref_squeeze %dma_start3A_447 : memref<1x128xi32, #tpu.memory_space<vmem>> -> memref<128xi32, #tpu.memory_space<vmem>>
      %dma_start3A_449 = tpu.memref_slice %arg2[%add3A_440] : memref<2621440xi32, #tpu.memory_space<hbm>> -> memref<128xi32, #tpu.memory_space<hbm>>
      tpu.enqueue_dma source(%dma_start3A_449 : memref<128xi32, #tpu.memory_space<hbm>>) target(%dma_start3A_448 : memref<128xi32, #tpu.memory_space<vmem>>) target_semaphore(%arg9 : memref<!tpu.dma_semaphore, #tpu.memory_space<semaphore_mem>>)
      %add3A_450 = arith.constant 4864 : i32
      %add3A_451 = arith.addi %add3A_32, %add3A_450 : i32
      %dma_start3A_452 = arith.constant 38 : i32
      %dma_start3A_453 = arith.constant 0 : i32
      %dma_start3A_454 = tpu.memref_slice %arg5[%dma_start3A_452, %dma_start3A_453] : memref<40x128xi32, #tpu.memory_space<vmem>> -> memref<1x128xi32, #tpu.memory_space<vmem>>
      %dma_start3A_455 = tpu.memref_squeeze %dma_start3A_454 : memref<1x128xi32, #tpu.memory_space<vmem>> -> memref<128xi32, #tpu.memory_space<vmem>>
      %dma_start3A_456 = tpu.memref_slice %arg2[%add3A_451] : memref<2621440xi32, #tpu.memory_space<hbm>> -> memref<128xi32, #tpu.memory_space<hbm>>
      %dma_start3A_457 = arith.constant 0 : i32
      %dma_start3A_458 = tpu.memref_slice %arg5[%dma_start3A_452, %dma_start3A_457] : memref<40x128xi32, #tpu.memory_space<vmem>> -> memref<1x128xi32, #tpu.memory_space<vmem>>
      %dma_start3A_459 = tpu.memref_squeeze %dma_start3A_458 : memref<1x128xi32, #tpu.memory_space<vmem>> -> memref<128xi32, #tpu.memory_space<vmem>>
      %dma_start3A_460 = tpu.memref_slice %arg2[%add3A_451] : memref<2621440xi32, #tpu.memory_space<hbm>> -> memref<128xi32, #tpu.memory_space<hbm>>
      tpu.enqueue_dma source(%dma_start3A_460 : memref<128xi32, #tpu.memory_space<hbm>>) target(%dma_start3A_459 : memref<128xi32, #tpu.memory_space<vmem>>) target_semaphore(%arg9 : memref<!tpu.dma_semaphore, #tpu.memory_space<semaphore_mem>>)
      %add3A_461 = arith.constant 4992 : i32
      %add3A_462 = arith.addi %add3A_32, %add3A_461 : i32
      %dma_start3A_463 = arith.constant 39 : i32
      %dma_start3A_464 = arith.constant 0 : i32
      %dma_start3A_465 = tpu.memref_slice %arg5[%dma_start3A_463, %dma_start3A_464] : memref<40x128xi32, #tpu.memory_space<vmem>> -> memref<1x128xi32, #tpu.memory_space<vmem>>
      %dma_start3A_466 = tpu.memref_squeeze %dma_start3A_465 : memref<1x128xi32, #tpu.memory_space<vmem>> -> memref<128xi32, #tpu.memory_space<vmem>>
      %dma_start3A_467 = tpu.memref_slice %arg2[%add3A_462] : memref<2621440xi32, #tpu.memory_space<hbm>> -> memref<128xi32, #tpu.memory_space<hbm>>
      %dma_start3A_468 = arith.constant 0 : i32
      %dma_start3A_469 = tpu.memref_slice %arg5[%dma_start3A_463, %dma_start3A_468] : memref<40x128xi32, #tpu.memory_space<vmem>> -> memref<1x128xi32, #tpu.memory_space<vmem>>
      %dma_start3A_470 = tpu.memref_squeeze %dma_start3A_469 : memref<1x128xi32, #tpu.memory_space<vmem>> -> memref<128xi32, #tpu.memory_space<vmem>>
      %dma_start3A_471 = tpu.memref_slice %arg2[%add3A_462] : memref<2621440xi32, #tpu.memory_space<hbm>> -> memref<128xi32, #tpu.memory_space<hbm>>
      tpu.enqueue_dma source(%dma_start3A_471 : memref<128xi32, #tpu.memory_space<hbm>>) target(%dma_start3A_470 : memref<128xi32, #tpu.memory_space<vmem>>) target_semaphore(%arg9 : memref<!tpu.dma_semaphore, #tpu.memory_space<semaphore_mem>>)
      %dma_wait3A = arith.constant 0 : i32
      %dma_wait3A_472 = arith.constant 0 : i32
      %dma_wait3A_473 = tpu.memref_slice %arg5[%dma_wait3A, %dma_wait3A_472] : memref<40x128xi32, #tpu.memory_space<vmem>> -> memref<1x128xi32, #tpu.memory_space<vmem>>
      %dma_wait3A_474 = tpu.memref_squeeze %dma_wait3A_473 : memref<1x128xi32, #tpu.memory_space<vmem>> -> memref<128xi32, #tpu.memory_space<vmem>>
      %dma_wait3A_475 = tpu.memref_slice %arg2[%add3A_34] : memref<2621440xi32, #tpu.memory_space<hbm>> -> memref<128xi32, #tpu.memory_space<hbm>>
      %dma_wait3A_476 = arith.constant 0 : i32
      %dma_wait3A_477 = tpu.memref_slice %arg5[%dma_wait3A, %dma_wait3A_476] : memref<40x128xi32, #tpu.memory_space<vmem>> -> memref<1x128xi32, #tpu.memory_space<vmem>>
      %dma_wait3A_478 = tpu.memref_squeeze %dma_wait3A_477 : memref<1x128xi32, #tpu.memory_space<vmem>> -> memref<128xi32, #tpu.memory_space<vmem>>
      %dma_wait3A_479 = tpu.memref_slice %arg2[%add3A_34] : memref<2621440xi32, #tpu.memory_space<hbm>> -> memref<128xi32, #tpu.memory_space<hbm>>
      tpu.wait_dma2 semaphore(%arg9 : memref<!tpu.dma_semaphore, #tpu.memory_space<semaphore_mem>>) src(%dma_wait3A_479 : memref<128xi32, #tpu.memory_space<hbm>>) dst(%dma_wait3A_478 : memref<128xi32, #tpu.memory_space<vmem>>)
      %dma_wait3A_480 = arith.constant 1 : i32
      %dma_wait3A_481 = arith.constant 0 : i32
      %dma_wait3A_482 = tpu.memref_slice %arg5[%dma_wait3A_480, %dma_wait3A_481] : memref<40x128xi32, #tpu.memory_space<vmem>> -> memref<1x128xi32, #tpu.memory_space<vmem>>
      %dma_wait3A_483 = tpu.memref_squeeze %dma_wait3A_482 : memref<1x128xi32, #tpu.memory_space<vmem>> -> memref<128xi32, #tpu.memory_space<vmem>>
      %dma_wait3A_484 = tpu.memref_slice %arg2[%add3A_44] : memref<2621440xi32, #tpu.memory_space<hbm>> -> memref<128xi32, #tpu.memory_space<hbm>>
      %dma_wait3A_485 = arith.constant 0 : i32
      %dma_wait3A_486 = tpu.memref_slice %arg5[%dma_wait3A_480, %dma_wait3A_485] : memref<40x128xi32, #tpu.memory_space<vmem>> -> memref<1x128xi32, #tpu.memory_space<vmem>>
      %dma_wait3A_487 = tpu.memref_squeeze %dma_wait3A_486 : memref<1x128xi32, #tpu.memory_space<vmem>> -> memref<128xi32, #tpu.memory_space<vmem>>
      %dma_wait3A_488 = tpu.memref_slice %arg2[%add3A_44] : memref<2621440xi32, #tpu.memory_space<hbm>> -> memref<128xi32, #tpu.memory_space<hbm>>
      tpu.wait_dma2 semaphore(%arg9 : memref<!tpu.dma_semaphore, #tpu.memory_space<semaphore_mem>>) src(%dma_wait3A_488 : memref<128xi32, #tpu.memory_space<hbm>>) dst(%dma_wait3A_487 : memref<128xi32, #tpu.memory_space<vmem>>)
      %dma_wait3A_489 = arith.constant 2 : i32
      %dma_wait3A_490 = arith.constant 0 : i32
      %dma_wait3A_491 = tpu.memref_slice %arg5[%dma_wait3A_489, %dma_wait3A_490] : memref<40x128xi32, #tpu.memory_space<vmem>> -> memref<1x128xi32, #tpu.memory_space<vmem>>
      %dma_wait3A_492 = tpu.memref_squeeze %dma_wait3A_491 : memref<1x128xi32, #tpu.memory_space<vmem>> -> memref<128xi32, #tpu.memory_space<vmem>>
      %dma_wait3A_493 = tpu.memref_slice %arg2[%add3A_55] : memref<2621440xi32, #tpu.memory_space<hbm>> -> memref<128xi32, #tpu.memory_space<hbm>>
      %dma_wait3A_494 = arith.constant 0 : i32
      %dma_wait3A_495 = tpu.memref_slice %arg5[%dma_wait3A_489, %dma_wait3A_494] : memref<40x128xi32, #tpu.memory_space<vmem>> -> memref<1x128xi32, #tpu.memory_space<vmem>>
      %dma_wait3A_496 = tpu.memref_squeeze %dma_wait3A_495 : memref<1x128xi32, #tpu.memory_space<vmem>> -> memref<128xi32, #tpu.memory_space<vmem>>
      %dma_wait3A_497 = tpu.memref_slice %arg2[%add3A_55] : memref<2621440xi32, #tpu.memory_space<hbm>> -> memref<128xi32, #tpu.memory_space<hbm>>
      tpu.wait_dma2 semaphore(%arg9 : memref<!tpu.dma_semaphore, #tpu.memory_space<semaphore_mem>>) src(%dma_wait3A_497 : memref<128xi32, #tpu.memory_space<hbm>>) dst(%dma_wait3A_496 : memref<128xi32, #tpu.memory_space<vmem>>)
      %dma_wait3A_498 = arith.constant 3 : i32
      %dma_wait3A_499 = arith.constant 0 : i32
      %dma_wait3A_500 = tpu.memref_slice %arg5[%dma_wait3A_498, %dma_wait3A_499] : memref<40x128xi32, #tpu.memory_space<vmem>> -> memref<1x128xi32, #tpu.memory_space<vmem>>
      %dma_wait3A_501 = tpu.memref_squeeze %dma_wait3A_500 : memref<1x128xi32, #tpu.memory_space<vmem>> -> memref<128xi32, #tpu.memory_space<vmem>>
      %dma_wait3A_502 = tpu.memref_slice %arg2[%add3A_66] : memref<2621440xi32, #tpu.memory_space<hbm>> -> memref<128xi32, #tpu.memory_space<hbm>>
      %dma_wait3A_503 = arith.constant 0 : i32
      %dma_wait3A_504 = tpu.memref_slice %arg5[%dma_wait3A_498, %dma_wait3A_503] : memref<40x128xi32, #tpu.memory_space<vmem>> -> memref<1x128xi32, #tpu.memory_space<vmem>>
      %dma_wait3A_505 = tpu.memref_squeeze %dma_wait3A_504 : memref<1x128xi32, #tpu.memory_space<vmem>> -> memref<128xi32, #tpu.memory_space<vmem>>
      %dma_wait3A_506 = tpu.memref_slice %arg2[%add3A_66] : memref<2621440xi32, #tpu.memory_space<hbm>> -> memref<128xi32, #tpu.memory_space<hbm>>
      tpu.wait_dma2 semaphore(%arg9 : memref<!tpu.dma_semaphore, #tpu.memory_space<semaphore_mem>>) src(%dma_wait3A_506 : memref<128xi32, #tpu.memory_space<hbm>>) dst(%dma_wait3A_505 : memref<128xi32, #tpu.memory_space<vmem>>)
      %dma_wait3A_507 = arith.constant 4 : i32
      %dma_wait3A_508 = arith.constant 0 : i32
      %dma_wait3A_509 = tpu.memref_slice %arg5[%dma_wait3A_507, %dma_wait3A_508] : memref<40x128xi32, #tpu.memory_space<vmem>> -> memref<1x128xi32, #tpu.memory_space<vmem>>
      %dma_wait3A_510 = tpu.memref_squeeze %dma_wait3A_509 : memref<1x128xi32, #tpu.memory_space<vmem>> -> memref<128xi32, #tpu.memory_space<vmem>>
      %dma_wait3A_511 = tpu.memref_slice %arg2[%add3A_77] : memref<2621440xi32, #tpu.memory_space<hbm>> -> memref<128xi32, #tpu.memory_space<hbm>>
      %dma_wait3A_512 = arith.constant 0 : i32
      %dma_wait3A_513 = tpu.memref_slice %arg5[%dma_wait3A_507, %dma_wait3A_512] : memref<40x128xi32, #tpu.memory_space<vmem>> -> memref<1x128xi32, #tpu.memory_space<vmem>>
      %dma_wait3A_514 = tpu.memref_squeeze %dma_wait3A_513 : memref<1x128xi32, #tpu.memory_space<vmem>> -> memref<128xi32, #tpu.memory_space<vmem>>
      %dma_wait3A_515 = tpu.memref_slice %arg2[%add3A_77] : memref<2621440xi32, #tpu.memory_space<hbm>> -> memref<128xi32, #tpu.memory_space<hbm>>
      tpu.wait_dma2 semaphore(%arg9 : memref<!tpu.dma_semaphore, #tpu.memory_space<semaphore_mem>>) src(%dma_wait3A_515 : memref<128xi32, #tpu.memory_space<hbm>>) dst(%dma_wait3A_514 : memref<128xi32, #tpu.memory_space<vmem>>)
      %dma_wait3A_516 = arith.constant 5 : i32
      %dma_wait3A_517 = arith.constant 0 : i32
      %dma_wait3A_518 = tpu.memref_slice %arg5[%dma_wait3A_516, %dma_wait3A_517] : memref<40x128xi32, #tpu.memory_space<vmem>> -> memref<1x128xi32, #tpu.memory_space<vmem>>
      %dma_wait3A_519 = tpu.memref_squeeze %dma_wait3A_518 : memref<1x128xi32, #tpu.memory_space<vmem>> -> memref<128xi32, #tpu.memory_space<vmem>>
      %dma_wait3A_520 = tpu.memref_slice %arg2[%add3A_88] : memref<2621440xi32, #tpu.memory_space<hbm>> -> memref<128xi32, #tpu.memory_space<hbm>>
      %dma_wait3A_521 = arith.constant 0 : i32
      %dma_wait3A_522 = tpu.memref_slice %arg5[%dma_wait3A_516, %dma_wait3A_521] : memref<40x128xi32, #tpu.memory_space<vmem>> -> memref<1x128xi32, #tpu.memory_space<vmem>>
      %dma_wait3A_523 = tpu.memref_squeeze %dma_wait3A_522 : memref<1x128xi32, #tpu.memory_space<vmem>> -> memref<128xi32, #tpu.memory_space<vmem>>
      %dma_wait3A_524 = tpu.memref_slice %arg2[%add3A_88] : memref<2621440xi32, #tpu.memory_space<hbm>> -> memref<128xi32, #tpu.memory_space<hbm>>
      tpu.wait_dma2 semaphore(%arg9 : memref<!tpu.dma_semaphore, #tpu.memory_space<semaphore_mem>>) src(%dma_wait3A_524 : memref<128xi32, #tpu.memory_space<hbm>>) dst(%dma_wait3A_523 : memref<128xi32, #tpu.memory_space<vmem>>)
      %dma_wait3A_525 = arith.constant 6 : i32
      %dma_wait3A_526 = arith.constant 0 : i32
      %dma_wait3A_527 = tpu.memref_slice %arg5[%dma_wait3A_525, %dma_wait3A_526] : memref<40x128xi32, #tpu.memory_space<vmem>> -> memref<1x128xi32, #tpu.memory_space<vmem>>
      %dma_wait3A_528 = tpu.memref_squeeze %dma_wait3A_527 : memref<1x128xi32, #tpu.memory_space<vmem>> -> memref<128xi32, #tpu.memory_space<vmem>>
      %dma_wait3A_529 = tpu.memref_slice %arg2[%add3A_99] : memref<2621440xi32, #tpu.memory_space<hbm>> -> memref<128xi32, #tpu.memory_space<hbm>>
      %dma_wait3A_530 = arith.constant 0 : i32
      %dma_wait3A_531 = tpu.memref_slice %arg5[%dma_wait3A_525, %dma_wait3A_530] : memref<40x128xi32, #tpu.memory_space<vmem>> -> memref<1x128xi32, #tpu.memory_space<vmem>>
      %dma_wait3A_532 = tpu.memref_squeeze %dma_wait3A_531 : memref<1x128xi32, #tpu.memory_space<vmem>> -> memref<128xi32, #tpu.memory_space<vmem>>
      %dma_wait3A_533 = tpu.memref_slice %arg2[%add3A_99] : memref<2621440xi32, #tpu.memory_space<hbm>> -> memref<128xi32, #tpu.memory_space<hbm>>
      tpu.wait_dma2 semaphore(%arg9 : memref<!tpu.dma_semaphore, #tpu.memory_space<semaphore_mem>>) src(%dma_wait3A_533 : memref<128xi32, #tpu.memory_space<hbm>>) dst(%dma_wait3A_532 : memref<128xi32, #tpu.memory_space<vmem>>)
      %dma_wait3A_534 = arith.constant 7 : i32
      %dma_wait3A_535 = arith.constant 0 : i32
      %dma_wait3A_536 = tpu.memref_slice %arg5[%dma_wait3A_534, %dma_wait3A_535] : memref<40x128xi32, #tpu.memory_space<vmem>> -> memref<1x128xi32, #tpu.memory_space<vmem>>
      %dma_wait3A_537 = tpu.memref_squeeze %dma_wait3A_536 : memref<1x128xi32, #tpu.memory_space<vmem>> -> memref<128xi32, #tpu.memory_space<vmem>>
      %dma_wait3A_538 = tpu.memref_slice %arg2[%add3A_110] : memref<2621440xi32, #tpu.memory_space<hbm>> -> memref<128xi32, #tpu.memory_space<hbm>>
      %dma_wait3A_539 = arith.constant 0 : i32
      %dma_wait3A_540 = tpu.memref_slice %arg5[%dma_wait3A_534, %dma_wait3A_539] : memref<40x128xi32, #tpu.memory_space<vmem>> -> memref<1x128xi32, #tpu.memory_space<vmem>>
      %dma_wait3A_541 = tpu.memref_squeeze %dma_wait3A_540 : memref<1x128xi32, #tpu.memory_space<vmem>> -> memref<128xi32, #tpu.memory_space<vmem>>
      %dma_wait3A_542 = tpu.memref_slice %arg2[%add3A_110] : memref<2621440xi32, #tpu.memory_space<hbm>> -> memref<128xi32, #tpu.memory_space<hbm>>
      tpu.wait_dma2 semaphore(%arg9 : memref<!tpu.dma_semaphore, #tpu.memory_space<semaphore_mem>>) src(%dma_wait3A_542 : memref<128xi32, #tpu.memory_space<hbm>>) dst(%dma_wait3A_541 : memref<128xi32, #tpu.memory_space<vmem>>)
      %dma_wait3A_543 = arith.constant 8 : i32
      %dma_wait3A_544 = arith.constant 0 : i32
      %dma_wait3A_545 = tpu.memref_slice %arg5[%dma_wait3A_543, %dma_wait3A_544] : memref<40x128xi32, #tpu.memory_space<vmem>> -> memref<1x128xi32, #tpu.memory_space<vmem>>
      %dma_wait3A_546 = tpu.memref_squeeze %dma_wait3A_545 : memref<1x128xi32, #tpu.memory_space<vmem>> -> memref<128xi32, #tpu.memory_space<vmem>>
      %dma_wait3A_547 = tpu.memref_slice %arg2[%add3A_121] : memref<2621440xi32, #tpu.memory_space<hbm>> -> memref<128xi32, #tpu.memory_space<hbm>>
      %dma_wait3A_548 = arith.constant 0 : i32
      %dma_wait3A_549 = tpu.memref_slice %arg5[%dma_wait3A_543, %dma_wait3A_548] : memref<40x128xi32, #tpu.memory_space<vmem>> -> memref<1x128xi32, #tpu.memory_space<vmem>>
      %dma_wait3A_550 = tpu.memref_squeeze %dma_wait3A_549 : memref<1x128xi32, #tpu.memory_space<vmem>> -> memref<128xi32, #tpu.memory_space<vmem>>
      %dma_wait3A_551 = tpu.memref_slice %arg2[%add3A_121] : memref<2621440xi32, #tpu.memory_space<hbm>> -> memref<128xi32, #tpu.memory_space<hbm>>
      tpu.wait_dma2 semaphore(%arg9 : memref<!tpu.dma_semaphore, #tpu.memory_space<semaphore_mem>>) src(%dma_wait3A_551 : memref<128xi32, #tpu.memory_space<hbm>>) dst(%dma_wait3A_550 : memref<128xi32, #tpu.memory_space<vmem>>)
      %dma_wait3A_552 = arith.constant 9 : i32
      %dma_wait3A_553 = arith.constant 0 : i32
      %dma_wait3A_554 = tpu.memref_slice %arg5[%dma_wait3A_552, %dma_wait3A_553] : memref<40x128xi32, #tpu.memory_space<vmem>> -> memref<1x128xi32, #tpu.memory_space<vmem>>
      %dma_wait3A_555 = tpu.memref_squeeze %dma_wait3A_554 : memref<1x128xi32, #tpu.memory_space<vmem>> -> memref<128xi32, #tpu.memory_space<vmem>>
      %dma_wait3A_556 = tpu.memref_slice %arg2[%add3A_132] : memref<2621440xi32, #tpu.memory_space<hbm>> -> memref<128xi32, #tpu.memory_space<hbm>>
      %dma_wait3A_557 = arith.constant 0 : i32
      %dma_wait3A_558 = tpu.memref_slice %arg5[%dma_wait3A_552, %dma_wait3A_557] : memref<40x128xi32, #tpu.memory_space<vmem>> -> memref<1x128xi32, #tpu.memory_space<vmem>>
      %dma_wait3A_559 = tpu.memref_squeeze %dma_wait3A_558 : memref<1x128xi32, #tpu.memory_space<vmem>> -> memref<128xi32, #tpu.memory_space<vmem>>
      %dma_wait3A_560 = tpu.memref_slice %arg2[%add3A_132] : memref<2621440xi32, #tpu.memory_space<hbm>> -> memref<128xi32, #tpu.memory_space<hbm>>
      tpu.wait_dma2 semaphore(%arg9 : memref<!tpu.dma_semaphore, #tpu.memory_space<semaphore_mem>>) src(%dma_wait3A_560 : memref<128xi32, #tpu.memory_space<hbm>>) dst(%dma_wait3A_559 : memref<128xi32, #tpu.memory_space<vmem>>)
      %dma_wait3A_561 = arith.constant 10 : i32
      %dma_wait3A_562 = arith.constant 0 : i32
      %dma_wait3A_563 = tpu.memref_slice %arg5[%dma_wait3A_561, %dma_wait3A_562] : memref<40x128xi32, #tpu.memory_space<vmem>> -> memref<1x128xi32, #tpu.memory_space<vmem>>
      %dma_wait3A_564 = tpu.memref_squeeze %dma_wait3A_563 : memref<1x128xi32, #tpu.memory_space<vmem>> -> memref<128xi32, #tpu.memory_space<vmem>>
      %dma_wait3A_565 = tpu.memref_slice %arg2[%add3A_143] : memref<2621440xi32, #tpu.memory_space<hbm>> -> memref<128xi32, #tpu.memory_space<hbm>>
      %dma_wait3A_566 = arith.constant 0 : i32
      %dma_wait3A_567 = tpu.memref_slice %arg5[%dma_wait3A_561, %dma_wait3A_566] : memref<40x128xi32, #tpu.memory_space<vmem>> -> memref<1x128xi32, #tpu.memory_space<vmem>>
      %dma_wait3A_568 = tpu.memref_squeeze %dma_wait3A_567 : memref<1x128xi32, #tpu.memory_space<vmem>> -> memref<128xi32, #tpu.memory_space<vmem>>
      %dma_wait3A_569 = tpu.memref_slice %arg2[%add3A_143] : memref<2621440xi32, #tpu.memory_space<hbm>> -> memref<128xi32, #tpu.memory_space<hbm>>
      tpu.wait_dma2 semaphore(%arg9 : memref<!tpu.dma_semaphore, #tpu.memory_space<semaphore_mem>>) src(%dma_wait3A_569 : memref<128xi32, #tpu.memory_space<hbm>>) dst(%dma_wait3A_568 : memref<128xi32, #tpu.memory_space<vmem>>)
      %dma_wait3A_570 = arith.constant 11 : i32
      %dma_wait3A_571 = arith.constant 0 : i32
      %dma_wait3A_572 = tpu.memref_slice %arg5[%dma_wait3A_570, %dma_wait3A_571] : memref<40x128xi32, #tpu.memory_space<vmem>> -> memref<1x128xi32, #tpu.memory_space<vmem>>
      %dma_wait3A_573 = tpu.memref_squeeze %dma_wait3A_572 : memref<1x128xi32, #tpu.memory_space<vmem>> -> memref<128xi32, #tpu.memory_space<vmem>>
      %dma_wait3A_574 = tpu.memref_slice %arg2[%add3A_154] : memref<2621440xi32, #tpu.memory_space<hbm>> -> memref<128xi32, #tpu.memory_space<hbm>>
      %dma_wait3A_575 = arith.constant 0 : i32
      %dma_wait3A_576 = tpu.memref_slice %arg5[%dma_wait3A_570, %dma_wait3A_575] : memref<40x128xi32, #tpu.memory_space<vmem>> -> memref<1x128xi32, #tpu.memory_space<vmem>>
      %dma_wait3A_577 = tpu.memref_squeeze %dma_wait3A_576 : memref<1x128xi32, #tpu.memory_space<vmem>> -> memref<128xi32, #tpu.memory_space<vmem>>
      %dma_wait3A_578 = tpu.memref_slice %arg2[%add3A_154] : memref<2621440xi32, #tpu.memory_space<hbm>> -> memref<128xi32, #tpu.memory_space<hbm>>
      tpu.wait_dma2 semaphore(%arg9 : memref<!tpu.dma_semaphore, #tpu.memory_space<semaphore_mem>>) src(%dma_wait3A_578 : memref<128xi32, #tpu.memory_space<hbm>>) dst(%dma_wait3A_577 : memref<128xi32, #tpu.memory_space<vmem>>)
      %dma_wait3A_579 = arith.constant 12 : i32
      %dma_wait3A_580 = arith.constant 0 : i32
      %dma_wait3A_581 = tpu.memref_slice %arg5[%dma_wait3A_579, %dma_wait3A_580] : memref<40x128xi32, #tpu.memory_space<vmem>> -> memref<1x128xi32, #tpu.memory_space<vmem>>
      %dma_wait3A_582 = tpu.memref_squeeze %dma_wait3A_581 : memref<1x128xi32, #tpu.memory_space<vmem>> -> memref<128xi32, #tpu.memory_space<vmem>>
      %dma_wait3A_583 = tpu.memref_slice %arg2[%add3A_165] : memref<2621440xi32, #tpu.memory_space<hbm>> -> memref<128xi32, #tpu.memory_space<hbm>>
      %dma_wait3A_584 = arith.constant 0 : i32
      %dma_wait3A_585 = tpu.memref_slice %arg5[%dma_wait3A_579, %dma_wait3A_584] : memref<40x128xi32, #tpu.memory_space<vmem>> -> memref<1x128xi32, #tpu.memory_space<vmem>>
      %dma_wait3A_586 = tpu.memref_squeeze %dma_wait3A_585 : memref<1x128xi32, #tpu.memory_space<vmem>> -> memref<128xi32, #tpu.memory_space<vmem>>
      %dma_wait3A_587 = tpu.memref_slice %arg2[%add3A_165] : memref<2621440xi32, #tpu.memory_space<hbm>> -> memref<128xi32, #tpu.memory_space<hbm>>
      tpu.wait_dma2 semaphore(%arg9 : memref<!tpu.dma_semaphore, #tpu.memory_space<semaphore_mem>>) src(%dma_wait3A_587 : memref<128xi32, #tpu.memory_space<hbm>>) dst(%dma_wait3A_586 : memref<128xi32, #tpu.memory_space<vmem>>)
      %dma_wait3A_588 = arith.constant 13 : i32
      %dma_wait3A_589 = arith.constant 0 : i32
      %dma_wait3A_590 = tpu.memref_slice %arg5[%dma_wait3A_588, %dma_wait3A_589] : memref<40x128xi32, #tpu.memory_space<vmem>> -> memref<1x128xi32, #tpu.memory_space<vmem>>
      %dma_wait3A_591 = tpu.memref_squeeze %dma_wait3A_590 : memref<1x128xi32, #tpu.memory_space<vmem>> -> memref<128xi32, #tpu.memory_space<vmem>>
      %dma_wait3A_592 = tpu.memref_slice %arg2[%add3A_176] : memref<2621440xi32, #tpu.memory_space<hbm>> -> memref<128xi32, #tpu.memory_space<hbm>>
      %dma_wait3A_593 = arith.constant 0 : i32
      %dma_wait3A_594 = tpu.memref_slice %arg5[%dma_wait3A_588, %dma_wait3A_593] : memref<40x128xi32, #tpu.memory_space<vmem>> -> memref<1x128xi32, #tpu.memory_space<vmem>>
      %dma_wait3A_595 = tpu.memref_squeeze %dma_wait3A_594 : memref<1x128xi32, #tpu.memory_space<vmem>> -> memref<128xi32, #tpu.memory_space<vmem>>
      %dma_wait3A_596 = tpu.memref_slice %arg2[%add3A_176] : memref<2621440xi32, #tpu.memory_space<hbm>> -> memref<128xi32, #tpu.memory_space<hbm>>
      tpu.wait_dma2 semaphore(%arg9 : memref<!tpu.dma_semaphore, #tpu.memory_space<semaphore_mem>>) src(%dma_wait3A_596 : memref<128xi32, #tpu.memory_space<hbm>>) dst(%dma_wait3A_595 : memref<128xi32, #tpu.memory_space<vmem>>)
      %dma_wait3A_597 = arith.constant 14 : i32
      %dma_wait3A_598 = arith.constant 0 : i32
      %dma_wait3A_599 = tpu.memref_slice %arg5[%dma_wait3A_597, %dma_wait3A_598] : memref<40x128xi32, #tpu.memory_space<vmem>> -> memref<1x128xi32, #tpu.memory_space<vmem>>
      %dma_wait3A_600 = tpu.memref_squeeze %dma_wait3A_599 : memref<1x128xi32, #tpu.memory_space<vmem>> -> memref<128xi32, #tpu.memory_space<vmem>>
      %dma_wait3A_601 = tpu.memref_slice %arg2[%add3A_187] : memref<2621440xi32, #tpu.memory_space<hbm>> -> memref<128xi32, #tpu.memory_space<hbm>>
      %dma_wait3A_602 = arith.constant 0 : i32
      %dma_wait3A_603 = tpu.memref_slice %arg5[%dma_wait3A_597, %dma_wait3A_602] : memref<40x128xi32, #tpu.memory_space<vmem>> -> memref<1x128xi32, #tpu.memory_space<vmem>>
      %dma_wait3A_604 = tpu.memref_squeeze %dma_wait3A_603 : memref<1x128xi32, #tpu.memory_space<vmem>> -> memref<128xi32, #tpu.memory_space<vmem>>
      %dma_wait3A_605 = tpu.memref_slice %arg2[%add3A_187] : memref<2621440xi32, #tpu.memory_space<hbm>> -> memref<128xi32, #tpu.memory_space<hbm>>
      tpu.wait_dma2 semaphore(%arg9 : memref<!tpu.dma_semaphore, #tpu.memory_space<semaphore_mem>>) src(%dma_wait3A_605 : memref<128xi32, #tpu.memory_space<hbm>>) dst(%dma_wait3A_604 : memref<128xi32, #tpu.memory_space<vmem>>)
      %dma_wait3A_606 = arith.constant 15 : i32
      %dma_wait3A_607 = arith.constant 0 : i32
      %dma_wait3A_608 = tpu.memref_slice %arg5[%dma_wait3A_606, %dma_wait3A_607] : memref<40x128xi32, #tpu.memory_space<vmem>> -> memref<1x128xi32, #tpu.memory_space<vmem>>
      %dma_wait3A_609 = tpu.memref_squeeze %dma_wait3A_608 : memref<1x128xi32, #tpu.memory_space<vmem>> -> memref<128xi32, #tpu.memory_space<vmem>>
      %dma_wait3A_610 = tpu.memref_slice %arg2[%add3A_198] : memref<2621440xi32, #tpu.memory_space<hbm>> -> memref<128xi32, #tpu.memory_space<hbm>>
      %dma_wait3A_611 = arith.constant 0 : i32
      %dma_wait3A_612 = tpu.memref_slice %arg5[%dma_wait3A_606, %dma_wait3A_611] : memref<40x128xi32, #tpu.memory_space<vmem>> -> memref<1x128xi32, #tpu.memory_space<vmem>>
      %dma_wait3A_613 = tpu.memref_squeeze %dma_wait3A_612 : memref<1x128xi32, #tpu.memory_space<vmem>> -> memref<128xi32, #tpu.memory_space<vmem>>
      %dma_wait3A_614 = tpu.memref_slice %arg2[%add3A_198] : memref<2621440xi32, #tpu.memory_space<hbm>> -> memref<128xi32, #tpu.memory_space<hbm>>
      tpu.wait_dma2 semaphore(%arg9 : memref<!tpu.dma_semaphore, #tpu.memory_space<semaphore_mem>>) src(%dma_wait3A_614 : memref<128xi32, #tpu.memory_space<hbm>>) dst(%dma_wait3A_613 : memref<128xi32, #tpu.memory_space<vmem>>)
      %dma_wait3A_615 = arith.constant 16 : i32
      %dma_wait3A_616 = arith.constant 0 : i32
      %dma_wait3A_617 = tpu.memref_slice %arg5[%dma_wait3A_615, %dma_wait3A_616] : memref<40x128xi32, #tpu.memory_space<vmem>> -> memref<1x128xi32, #tpu.memory_space<vmem>>
      %dma_wait3A_618 = tpu.memref_squeeze %dma_wait3A_617 : memref<1x128xi32, #tpu.memory_space<vmem>> -> memref<128xi32, #tpu.memory_space<vmem>>
      %dma_wait3A_619 = tpu.memref_slice %arg2[%add3A_209] : memref<2621440xi32, #tpu.memory_space<hbm>> -> memref<128xi32, #tpu.memory_space<hbm>>
      %dma_wait3A_620 = arith.constant 0 : i32
      %dma_wait3A_621 = tpu.memref_slice %arg5[%dma_wait3A_615, %dma_wait3A_620] : memref<40x128xi32, #tpu.memory_space<vmem>> -> memref<1x128xi32, #tpu.memory_space<vmem>>
      %dma_wait3A_622 = tpu.memref_squeeze %dma_wait3A_621 : memref<1x128xi32, #tpu.memory_space<vmem>> -> memref<128xi32, #tpu.memory_space<vmem>>
      %dma_wait3A_623 = tpu.memref_slice %arg2[%add3A_209] : memref<2621440xi32, #tpu.memory_space<hbm>> -> memref<128xi32, #tpu.memory_space<hbm>>
      tpu.wait_dma2 semaphore(%arg9 : memref<!tpu.dma_semaphore, #tpu.memory_space<semaphore_mem>>) src(%dma_wait3A_623 : memref<128xi32, #tpu.memory_space<hbm>>) dst(%dma_wait3A_622 : memref<128xi32, #tpu.memory_space<vmem>>)
      %dma_wait3A_624 = arith.constant 17 : i32
      %dma_wait3A_625 = arith.constant 0 : i32
      %dma_wait3A_626 = tpu.memref_slice %arg5[%dma_wait3A_624, %dma_wait3A_625] : memref<40x128xi32, #tpu.memory_space<vmem>> -> memref<1x128xi32, #tpu.memory_space<vmem>>
      %dma_wait3A_627 = tpu.memref_squeeze %dma_wait3A_626 : memref<1x128xi32, #tpu.memory_space<vmem>> -> memref<128xi32, #tpu.memory_space<vmem>>
      %dma_wait3A_628 = tpu.memref_slice %arg2[%add3A_220] : memref<2621440xi32, #tpu.memory_space<hbm>> -> memref<128xi32, #tpu.memory_space<hbm>>
      %dma_wait3A_629 = arith.constant 0 : i32
      %dma_wait3A_630 = tpu.memref_slice %arg5[%dma_wait3A_624, %dma_wait3A_629] : memref<40x128xi32, #tpu.memory_space<vmem>> -> memref<1x128xi32, #tpu.memory_space<vmem>>
      %dma_wait3A_631 = tpu.memref_squeeze %dma_wait3A_630 : memref<1x128xi32, #tpu.memory_space<vmem>> -> memref<128xi32, #tpu.memory_space<vmem>>
      %dma_wait3A_632 = tpu.memref_slice %arg2[%add3A_220] : memref<2621440xi32, #tpu.memory_space<hbm>> -> memref<128xi32, #tpu.memory_space<hbm>>
      tpu.wait_dma2 semaphore(%arg9 : memref<!tpu.dma_semaphore, #tpu.memory_space<semaphore_mem>>) src(%dma_wait3A_632 : memref<128xi32, #tpu.memory_space<hbm>>) dst(%dma_wait3A_631 : memref<128xi32, #tpu.memory_space<vmem>>)
      %dma_wait3A_633 = arith.constant 18 : i32
      %dma_wait3A_634 = arith.constant 0 : i32
      %dma_wait3A_635 = tpu.memref_slice %arg5[%dma_wait3A_633, %dma_wait3A_634] : memref<40x128xi32, #tpu.memory_space<vmem>> -> memref<1x128xi32, #tpu.memory_space<vmem>>
      %dma_wait3A_636 = tpu.memref_squeeze %dma_wait3A_635 : memref<1x128xi32, #tpu.memory_space<vmem>> -> memref<128xi32, #tpu.memory_space<vmem>>
      %dma_wait3A_637 = tpu.memref_slice %arg2[%add3A_231] : memref<2621440xi32, #tpu.memory_space<hbm>> -> memref<128xi32, #tpu.memory_space<hbm>>
      %dma_wait3A_638 = arith.constant 0 : i32
      %dma_wait3A_639 = tpu.memref_slice %arg5[%dma_wait3A_633, %dma_wait3A_638] : memref<40x128xi32, #tpu.memory_space<vmem>> -> memref<1x128xi32, #tpu.memory_space<vmem>>
      %dma_wait3A_640 = tpu.memref_squeeze %dma_wait3A_639 : memref<1x128xi32, #tpu.memory_space<vmem>> -> memref<128xi32, #tpu.memory_space<vmem>>
      %dma_wait3A_641 = tpu.memref_slice %arg2[%add3A_231] : memref<2621440xi32, #tpu.memory_space<hbm>> -> memref<128xi32, #tpu.memory_space<hbm>>
      tpu.wait_dma2 semaphore(%arg9 : memref<!tpu.dma_semaphore, #tpu.memory_space<semaphore_mem>>) src(%dma_wait3A_641 : memref<128xi32, #tpu.memory_space<hbm>>) dst(%dma_wait3A_640 : memref<128xi32, #tpu.memory_space<vmem>>)
      %dma_wait3A_642 = arith.constant 19 : i32
      %dma_wait3A_643 = arith.constant 0 : i32
      %dma_wait3A_644 = tpu.memref_slice %arg5[%dma_wait3A_642, %dma_wait3A_643] : memref<40x128xi32, #tpu.memory_space<vmem>> -> memref<1x128xi32, #tpu.memory_space<vmem>>
      %dma_wait3A_645 = tpu.memref_squeeze %dma_wait3A_644 : memref<1x128xi32, #tpu.memory_space<vmem>> -> memref<128xi32, #tpu.memory_space<vmem>>
      %dma_wait3A_646 = tpu.memref_slice %arg2[%add3A_242] : memref<2621440xi32, #tpu.memory_space<hbm>> -> memref<128xi32, #tpu.memory_space<hbm>>
      %dma_wait3A_647 = arith.constant 0 : i32
      %dma_wait3A_648 = tpu.memref_slice %arg5[%dma_wait3A_642, %dma_wait3A_647] : memref<40x128xi32, #tpu.memory_space<vmem>> -> memref<1x128xi32, #tpu.memory_space<vmem>>
      %dma_wait3A_649 = tpu.memref_squeeze %dma_wait3A_648 : memref<1x128xi32, #tpu.memory_space<vmem>> -> memref<128xi32, #tpu.memory_space<vmem>>
      %dma_wait3A_650 = tpu.memref_slice %arg2[%add3A_242] : memref<2621440xi32, #tpu.memory_space<hbm>> -> memref<128xi32, #tpu.memory_space<hbm>>
      tpu.wait_dma2 semaphore(%arg9 : memref<!tpu.dma_semaphore, #tpu.memory_space<semaphore_mem>>) src(%dma_wait3A_650 : memref<128xi32, #tpu.memory_space<hbm>>) dst(%dma_wait3A_649 : memref<128xi32, #tpu.memory_space<vmem>>)
      %dma_wait3A_651 = arith.constant 20 : i32
      %dma_wait3A_652 = arith.constant 0 : i32
      %dma_wait3A_653 = tpu.memref_slice %arg5[%dma_wait3A_651, %dma_wait3A_652] : memref<40x128xi32, #tpu.memory_space<vmem>> -> memref<1x128xi32, #tpu.memory_space<vmem>>
      %dma_wait3A_654 = tpu.memref_squeeze %dma_wait3A_653 : memref<1x128xi32, #tpu.memory_space<vmem>> -> memref<128xi32, #tpu.memory_space<vmem>>
      %dma_wait3A_655 = tpu.memref_slice %arg2[%add3A_253] : memref<2621440xi32, #tpu.memory_space<hbm>> -> memref<128xi32, #tpu.memory_space<hbm>>
      %dma_wait3A_656 = arith.constant 0 : i32
      %dma_wait3A_657 = tpu.memref_slice %arg5[%dma_wait3A_651, %dma_wait3A_656] : memref<40x128xi32, #tpu.memory_space<vmem>> -> memref<1x128xi32, #tpu.memory_space<vmem>>
      %dma_wait3A_658 = tpu.memref_squeeze %dma_wait3A_657 : memref<1x128xi32, #tpu.memory_space<vmem>> -> memref<128xi32, #tpu.memory_space<vmem>>
      %dma_wait3A_659 = tpu.memref_slice %arg2[%add3A_253] : memref<2621440xi32, #tpu.memory_space<hbm>> -> memref<128xi32, #tpu.memory_space<hbm>>
      tpu.wait_dma2 semaphore(%arg9 : memref<!tpu.dma_semaphore, #tpu.memory_space<semaphore_mem>>) src(%dma_wait3A_659 : memref<128xi32, #tpu.memory_space<hbm>>) dst(%dma_wait3A_658 : memref<128xi32, #tpu.memory_space<vmem>>)
      %dma_wait3A_660 = arith.constant 21 : i32
      %dma_wait3A_661 = arith.constant 0 : i32
      %dma_wait3A_662 = tpu.memref_slice %arg5[%dma_wait3A_660, %dma_wait3A_661] : memref<40x128xi32, #tpu.memory_space<vmem>> -> memref<1x128xi32, #tpu.memory_space<vmem>>
      %dma_wait3A_663 = tpu.memref_squeeze %dma_wait3A_662 : memref<1x128xi32, #tpu.memory_space<vmem>> -> memref<128xi32, #tpu.memory_space<vmem>>
      %dma_wait3A_664 = tpu.memref_slice %arg2[%add3A_264] : memref<2621440xi32, #tpu.memory_space<hbm>> -> memref<128xi32, #tpu.memory_space<hbm>>
      %dma_wait3A_665 = arith.constant 0 : i32
      %dma_wait3A_666 = tpu.memref_slice %arg5[%dma_wait3A_660, %dma_wait3A_665] : memref<40x128xi32, #tpu.memory_space<vmem>> -> memref<1x128xi32, #tpu.memory_space<vmem>>
      %dma_wait3A_667 = tpu.memref_squeeze %dma_wait3A_666 : memref<1x128xi32, #tpu.memory_space<vmem>> -> memref<128xi32, #tpu.memory_space<vmem>>
      %dma_wait3A_668 = tpu.memref_slice %arg2[%add3A_264] : memref<2621440xi32, #tpu.memory_space<hbm>> -> memref<128xi32, #tpu.memory_space<hbm>>
      tpu.wait_dma2 semaphore(%arg9 : memref<!tpu.dma_semaphore, #tpu.memory_space<semaphore_mem>>) src(%dma_wait3A_668 : memref<128xi32, #tpu.memory_space<hbm>>) dst(%dma_wait3A_667 : memref<128xi32, #tpu.memory_space<vmem>>)
      %dma_wait3A_669 = arith.constant 22 : i32
      %dma_wait3A_670 = arith.constant 0 : i32
      %dma_wait3A_671 = tpu.memref_slice %arg5[%dma_wait3A_669, %dma_wait3A_670] : memref<40x128xi32, #tpu.memory_space<vmem>> -> memref<1x128xi32, #tpu.memory_space<vmem>>
      %dma_wait3A_672 = tpu.memref_squeeze %dma_wait3A_671 : memref<1x128xi32, #tpu.memory_space<vmem>> -> memref<128xi32, #tpu.memory_space<vmem>>
      %dma_wait3A_673 = tpu.memref_slice %arg2[%add3A_275] : memref<2621440xi32, #tpu.memory_space<hbm>> -> memref<128xi32, #tpu.memory_space<hbm>>
      %dma_wait3A_674 = arith.constant 0 : i32
      %dma_wait3A_675 = tpu.memref_slice %arg5[%dma_wait3A_669, %dma_wait3A_674] : memref<40x128xi32, #tpu.memory_space<vmem>> -> memref<1x128xi32, #tpu.memory_space<vmem>>
      %dma_wait3A_676 = tpu.memref_squeeze %dma_wait3A_675 : memref<1x128xi32, #tpu.memory_space<vmem>> -> memref<128xi32, #tpu.memory_space<vmem>>
      %dma_wait3A_677 = tpu.memref_slice %arg2[%add3A_275] : memref<2621440xi32, #tpu.memory_space<hbm>> -> memref<128xi32, #tpu.memory_space<hbm>>
      tpu.wait_dma2 semaphore(%arg9 : memref<!tpu.dma_semaphore, #tpu.memory_space<semaphore_mem>>) src(%dma_wait3A_677 : memref<128xi32, #tpu.memory_space<hbm>>) dst(%dma_wait3A_676 : memref<128xi32, #tpu.memory_space<vmem>>)
      %dma_wait3A_678 = arith.constant 23 : i32
      %dma_wait3A_679 = arith.constant 0 : i32
      %dma_wait3A_680 = tpu.memref_slice %arg5[%dma_wait3A_678, %dma_wait3A_679] : memref<40x128xi32, #tpu.memory_space<vmem>> -> memref<1x128xi32, #tpu.memory_space<vmem>>
      %dma_wait3A_681 = tpu.memref_squeeze %dma_wait3A_680 : memref<1x128xi32, #tpu.memory_space<vmem>> -> memref<128xi32, #tpu.memory_space<vmem>>
      %dma_wait3A_682 = tpu.memref_slice %arg2[%add3A_286] : memref<2621440xi32, #tpu.memory_space<hbm>> -> memref<128xi32, #tpu.memory_space<hbm>>
      %dma_wait3A_683 = arith.constant 0 : i32
      %dma_wait3A_684 = tpu.memref_slice %arg5[%dma_wait3A_678, %dma_wait3A_683] : memref<40x128xi32, #tpu.memory_space<vmem>> -> memref<1x128xi32, #tpu.memory_space<vmem>>
      %dma_wait3A_685 = tpu.memref_squeeze %dma_wait3A_684 : memref<1x128xi32, #tpu.memory_space<vmem>> -> memref<128xi32, #tpu.memory_space<vmem>>
      %dma_wait3A_686 = tpu.memref_slice %arg2[%add3A_286] : memref<2621440xi32, #tpu.memory_space<hbm>> -> memref<128xi32, #tpu.memory_space<hbm>>
      tpu.wait_dma2 semaphore(%arg9 : memref<!tpu.dma_semaphore, #tpu.memory_space<semaphore_mem>>) src(%dma_wait3A_686 : memref<128xi32, #tpu.memory_space<hbm>>) dst(%dma_wait3A_685 : memref<128xi32, #tpu.memory_space<vmem>>)
      %dma_wait3A_687 = arith.constant 24 : i32
      %dma_wait3A_688 = arith.constant 0 : i32
      %dma_wait3A_689 = tpu.memref_slice %arg5[%dma_wait3A_687, %dma_wait3A_688] : memref<40x128xi32, #tpu.memory_space<vmem>> -> memref<1x128xi32, #tpu.memory_space<vmem>>
      %dma_wait3A_690 = tpu.memref_squeeze %dma_wait3A_689 : memref<1x128xi32, #tpu.memory_space<vmem>> -> memref<128xi32, #tpu.memory_space<vmem>>
      %dma_wait3A_691 = tpu.memref_slice %arg2[%add3A_297] : memref<2621440xi32, #tpu.memory_space<hbm>> -> memref<128xi32, #tpu.memory_space<hbm>>
      %dma_wait3A_692 = arith.constant 0 : i32
      %dma_wait3A_693 = tpu.memref_slice %arg5[%dma_wait3A_687, %dma_wait3A_692] : memref<40x128xi32, #tpu.memory_space<vmem>> -> memref<1x128xi32, #tpu.memory_space<vmem>>
      %dma_wait3A_694 = tpu.memref_squeeze %dma_wait3A_693 : memref<1x128xi32, #tpu.memory_space<vmem>> -> memref<128xi32, #tpu.memory_space<vmem>>
      %dma_wait3A_695 = tpu.memref_slice %arg2[%add3A_297] : memref<2621440xi32, #tpu.memory_space<hbm>> -> memref<128xi32, #tpu.memory_space<hbm>>
      tpu.wait_dma2 semaphore(%arg9 : memref<!tpu.dma_semaphore, #tpu.memory_space<semaphore_mem>>) src(%dma_wait3A_695 : memref<128xi32, #tpu.memory_space<hbm>>) dst(%dma_wait3A_694 : memref<128xi32, #tpu.memory_space<vmem>>)
      %dma_wait3A_696 = arith.constant 25 : i32
      %dma_wait3A_697 = arith.constant 0 : i32
      %dma_wait3A_698 = tpu.memref_slice %arg5[%dma_wait3A_696, %dma_wait3A_697] : memref<40x128xi32, #tpu.memory_space<vmem>> -> memref<1x128xi32, #tpu.memory_space<vmem>>
      %dma_wait3A_699 = tpu.memref_squeeze %dma_wait3A_698 : memref<1x128xi32, #tpu.memory_space<vmem>> -> memref<128xi32, #tpu.memory_space<vmem>>
      %dma_wait3A_700 = tpu.memref_slice %arg2[%add3A_308] : memref<2621440xi32, #tpu.memory_space<hbm>> -> memref<128xi32, #tpu.memory_space<hbm>>
      %dma_wait3A_701 = arith.constant 0 : i32
      %dma_wait3A_702 = tpu.memref_slice %arg5[%dma_wait3A_696, %dma_wait3A_701] : memref<40x128xi32, #tpu.memory_space<vmem>> -> memref<1x128xi32, #tpu.memory_space<vmem>>
      %dma_wait3A_703 = tpu.memref_squeeze %dma_wait3A_702 : memref<1x128xi32, #tpu.memory_space<vmem>> -> memref<128xi32, #tpu.memory_space<vmem>>
      %dma_wait3A_704 = tpu.memref_slice %arg2[%add3A_308] : memref<2621440xi32, #tpu.memory_space<hbm>> -> memref<128xi32, #tpu.memory_space<hbm>>
      tpu.wait_dma2 semaphore(%arg9 : memref<!tpu.dma_semaphore, #tpu.memory_space<semaphore_mem>>) src(%dma_wait3A_704 : memref<128xi32, #tpu.memory_space<hbm>>) dst(%dma_wait3A_703 : memref<128xi32, #tpu.memory_space<vmem>>)
      %dma_wait3A_705 = arith.constant 26 : i32
      %dma_wait3A_706 = arith.constant 0 : i32
      %dma_wait3A_707 = tpu.memref_slice %arg5[%dma_wait3A_705, %dma_wait3A_706] : memref<40x128xi32, #tpu.memory_space<vmem>> -> memref<1x128xi32, #tpu.memory_space<vmem>>
      %dma_wait3A_708 = tpu.memref_squeeze %dma_wait3A_707 : memref<1x128xi32, #tpu.memory_space<vmem>> -> memref<128xi32, #tpu.memory_space<vmem>>
      %dma_wait3A_709 = tpu.memref_slice %arg2[%add3A_319] : memref<2621440xi32, #tpu.memory_space<hbm>> -> memref<128xi32, #tpu.memory_space<hbm>>
      %dma_wait3A_710 = arith.constant 0 : i32
      %dma_wait3A_711 = tpu.memref_slice %arg5[%dma_wait3A_705, %dma_wait3A_710] : memref<40x128xi32, #tpu.memory_space<vmem>> -> memref<1x128xi32, #tpu.memory_space<vmem>>
      %dma_wait3A_712 = tpu.memref_squeeze %dma_wait3A_711 : memref<1x128xi32, #tpu.memory_space<vmem>> -> memref<128xi32, #tpu.memory_space<vmem>>
      %dma_wait3A_713 = tpu.memref_slice %arg2[%add3A_319] : memref<2621440xi32, #tpu.memory_space<hbm>> -> memref<128xi32, #tpu.memory_space<hbm>>
      tpu.wait_dma2 semaphore(%arg9 : memref<!tpu.dma_semaphore, #tpu.memory_space<semaphore_mem>>) src(%dma_wait3A_713 : memref<128xi32, #tpu.memory_space<hbm>>) dst(%dma_wait3A_712 : memref<128xi32, #tpu.memory_space<vmem>>)
      %dma_wait3A_714 = arith.constant 27 : i32
      %dma_wait3A_715 = arith.constant 0 : i32
      %dma_wait3A_716 = tpu.memref_slice %arg5[%dma_wait3A_714, %dma_wait3A_715] : memref<40x128xi32, #tpu.memory_space<vmem>> -> memref<1x128xi32, #tpu.memory_space<vmem>>
      %dma_wait3A_717 = tpu.memref_squeeze %dma_wait3A_716 : memref<1x128xi32, #tpu.memory_space<vmem>> -> memref<128xi32, #tpu.memory_space<vmem>>
      %dma_wait3A_718 = tpu.memref_slice %arg2[%add3A_330] : memref<2621440xi32, #tpu.memory_space<hbm>> -> memref<128xi32, #tpu.memory_space<hbm>>
      %dma_wait3A_719 = arith.constant 0 : i32
      %dma_wait3A_720 = tpu.memref_slice %arg5[%dma_wait3A_714, %dma_wait3A_719] : memref<40x128xi32, #tpu.memory_space<vmem>> -> memref<1x128xi32, #tpu.memory_space<vmem>>
      %dma_wait3A_721 = tpu.memref_squeeze %dma_wait3A_720 : memref<1x128xi32, #tpu.memory_space<vmem>> -> memref<128xi32, #tpu.memory_space<vmem>>
      %dma_wait3A_722 = tpu.memref_slice %arg2[%add3A_330] : memref<2621440xi32, #tpu.memory_space<hbm>> -> memref<128xi32, #tpu.memory_space<hbm>>
      tpu.wait_dma2 semaphore(%arg9 : memref<!tpu.dma_semaphore, #tpu.memory_space<semaphore_mem>>) src(%dma_wait3A_722 : memref<128xi32, #tpu.memory_space<hbm>>) dst(%dma_wait3A_721 : memref<128xi32, #tpu.memory_space<vmem>>)
      %dma_wait3A_723 = arith.constant 28 : i32
      %dma_wait3A_724 = arith.constant 0 : i32
      %dma_wait3A_725 = tpu.memref_slice %arg5[%dma_wait3A_723, %dma_wait3A_724] : memref<40x128xi32, #tpu.memory_space<vmem>> -> memref<1x128xi32, #tpu.memory_space<vmem>>
      %dma_wait3A_726 = tpu.memref_squeeze %dma_wait3A_725 : memref<1x128xi32, #tpu.memory_space<vmem>> -> memref<128xi32, #tpu.memory_space<vmem>>
      %dma_wait3A_727 = tpu.memref_slice %arg2[%add3A_341] : memref<2621440xi32, #tpu.memory_space<hbm>> -> memref<128xi32, #tpu.memory_space<hbm>>
      %dma_wait3A_728 = arith.constant 0 : i32
      %dma_wait3A_729 = tpu.memref_slice %arg5[%dma_wait3A_723, %dma_wait3A_728] : memref<40x128xi32, #tpu.memory_space<vmem>> -> memref<1x128xi32, #tpu.memory_space<vmem>>
      %dma_wait3A_730 = tpu.memref_squeeze %dma_wait3A_729 : memref<1x128xi32, #tpu.memory_space<vmem>> -> memref<128xi32, #tpu.memory_space<vmem>>
      %dma_wait3A_731 = tpu.memref_slice %arg2[%add3A_341] : memref<2621440xi32, #tpu.memory_space<hbm>> -> memref<128xi32, #tpu.memory_space<hbm>>
      tpu.wait_dma2 semaphore(%arg9 : memref<!tpu.dma_semaphore, #tpu.memory_space<semaphore_mem>>) src(%dma_wait3A_731 : memref<128xi32, #tpu.memory_space<hbm>>) dst(%dma_wait3A_730 : memref<128xi32, #tpu.memory_space<vmem>>)
      %dma_wait3A_732 = arith.constant 29 : i32
      %dma_wait3A_733 = arith.constant 0 : i32
      %dma_wait3A_734 = tpu.memref_slice %arg5[%dma_wait3A_732, %dma_wait3A_733] : memref<40x128xi32, #tpu.memory_space<vmem>> -> memref<1x128xi32, #tpu.memory_space<vmem>>
      %dma_wait3A_735 = tpu.memref_squeeze %dma_wait3A_734 : memref<1x128xi32, #tpu.memory_space<vmem>> -> memref<128xi32, #tpu.memory_space<vmem>>
      %dma_wait3A_736 = tpu.memref_slice %arg2[%add3A_352] : memref<2621440xi32, #tpu.memory_space<hbm>> -> memref<128xi32, #tpu.memory_space<hbm>>
      %dma_wait3A_737 = arith.constant 0 : i32
      %dma_wait3A_738 = tpu.memref_slice %arg5[%dma_wait3A_732, %dma_wait3A_737] : memref<40x128xi32, #tpu.memory_space<vmem>> -> memref<1x128xi32, #tpu.memory_space<vmem>>
      %dma_wait3A_739 = tpu.memref_squeeze %dma_wait3A_738 : memref<1x128xi32, #tpu.memory_space<vmem>> -> memref<128xi32, #tpu.memory_space<vmem>>
      %dma_wait3A_740 = tpu.memref_slice %arg2[%add3A_352] : memref<2621440xi32, #tpu.memory_space<hbm>> -> memref<128xi32, #tpu.memory_space<hbm>>
      tpu.wait_dma2 semaphore(%arg9 : memref<!tpu.dma_semaphore, #tpu.memory_space<semaphore_mem>>) src(%dma_wait3A_740 : memref<128xi32, #tpu.memory_space<hbm>>) dst(%dma_wait3A_739 : memref<128xi32, #tpu.memory_space<vmem>>)
      %dma_wait3A_741 = arith.constant 30 : i32
      %dma_wait3A_742 = arith.constant 0 : i32
      %dma_wait3A_743 = tpu.memref_slice %arg5[%dma_wait3A_741, %dma_wait3A_742] : memref<40x128xi32, #tpu.memory_space<vmem>> -> memref<1x128xi32, #tpu.memory_space<vmem>>
      %dma_wait3A_744 = tpu.memref_squeeze %dma_wait3A_743 : memref<1x128xi32, #tpu.memory_space<vmem>> -> memref<128xi32, #tpu.memory_space<vmem>>
      %dma_wait3A_745 = tpu.memref_slice %arg2[%add3A_363] : memref<2621440xi32, #tpu.memory_space<hbm>> -> memref<128xi32, #tpu.memory_space<hbm>>
      %dma_wait3A_746 = arith.constant 0 : i32
      %dma_wait3A_747 = tpu.memref_slice %arg5[%dma_wait3A_741, %dma_wait3A_746] : memref<40x128xi32, #tpu.memory_space<vmem>> -> memref<1x128xi32, #tpu.memory_space<vmem>>
      %dma_wait3A_748 = tpu.memref_squeeze %dma_wait3A_747 : memref<1x128xi32, #tpu.memory_space<vmem>> -> memref<128xi32, #tpu.memory_space<vmem>>
      %dma_wait3A_749 = tpu.memref_slice %arg2[%add3A_363] : memref<2621440xi32, #tpu.memory_space<hbm>> -> memref<128xi32, #tpu.memory_space<hbm>>
      tpu.wait_dma2 semaphore(%arg9 : memref<!tpu.dma_semaphore, #tpu.memory_space<semaphore_mem>>) src(%dma_wait3A_749 : memref<128xi32, #tpu.memory_space<hbm>>) dst(%dma_wait3A_748 : memref<128xi32, #tpu.memory_space<vmem>>)
      %dma_wait3A_750 = arith.constant 31 : i32
      %dma_wait3A_751 = arith.constant 0 : i32
      %dma_wait3A_752 = tpu.memref_slice %arg5[%dma_wait3A_750, %dma_wait3A_751] : memref<40x128xi32, #tpu.memory_space<vmem>> -> memref<1x128xi32, #tpu.memory_space<vmem>>
      %dma_wait3A_753 = tpu.memref_squeeze %dma_wait3A_752 : memref<1x128xi32, #tpu.memory_space<vmem>> -> memref<128xi32, #tpu.memory_space<vmem>>
      %dma_wait3A_754 = tpu.memref_slice %arg2[%add3A_374] : memref<2621440xi32, #tpu.memory_space<hbm>> -> memref<128xi32, #tpu.memory_space<hbm>>
      %dma_wait3A_755 = arith.constant 0 : i32
      %dma_wait3A_756 = tpu.memref_slice %arg5[%dma_wait3A_750, %dma_wait3A_755] : memref<40x128xi32, #tpu.memory_space<vmem>> -> memref<1x128xi32, #tpu.memory_space<vmem>>
      %dma_wait3A_757 = tpu.memref_squeeze %dma_wait3A_756 : memref<1x128xi32, #tpu.memory_space<vmem>> -> memref<128xi32, #tpu.memory_space<vmem>>
      %dma_wait3A_758 = tpu.memref_slice %arg2[%add3A_374] : memref<2621440xi32, #tpu.memory_space<hbm>> -> memref<128xi32, #tpu.memory_space<hbm>>
      tpu.wait_dma2 semaphore(%arg9 : memref<!tpu.dma_semaphore, #tpu.memory_space<semaphore_mem>>) src(%dma_wait3A_758 : memref<128xi32, #tpu.memory_space<hbm>>) dst(%dma_wait3A_757 : memref<128xi32, #tpu.memory_space<vmem>>)
      %dma_wait3A_759 = arith.constant 32 : i32
      %dma_wait3A_760 = arith.constant 0 : i32
      %dma_wait3A_761 = tpu.memref_slice %arg5[%dma_wait3A_759, %dma_wait3A_760] : memref<40x128xi32, #tpu.memory_space<vmem>> -> memref<1x128xi32, #tpu.memory_space<vmem>>
      %dma_wait3A_762 = tpu.memref_squeeze %dma_wait3A_761 : memref<1x128xi32, #tpu.memory_space<vmem>> -> memref<128xi32, #tpu.memory_space<vmem>>
      %dma_wait3A_763 = tpu.memref_slice %arg2[%add3A_385] : memref<2621440xi32, #tpu.memory_space<hbm>> -> memref<128xi32, #tpu.memory_space<hbm>>
      %dma_wait3A_764 = arith.constant 0 : i32
      %dma_wait3A_765 = tpu.memref_slice %arg5[%dma_wait3A_759, %dma_wait3A_764] : memref<40x128xi32, #tpu.memory_space<vmem>> -> memref<1x128xi32, #tpu.memory_space<vmem>>
      %dma_wait3A_766 = tpu.memref_squeeze %dma_wait3A_765 : memref<1x128xi32, #tpu.memory_space<vmem>> -> memref<128xi32, #tpu.memory_space<vmem>>
      %dma_wait3A_767 = tpu.memref_slice %arg2[%add3A_385] : memref<2621440xi32, #tpu.memory_space<hbm>> -> memref<128xi32, #tpu.memory_space<hbm>>
      tpu.wait_dma2 semaphore(%arg9 : memref<!tpu.dma_semaphore, #tpu.memory_space<semaphore_mem>>) src(%dma_wait3A_767 : memref<128xi32, #tpu.memory_space<hbm>>) dst(%dma_wait3A_766 : memref<128xi32, #tpu.memory_space<vmem>>)
      %dma_wait3A_768 = arith.constant 33 : i32
      %dma_wait3A_769 = arith.constant 0 : i32
      %dma_wait3A_770 = tpu.memref_slice %arg5[%dma_wait3A_768, %dma_wait3A_769] : memref<40x128xi32, #tpu.memory_space<vmem>> -> memref<1x128xi32, #tpu.memory_space<vmem>>
      %dma_wait3A_771 = tpu.memref_squeeze %dma_wait3A_770 : memref<1x128xi32, #tpu.memory_space<vmem>> -> memref<128xi32, #tpu.memory_space<vmem>>
      %dma_wait3A_772 = tpu.memref_slice %arg2[%add3A_396] : memref<2621440xi32, #tpu.memory_space<hbm>> -> memref<128xi32, #tpu.memory_space<hbm>>
      %dma_wait3A_773 = arith.constant 0 : i32
      %dma_wait3A_774 = tpu.memref_slice %arg5[%dma_wait3A_768, %dma_wait3A_773] : memref<40x128xi32, #tpu.memory_space<vmem>> -> memref<1x128xi32, #tpu.memory_space<vmem>>
      %dma_wait3A_775 = tpu.memref_squeeze %dma_wait3A_774 : memref<1x128xi32, #tpu.memory_space<vmem>> -> memref<128xi32, #tpu.memory_space<vmem>>
      %dma_wait3A_776 = tpu.memref_slice %arg2[%add3A_396] : memref<2621440xi32, #tpu.memory_space<hbm>> -> memref<128xi32, #tpu.memory_space<hbm>>
      tpu.wait_dma2 semaphore(%arg9 : memref<!tpu.dma_semaphore, #tpu.memory_space<semaphore_mem>>) src(%dma_wait3A_776 : memref<128xi32, #tpu.memory_space<hbm>>) dst(%dma_wait3A_775 : memref<128xi32, #tpu.memory_space<vmem>>)
      %dma_wait3A_777 = arith.constant 34 : i32
      %dma_wait3A_778 = arith.constant 0 : i32
      %dma_wait3A_779 = tpu.memref_slice %arg5[%dma_wait3A_777, %dma_wait3A_778] : memref<40x128xi32, #tpu.memory_space<vmem>> -> memref<1x128xi32, #tpu.memory_space<vmem>>
      %dma_wait3A_780 = tpu.memref_squeeze %dma_wait3A_779 : memref<1x128xi32, #tpu.memory_space<vmem>> -> memref<128xi32, #tpu.memory_space<vmem>>
      %dma_wait3A_781 = tpu.memref_slice %arg2[%add3A_407] : memref<2621440xi32, #tpu.memory_space<hbm>> -> memref<128xi32, #tpu.memory_space<hbm>>
      %dma_wait3A_782 = arith.constant 0 : i32
      %dma_wait3A_783 = tpu.memref_slice %arg5[%dma_wait3A_777, %dma_wait3A_782] : memref<40x128xi32, #tpu.memory_space<vmem>> -> memref<1x128xi32, #tpu.memory_space<vmem>>
      %dma_wait3A_784 = tpu.memref_squeeze %dma_wait3A_783 : memref<1x128xi32, #tpu.memory_space<vmem>> -> memref<128xi32, #tpu.memory_space<vmem>>
      %dma_wait3A_785 = tpu.memref_slice %arg2[%add3A_407] : memref<2621440xi32, #tpu.memory_space<hbm>> -> memref<128xi32, #tpu.memory_space<hbm>>
      tpu.wait_dma2 semaphore(%arg9 : memref<!tpu.dma_semaphore, #tpu.memory_space<semaphore_mem>>) src(%dma_wait3A_785 : memref<128xi32, #tpu.memory_space<hbm>>) dst(%dma_wait3A_784 : memref<128xi32, #tpu.memory_space<vmem>>)
      %dma_wait3A_786 = arith.constant 35 : i32
      %dma_wait3A_787 = arith.constant 0 : i32
      %dma_wait3A_788 = tpu.memref_slice %arg5[%dma_wait3A_786, %dma_wait3A_787] : memref<40x128xi32, #tpu.memory_space<vmem>> -> memref<1x128xi32, #tpu.memory_space<vmem>>
      %dma_wait3A_789 = tpu.memref_squeeze %dma_wait3A_788 : memref<1x128xi32, #tpu.memory_space<vmem>> -> memref<128xi32, #tpu.memory_space<vmem>>
      %dma_wait3A_790 = tpu.memref_slice %arg2[%add3A_418] : memref<2621440xi32, #tpu.memory_space<hbm>> -> memref<128xi32, #tpu.memory_space<hbm>>
      %dma_wait3A_791 = arith.constant 0 : i32
      %dma_wait3A_792 = tpu.memref_slice %arg5[%dma_wait3A_786, %dma_wait3A_791] : memref<40x128xi32, #tpu.memory_space<vmem>> -> memref<1x128xi32, #tpu.memory_space<vmem>>
      %dma_wait3A_793 = tpu.memref_squeeze %dma_wait3A_792 : memref<1x128xi32, #tpu.memory_space<vmem>> -> memref<128xi32, #tpu.memory_space<vmem>>
      %dma_wait3A_794 = tpu.memref_slice %arg2[%add3A_418] : memref<2621440xi32, #tpu.memory_space<hbm>> -> memref<128xi32, #tpu.memory_space<hbm>>
      tpu.wait_dma2 semaphore(%arg9 : memref<!tpu.dma_semaphore, #tpu.memory_space<semaphore_mem>>) src(%dma_wait3A_794 : memref<128xi32, #tpu.memory_space<hbm>>) dst(%dma_wait3A_793 : memref<128xi32, #tpu.memory_space<vmem>>)
      %dma_wait3A_795 = arith.constant 36 : i32
      %dma_wait3A_796 = arith.constant 0 : i32
      %dma_wait3A_797 = tpu.memref_slice %arg5[%dma_wait3A_795, %dma_wait3A_796] : memref<40x128xi32, #tpu.memory_space<vmem>> -> memref<1x128xi32, #tpu.memory_space<vmem>>
      %dma_wait3A_798 = tpu.memref_squeeze %dma_wait3A_797 : memref<1x128xi32, #tpu.memory_space<vmem>> -> memref<128xi32, #tpu.memory_space<vmem>>
      %dma_wait3A_799 = tpu.memref_slice %arg2[%add3A_429] : memref<2621440xi32, #tpu.memory_space<hbm>> -> memref<128xi32, #tpu.memory_space<hbm>>
      %dma_wait3A_800 = arith.constant 0 : i32
      %dma_wait3A_801 = tpu.memref_slice %arg5[%dma_wait3A_795, %dma_wait3A_800] : memref<40x128xi32, #tpu.memory_space<vmem>> -> memref<1x128xi32, #tpu.memory_space<vmem>>
      %dma_wait3A_802 = tpu.memref_squeeze %dma_wait3A_801 : memref<1x128xi32, #tpu.memory_space<vmem>> -> memref<128xi32, #tpu.memory_space<vmem>>
      %dma_wait3A_803 = tpu.memref_slice %arg2[%add3A_429] : memref<2621440xi32, #tpu.memory_space<hbm>> -> memref<128xi32, #tpu.memory_space<hbm>>
      tpu.wait_dma2 semaphore(%arg9 : memref<!tpu.dma_semaphore, #tpu.memory_space<semaphore_mem>>) src(%dma_wait3A_803 : memref<128xi32, #tpu.memory_space<hbm>>) dst(%dma_wait3A_802 : memref<128xi32, #tpu.memory_space<vmem>>)
      %dma_wait3A_804 = arith.constant 37 : i32
      %dma_wait3A_805 = arith.constant 0 : i32
      %dma_wait3A_806 = tpu.memref_slice %arg5[%dma_wait3A_804, %dma_wait3A_805] : memref<40x128xi32, #tpu.memory_space<vmem>> -> memref<1x128xi32, #tpu.memory_space<vmem>>
      %dma_wait3A_807 = tpu.memref_squeeze %dma_wait3A_806 : memref<1x128xi32, #tpu.memory_space<vmem>> -> memref<128xi32, #tpu.memory_space<vmem>>
      %dma_wait3A_808 = tpu.memref_slice %arg2[%add3A_440] : memref<2621440xi32, #tpu.memory_space<hbm>> -> memref<128xi32, #tpu.memory_space<hbm>>
      %dma_wait3A_809 = arith.constant 0 : i32
      %dma_wait3A_810 = tpu.memref_slice %arg5[%dma_wait3A_804, %dma_wait3A_809] : memref<40x128xi32, #tpu.memory_space<vmem>> -> memref<1x128xi32, #tpu.memory_space<vmem>>
      %dma_wait3A_811 = tpu.memref_squeeze %dma_wait3A_810 : memref<1x128xi32, #tpu.memory_space<vmem>> -> memref<128xi32, #tpu.memory_space<vmem>>
      %dma_wait3A_812 = tpu.memref_slice %arg2[%add3A_440] : memref<2621440xi32, #tpu.memory_space<hbm>> -> memref<128xi32, #tpu.memory_space<hbm>>
      tpu.wait_dma2 semaphore(%arg9 : memref<!tpu.dma_semaphore, #tpu.memory_space<semaphore_mem>>) src(%dma_wait3A_812 : memref<128xi32, #tpu.memory_space<hbm>>) dst(%dma_wait3A_811 : memref<128xi32, #tpu.memory_space<vmem>>)
      %dma_wait3A_813 = arith.constant 38 : i32
      %dma_wait3A_814 = arith.constant 0 : i32
      %dma_wait3A_815 = tpu.memref_slice %arg5[%dma_wait3A_813, %dma_wait3A_814] : memref<40x128xi32, #tpu.memory_space<vmem>> -> memref<1x128xi32, #tpu.memory_space<vmem>>
      %dma_wait3A_816 = tpu.memref_squeeze %dma_wait3A_815 : memref<1x128xi32, #tpu.memory_space<vmem>> -> memref<128xi32, #tpu.memory_space<vmem>>
      %dma_wait3A_817 = tpu.memref_slice %arg2[%add3A_451] : memref<2621440xi32, #tpu.memory_space<hbm>> -> memref<128xi32, #tpu.memory_space<hbm>>
      %dma_wait3A_818 = arith.constant 0 : i32
      %dma_wait3A_819 = tpu.memref_slice %arg5[%dma_wait3A_813, %dma_wait3A_818] : memref<40x128xi32, #tpu.memory_space<vmem>> -> memref<1x128xi32, #tpu.memory_space<vmem>>
      %dma_wait3A_820 = tpu.memref_squeeze %dma_wait3A_819 : memref<1x128xi32, #tpu.memory_space<vmem>> -> memref<128xi32, #tpu.memory_space<vmem>>
      %dma_wait3A_821 = tpu.memref_slice %arg2[%add3A_451] : memref<2621440xi32, #tpu.memory_space<hbm>> -> memref<128xi32, #tpu.memory_space<hbm>>
      tpu.wait_dma2 semaphore(%arg9 : memref<!tpu.dma_semaphore, #tpu.memory_space<semaphore_mem>>) src(%dma_wait3A_821 : memref<128xi32, #tpu.memory_space<hbm>>) dst(%dma_wait3A_820 : memref<128xi32, #tpu.memory_space<vmem>>)
      %dma_wait3A_822 = arith.constant 39 : i32
      %dma_wait3A_823 = arith.constant 0 : i32
      %dma_wait3A_824 = tpu.memref_slice %arg5[%dma_wait3A_822, %dma_wait3A_823] : memref<40x128xi32, #tpu.memory_space<vmem>> -> memref<1x128xi32, #tpu.memory_space<vmem>>
      %dma_wait3A_825 = tpu.memref_squeeze %dma_wait3A_824 : memref<1x128xi32, #tpu.memory_space<vmem>> -> memref<128xi32, #tpu.memory_space<vmem>>
      %dma_wait3A_826 = tpu.memref_slice %arg2[%add3A_462] : memref<2621440xi32, #tpu.memory_space<hbm>> -> memref<128xi32, #tpu.memory_space<hbm>>
      %dma_wait3A_827 = arith.constant 0 : i32
      %dma_wait3A_828 = tpu.memref_slice %arg5[%dma_wait3A_822, %dma_wait3A_827] : memref<40x128xi32, #tpu.memory_space<vmem>> -> memref<1x128xi32, #tpu.memory_space<vmem>>
      %dma_wait3A_829 = tpu.memref_squeeze %dma_wait3A_828 : memref<1x128xi32, #tpu.memory_space<vmem>> -> memref<128xi32, #tpu.memory_space<vmem>>
      %dma_wait3A_830 = tpu.memref_slice %arg2[%add3A_462] : memref<2621440xi32, #tpu.memory_space<hbm>> -> memref<128xi32, #tpu.memory_space<hbm>>
      tpu.wait_dma2 semaphore(%arg9 : memref<!tpu.dma_semaphore, #tpu.memory_space<semaphore_mem>>) src(%dma_wait3A_830 : memref<128xi32, #tpu.memory_space<hbm>>) dst(%dma_wait3A_829 : memref<128xi32, #tpu.memory_space<vmem>>)
      %barrier3A = arith.constant 0 : index
      tpu.barrier barrier_id(%barrier3A)
      %run_scoped3A = arith.constant 0 : i32
      "tpu.region"() ({
        %run_scoped3A_883 = tpu.sem_alloc : memref<!tpu.dma_semaphore, #tpu.memory_space<semaphore_mem>>
        %dma_start3A_884 = arith.constant 0 : i32
        %dma_start3A_885 = tpu.memref_slice %arg5[%run_scoped3A, %dma_start3A_884] : memref<40x128xi32, #tpu.memory_space<vmem>> -> memref<1x128xi32, #tpu.memory_space<vmem>>
        %dma_start3A_886 = tpu.memref_squeeze %dma_start3A_885 : memref<1x128xi32, #tpu.memory_space<vmem>> -> memref<128xi32, #tpu.memory_space<vmem>>
        %dma_start3A_887 = arith.constant 0 : i32
        %dma_start3A_888 = tpu.memref_slice %arg4[%dma_start3A_887] : memref<10240xf32, #tpu.memory_space<vmem_shared>> -> memref<10240xf32, #tpu.memory_space<vmem_shared>>
        tpu.enqueue_indirect_dma source(%arg6 : memref<128xf32, #tpu.memory_space<vmem>>) target(%dma_start3A_888 : memref<10240xf32, #tpu.memory_space<vmem_shared>>) offsets(%dma_start3A_886 : memref<128xi32, #tpu.memory_space<vmem>>) semaphore(%run_scoped3A_883 : memref<!tpu.dma_semaphore, #tpu.memory_space<semaphore_mem>>) {add = true}
        %dma_wait3A_889 = arith.constant 0 : i32
        %dma_wait3A_890 = tpu.memref_slice %arg5[%run_scoped3A, %dma_wait3A_889] : memref<40x128xi32, #tpu.memory_space<vmem>> -> memref<1x128xi32, #tpu.memory_space<vmem>>
        %dma_wait3A_891 = tpu.memref_squeeze %dma_wait3A_890 : memref<1x128xi32, #tpu.memory_space<vmem>> -> memref<128xi32, #tpu.memory_space<vmem>>
        %dma_wait3A_892 = arith.constant 0 : i32
        %dma_wait3A_893 = tpu.memref_slice %arg4[%dma_wait3A_892] : memref<10240xf32, #tpu.memory_space<vmem_shared>> -> memref<10240xf32, #tpu.memory_space<vmem_shared>>
        tpu.wait_indirect_dma semaphore(%run_scoped3A_883 : memref<!tpu.dma_semaphore, #tpu.memory_space<semaphore_mem>>) src(%arg6 : memref<128xf32, #tpu.memory_space<vmem>>) dst(%dma_wait3A_893 : memref<10240xf32, #tpu.memory_space<vmem_shared>>)
        tpu.yield
      }) : () -> ()
      %run_scoped3A_831 = arith.constant 1 : i32
      "tpu.region"() ({
        %run_scoped3A_883 = tpu.sem_alloc : memref<!tpu.dma_semaphore, #tpu.memory_space<semaphore_mem>>
        %dma_start3A_884 = arith.constant 0 : i32
        %dma_start3A_885 = tpu.memref_slice %arg5[%run_scoped3A_831, %dma_start3A_884] : memref<40x128xi32, #tpu.memory_space<vmem>> -> memref<1x128xi32, #tpu.memory_space<vmem>>
        %dma_start3A_886 = tpu.memref_squeeze %dma_start3A_885 : memref<1x128xi32, #tpu.memory_space<vmem>> -> memref<128xi32, #tpu.memory_space<vmem>>
        %dma_start3A_887 = arith.constant 0 : i32
        %dma_start3A_888 = tpu.memref_slice %arg4[%dma_start3A_887] : memref<10240xf32, #tpu.memory_space<vmem_shared>> -> memref<10240xf32, #tpu.memory_space<vmem_shared>>
        tpu.enqueue_indirect_dma source(%arg6 : memref<128xf32, #tpu.memory_space<vmem>>) target(%dma_start3A_888 : memref<10240xf32, #tpu.memory_space<vmem_shared>>) offsets(%dma_start3A_886 : memref<128xi32, #tpu.memory_space<vmem>>) semaphore(%run_scoped3A_883 : memref<!tpu.dma_semaphore, #tpu.memory_space<semaphore_mem>>) {add = true}
        %dma_wait3A_889 = arith.constant 0 : i32
        %dma_wait3A_890 = tpu.memref_slice %arg5[%run_scoped3A_831, %dma_wait3A_889] : memref<40x128xi32, #tpu.memory_space<vmem>> -> memref<1x128xi32, #tpu.memory_space<vmem>>
        %dma_wait3A_891 = tpu.memref_squeeze %dma_wait3A_890 : memref<1x128xi32, #tpu.memory_space<vmem>> -> memref<128xi32, #tpu.memory_space<vmem>>
        %dma_wait3A_892 = arith.constant 0 : i32
        %dma_wait3A_893 = tpu.memref_slice %arg4[%dma_wait3A_892] : memref<10240xf32, #tpu.memory_space<vmem_shared>> -> memref<10240xf32, #tpu.memory_space<vmem_shared>>
        tpu.wait_indirect_dma semaphore(%run_scoped3A_883 : memref<!tpu.dma_semaphore, #tpu.memory_space<semaphore_mem>>) src(%arg6 : memref<128xf32, #tpu.memory_space<vmem>>) dst(%dma_wait3A_893 : memref<10240xf32, #tpu.memory_space<vmem_shared>>)
        tpu.yield
      }) : () -> ()
      %run_scoped3A_832 = arith.constant 2 : i32
      "tpu.region"() ({
        %run_scoped3A_883 = tpu.sem_alloc : memref<!tpu.dma_semaphore, #tpu.memory_space<semaphore_mem>>
        %dma_start3A_884 = arith.constant 0 : i32
        %dma_start3A_885 = tpu.memref_slice %arg5[%run_scoped3A_832, %dma_start3A_884] : memref<40x128xi32, #tpu.memory_space<vmem>> -> memref<1x128xi32, #tpu.memory_space<vmem>>
        %dma_start3A_886 = tpu.memref_squeeze %dma_start3A_885 : memref<1x128xi32, #tpu.memory_space<vmem>> -> memref<128xi32, #tpu.memory_space<vmem>>
        %dma_start3A_887 = arith.constant 0 : i32
        %dma_start3A_888 = tpu.memref_slice %arg4[%dma_start3A_887] : memref<10240xf32, #tpu.memory_space<vmem_shared>> -> memref<10240xf32, #tpu.memory_space<vmem_shared>>
        tpu.enqueue_indirect_dma source(%arg6 : memref<128xf32, #tpu.memory_space<vmem>>) target(%dma_start3A_888 : memref<10240xf32, #tpu.memory_space<vmem_shared>>) offsets(%dma_start3A_886 : memref<128xi32, #tpu.memory_space<vmem>>) semaphore(%run_scoped3A_883 : memref<!tpu.dma_semaphore, #tpu.memory_space<semaphore_mem>>) {add = true}
        %dma_wait3A_889 = arith.constant 0 : i32
        %dma_wait3A_890 = tpu.memref_slice %arg5[%run_scoped3A_832, %dma_wait3A_889] : memref<40x128xi32, #tpu.memory_space<vmem>> -> memref<1x128xi32, #tpu.memory_space<vmem>>
        %dma_wait3A_891 = tpu.memref_squeeze %dma_wait3A_890 : memref<1x128xi32, #tpu.memory_space<vmem>> -> memref<128xi32, #tpu.memory_space<vmem>>
        %dma_wait3A_892 = arith.constant 0 : i32
        %dma_wait3A_893 = tpu.memref_slice %arg4[%dma_wait3A_892] : memref<10240xf32, #tpu.memory_space<vmem_shared>> -> memref<10240xf32, #tpu.memory_space<vmem_shared>>
        tpu.wait_indirect_dma semaphore(%run_scoped3A_883 : memref<!tpu.dma_semaphore, #tpu.memory_space<semaphore_mem>>) src(%arg6 : memref<128xf32, #tpu.memory_space<vmem>>) dst(%dma_wait3A_893 : memref<10240xf32, #tpu.memory_space<vmem_shared>>)
        tpu.yield
      }) : () -> ()
      %run_scoped3A_833 = arith.constant 3 : i32
      "tpu.region"() ({
        %run_scoped3A_883 = tpu.sem_alloc : memref<!tpu.dma_semaphore, #tpu.memory_space<semaphore_mem>>
        %dma_start3A_884 = arith.constant 0 : i32
        %dma_start3A_885 = tpu.memref_slice %arg5[%run_scoped3A_833, %dma_start3A_884] : memref<40x128xi32, #tpu.memory_space<vmem>> -> memref<1x128xi32, #tpu.memory_space<vmem>>
        %dma_start3A_886 = tpu.memref_squeeze %dma_start3A_885 : memref<1x128xi32, #tpu.memory_space<vmem>> -> memref<128xi32, #tpu.memory_space<vmem>>
        %dma_start3A_887 = arith.constant 0 : i32
        %dma_start3A_888 = tpu.memref_slice %arg4[%dma_start3A_887] : memref<10240xf32, #tpu.memory_space<vmem_shared>> -> memref<10240xf32, #tpu.memory_space<vmem_shared>>
        tpu.enqueue_indirect_dma source(%arg6 : memref<128xf32, #tpu.memory_space<vmem>>) target(%dma_start3A_888 : memref<10240xf32, #tpu.memory_space<vmem_shared>>) offsets(%dma_start3A_886 : memref<128xi32, #tpu.memory_space<vmem>>) semaphore(%run_scoped3A_883 : memref<!tpu.dma_semaphore, #tpu.memory_space<semaphore_mem>>) {add = true}
        %dma_wait3A_889 = arith.constant 0 : i32
        %dma_wait3A_890 = tpu.memref_slice %arg5[%run_scoped3A_833, %dma_wait3A_889] : memref<40x128xi32, #tpu.memory_space<vmem>> -> memref<1x128xi32, #tpu.memory_space<vmem>>
        %dma_wait3A_891 = tpu.memref_squeeze %dma_wait3A_890 : memref<1x128xi32, #tpu.memory_space<vmem>> -> memref<128xi32, #tpu.memory_space<vmem>>
        %dma_wait3A_892 = arith.constant 0 : i32
        %dma_wait3A_893 = tpu.memref_slice %arg4[%dma_wait3A_892] : memref<10240xf32, #tpu.memory_space<vmem_shared>> -> memref<10240xf32, #tpu.memory_space<vmem_shared>>
        tpu.wait_indirect_dma semaphore(%run_scoped3A_883 : memref<!tpu.dma_semaphore, #tpu.memory_space<semaphore_mem>>) src(%arg6 : memref<128xf32, #tpu.memory_space<vmem>>) dst(%dma_wait3A_893 : memref<10240xf32, #tpu.memory_space<vmem_shared>>)
        tpu.yield
      }) : () -> ()
      %run_scoped3A_834 = arith.constant 4 : i32
      "tpu.region"() ({
        %run_scoped3A_883 = tpu.sem_alloc : memref<!tpu.dma_semaphore, #tpu.memory_space<semaphore_mem>>
        %dma_start3A_884 = arith.constant 0 : i32
        %dma_start3A_885 = tpu.memref_slice %arg5[%run_scoped3A_834, %dma_start3A_884] : memref<40x128xi32, #tpu.memory_space<vmem>> -> memref<1x128xi32, #tpu.memory_space<vmem>>
        %dma_start3A_886 = tpu.memref_squeeze %dma_start3A_885 : memref<1x128xi32, #tpu.memory_space<vmem>> -> memref<128xi32, #tpu.memory_space<vmem>>
        %dma_start3A_887 = arith.constant 0 : i32
        %dma_start3A_888 = tpu.memref_slice %arg4[%dma_start3A_887] : memref<10240xf32, #tpu.memory_space<vmem_shared>> -> memref<10240xf32, #tpu.memory_space<vmem_shared>>
        tpu.enqueue_indirect_dma source(%arg6 : memref<128xf32, #tpu.memory_space<vmem>>) target(%dma_start3A_888 : memref<10240xf32, #tpu.memory_space<vmem_shared>>) offsets(%dma_start3A_886 : memref<128xi32, #tpu.memory_space<vmem>>) semaphore(%run_scoped3A_883 : memref<!tpu.dma_semaphore, #tpu.memory_space<semaphore_mem>>) {add = true}
        %dma_wait3A_889 = arith.constant 0 : i32
        %dma_wait3A_890 = tpu.memref_slice %arg5[%run_scoped3A_834, %dma_wait3A_889] : memref<40x128xi32, #tpu.memory_space<vmem>> -> memref<1x128xi32, #tpu.memory_space<vmem>>
        %dma_wait3A_891 = tpu.memref_squeeze %dma_wait3A_890 : memref<1x128xi32, #tpu.memory_space<vmem>> -> memref<128xi32, #tpu.memory_space<vmem>>
        %dma_wait3A_892 = arith.constant 0 : i32
        %dma_wait3A_893 = tpu.memref_slice %arg4[%dma_wait3A_892] : memref<10240xf32, #tpu.memory_space<vmem_shared>> -> memref<10240xf32, #tpu.memory_space<vmem_shared>>
        tpu.wait_indirect_dma semaphore(%run_scoped3A_883 : memref<!tpu.dma_semaphore, #tpu.memory_space<semaphore_mem>>) src(%arg6 : memref<128xf32, #tpu.memory_space<vmem>>) dst(%dma_wait3A_893 : memref<10240xf32, #tpu.memory_space<vmem_shared>>)
        tpu.yield
      }) : () -> ()
      %run_scoped3A_835 = arith.constant 5 : i32
      "tpu.region"() ({
        %run_scoped3A_883 = tpu.sem_alloc : memref<!tpu.dma_semaphore, #tpu.memory_space<semaphore_mem>>
        %dma_start3A_884 = arith.constant 0 : i32
        %dma_start3A_885 = tpu.memref_slice %arg5[%run_scoped3A_835, %dma_start3A_884] : memref<40x128xi32, #tpu.memory_space<vmem>> -> memref<1x128xi32, #tpu.memory_space<vmem>>
        %dma_start3A_886 = tpu.memref_squeeze %dma_start3A_885 : memref<1x128xi32, #tpu.memory_space<vmem>> -> memref<128xi32, #tpu.memory_space<vmem>>
        %dma_start3A_887 = arith.constant 0 : i32
        %dma_start3A_888 = tpu.memref_slice %arg4[%dma_start3A_887] : memref<10240xf32, #tpu.memory_space<vmem_shared>> -> memref<10240xf32, #tpu.memory_space<vmem_shared>>
        tpu.enqueue_indirect_dma source(%arg6 : memref<128xf32, #tpu.memory_space<vmem>>) target(%dma_start3A_888 : memref<10240xf32, #tpu.memory_space<vmem_shared>>) offsets(%dma_start3A_886 : memref<128xi32, #tpu.memory_space<vmem>>) semaphore(%run_scoped3A_883 : memref<!tpu.dma_semaphore, #tpu.memory_space<semaphore_mem>>) {add = true}
        %dma_wait3A_889 = arith.constant 0 : i32
        %dma_wait3A_890 = tpu.memref_slice %arg5[%run_scoped3A_835, %dma_wait3A_889] : memref<40x128xi32, #tpu.memory_space<vmem>> -> memref<1x128xi32, #tpu.memory_space<vmem>>
        %dma_wait3A_891 = tpu.memref_squeeze %dma_wait3A_890 : memref<1x128xi32, #tpu.memory_space<vmem>> -> memref<128xi32, #tpu.memory_space<vmem>>
        %dma_wait3A_892 = arith.constant 0 : i32
        %dma_wait3A_893 = tpu.memref_slice %arg4[%dma_wait3A_892] : memref<10240xf32, #tpu.memory_space<vmem_shared>> -> memref<10240xf32, #tpu.memory_space<vmem_shared>>
        tpu.wait_indirect_dma semaphore(%run_scoped3A_883 : memref<!tpu.dma_semaphore, #tpu.memory_space<semaphore_mem>>) src(%arg6 : memref<128xf32, #tpu.memory_space<vmem>>) dst(%dma_wait3A_893 : memref<10240xf32, #tpu.memory_space<vmem_shared>>)
        tpu.yield
      }) : () -> ()
      %run_scoped3A_836 = arith.constant 6 : i32
      "tpu.region"() ({
        %run_scoped3A_883 = tpu.sem_alloc : memref<!tpu.dma_semaphore, #tpu.memory_space<semaphore_mem>>
        %dma_start3A_884 = arith.constant 0 : i32
        %dma_start3A_885 = tpu.memref_slice %arg5[%run_scoped3A_836, %dma_start3A_884] : memref<40x128xi32, #tpu.memory_space<vmem>> -> memref<1x128xi32, #tpu.memory_space<vmem>>
        %dma_start3A_886 = tpu.memref_squeeze %dma_start3A_885 : memref<1x128xi32, #tpu.memory_space<vmem>> -> memref<128xi32, #tpu.memory_space<vmem>>
        %dma_start3A_887 = arith.constant 0 : i32
        %dma_start3A_888 = tpu.memref_slice %arg4[%dma_start3A_887] : memref<10240xf32, #tpu.memory_space<vmem_shared>> -> memref<10240xf32, #tpu.memory_space<vmem_shared>>
        tpu.enqueue_indirect_dma source(%arg6 : memref<128xf32, #tpu.memory_space<vmem>>) target(%dma_start3A_888 : memref<10240xf32, #tpu.memory_space<vmem_shared>>) offsets(%dma_start3A_886 : memref<128xi32, #tpu.memory_space<vmem>>) semaphore(%run_scoped3A_883 : memref<!tpu.dma_semaphore, #tpu.memory_space<semaphore_mem>>) {add = true}
        %dma_wait3A_889 = arith.constant 0 : i32
        %dma_wait3A_890 = tpu.memref_slice %arg5[%run_scoped3A_836, %dma_wait3A_889] : memref<40x128xi32, #tpu.memory_space<vmem>> -> memref<1x128xi32, #tpu.memory_space<vmem>>
        %dma_wait3A_891 = tpu.memref_squeeze %dma_wait3A_890 : memref<1x128xi32, #tpu.memory_space<vmem>> -> memref<128xi32, #tpu.memory_space<vmem>>
        %dma_wait3A_892 = arith.constant 0 : i32
        %dma_wait3A_893 = tpu.memref_slice %arg4[%dma_wait3A_892] : memref<10240xf32, #tpu.memory_space<vmem_shared>> -> memref<10240xf32, #tpu.memory_space<vmem_shared>>
        tpu.wait_indirect_dma semaphore(%run_scoped3A_883 : memref<!tpu.dma_semaphore, #tpu.memory_space<semaphore_mem>>) src(%arg6 : memref<128xf32, #tpu.memory_space<vmem>>) dst(%dma_wait3A_893 : memref<10240xf32, #tpu.memory_space<vmem_shared>>)
        tpu.yield
      }) : () -> ()
      %run_scoped3A_837 = arith.constant 7 : i32
      "tpu.region"() ({
        %run_scoped3A_883 = tpu.sem_alloc : memref<!tpu.dma_semaphore, #tpu.memory_space<semaphore_mem>>
        %dma_start3A_884 = arith.constant 0 : i32
        %dma_start3A_885 = tpu.memref_slice %arg5[%run_scoped3A_837, %dma_start3A_884] : memref<40x128xi32, #tpu.memory_space<vmem>> -> memref<1x128xi32, #tpu.memory_space<vmem>>
        %dma_start3A_886 = tpu.memref_squeeze %dma_start3A_885 : memref<1x128xi32, #tpu.memory_space<vmem>> -> memref<128xi32, #tpu.memory_space<vmem>>
        %dma_start3A_887 = arith.constant 0 : i32
        %dma_start3A_888 = tpu.memref_slice %arg4[%dma_start3A_887] : memref<10240xf32, #tpu.memory_space<vmem_shared>> -> memref<10240xf32, #tpu.memory_space<vmem_shared>>
        tpu.enqueue_indirect_dma source(%arg6 : memref<128xf32, #tpu.memory_space<vmem>>) target(%dma_start3A_888 : memref<10240xf32, #tpu.memory_space<vmem_shared>>) offsets(%dma_start3A_886 : memref<128xi32, #tpu.memory_space<vmem>>) semaphore(%run_scoped3A_883 : memref<!tpu.dma_semaphore, #tpu.memory_space<semaphore_mem>>) {add = true}
        %dma_wait3A_889 = arith.constant 0 : i32
        %dma_wait3A_890 = tpu.memref_slice %arg5[%run_scoped3A_837, %dma_wait3A_889] : memref<40x128xi32, #tpu.memory_space<vmem>> -> memref<1x128xi32, #tpu.memory_space<vmem>>
        %dma_wait3A_891 = tpu.memref_squeeze %dma_wait3A_890 : memref<1x128xi32, #tpu.memory_space<vmem>> -> memref<128xi32, #tpu.memory_space<vmem>>
        %dma_wait3A_892 = arith.constant 0 : i32
        %dma_wait3A_893 = tpu.memref_slice %arg4[%dma_wait3A_892] : memref<10240xf32, #tpu.memory_space<vmem_shared>> -> memref<10240xf32, #tpu.memory_space<vmem_shared>>
        tpu.wait_indirect_dma semaphore(%run_scoped3A_883 : memref<!tpu.dma_semaphore, #tpu.memory_space<semaphore_mem>>) src(%arg6 : memref<128xf32, #tpu.memory_space<vmem>>) dst(%dma_wait3A_893 : memref<10240xf32, #tpu.memory_space<vmem_shared>>)
        tpu.yield
      }) : () -> ()
      %run_scoped3A_838 = arith.constant 8 : i32
      "tpu.region"() ({
        %run_scoped3A_883 = tpu.sem_alloc : memref<!tpu.dma_semaphore, #tpu.memory_space<semaphore_mem>>
        %dma_start3A_884 = arith.constant 0 : i32
        %dma_start3A_885 = tpu.memref_slice %arg5[%run_scoped3A_838, %dma_start3A_884] : memref<40x128xi32, #tpu.memory_space<vmem>> -> memref<1x128xi32, #tpu.memory_space<vmem>>
        %dma_start3A_886 = tpu.memref_squeeze %dma_start3A_885 : memref<1x128xi32, #tpu.memory_space<vmem>> -> memref<128xi32, #tpu.memory_space<vmem>>
        %dma_start3A_887 = arith.constant 0 : i32
        %dma_start3A_888 = tpu.memref_slice %arg4[%dma_start3A_887] : memref<10240xf32, #tpu.memory_space<vmem_shared>> -> memref<10240xf32, #tpu.memory_space<vmem_shared>>
        tpu.enqueue_indirect_dma source(%arg6 : memref<128xf32, #tpu.memory_space<vmem>>) target(%dma_start3A_888 : memref<10240xf32, #tpu.memory_space<vmem_shared>>) offsets(%dma_start3A_886 : memref<128xi32, #tpu.memory_space<vmem>>) semaphore(%run_scoped3A_883 : memref<!tpu.dma_semaphore, #tpu.memory_space<semaphore_mem>>) {add = true}
        %dma_wait3A_889 = arith.constant 0 : i32
        %dma_wait3A_890 = tpu.memref_slice %arg5[%run_scoped3A_838, %dma_wait3A_889] : memref<40x128xi32, #tpu.memory_space<vmem>> -> memref<1x128xi32, #tpu.memory_space<vmem>>
        %dma_wait3A_891 = tpu.memref_squeeze %dma_wait3A_890 : memref<1x128xi32, #tpu.memory_space<vmem>> -> memref<128xi32, #tpu.memory_space<vmem>>
        %dma_wait3A_892 = arith.constant 0 : i32
        %dma_wait3A_893 = tpu.memref_slice %arg4[%dma_wait3A_892] : memref<10240xf32, #tpu.memory_space<vmem_shared>> -> memref<10240xf32, #tpu.memory_space<vmem_shared>>
        tpu.wait_indirect_dma semaphore(%run_scoped3A_883 : memref<!tpu.dma_semaphore, #tpu.memory_space<semaphore_mem>>) src(%arg6 : memref<128xf32, #tpu.memory_space<vmem>>) dst(%dma_wait3A_893 : memref<10240xf32, #tpu.memory_space<vmem_shared>>)
        tpu.yield
      }) : () -> ()
      %run_scoped3A_839 = arith.constant 9 : i32
      "tpu.region"() ({
        %run_scoped3A_883 = tpu.sem_alloc : memref<!tpu.dma_semaphore, #tpu.memory_space<semaphore_mem>>
        %dma_start3A_884 = arith.constant 0 : i32
        %dma_start3A_885 = tpu.memref_slice %arg5[%run_scoped3A_839, %dma_start3A_884] : memref<40x128xi32, #tpu.memory_space<vmem>> -> memref<1x128xi32, #tpu.memory_space<vmem>>
        %dma_start3A_886 = tpu.memref_squeeze %dma_start3A_885 : memref<1x128xi32, #tpu.memory_space<vmem>> -> memref<128xi32, #tpu.memory_space<vmem>>
        %dma_start3A_887 = arith.constant 0 : i32
        %dma_start3A_888 = tpu.memref_slice %arg4[%dma_start3A_887] : memref<10240xf32, #tpu.memory_space<vmem_shared>> -> memref<10240xf32, #tpu.memory_space<vmem_shared>>
        tpu.enqueue_indirect_dma source(%arg6 : memref<128xf32, #tpu.memory_space<vmem>>) target(%dma_start3A_888 : memref<10240xf32, #tpu.memory_space<vmem_shared>>) offsets(%dma_start3A_886 : memref<128xi32, #tpu.memory_space<vmem>>) semaphore(%run_scoped3A_883 : memref<!tpu.dma_semaphore, #tpu.memory_space<semaphore_mem>>) {add = true}
        %dma_wait3A_889 = arith.constant 0 : i32
        %dma_wait3A_890 = tpu.memref_slice %arg5[%run_scoped3A_839, %dma_wait3A_889] : memref<40x128xi32, #tpu.memory_space<vmem>> -> memref<1x128xi32, #tpu.memory_space<vmem>>
        %dma_wait3A_891 = tpu.memref_squeeze %dma_wait3A_890 : memref<1x128xi32, #tpu.memory_space<vmem>> -> memref<128xi32, #tpu.memory_space<vmem>>
        %dma_wait3A_892 = arith.constant 0 : i32
        %dma_wait3A_893 = tpu.memref_slice %arg4[%dma_wait3A_892] : memref<10240xf32, #tpu.memory_space<vmem_shared>> -> memref<10240xf32, #tpu.memory_space<vmem_shared>>
        tpu.wait_indirect_dma semaphore(%run_scoped3A_883 : memref<!tpu.dma_semaphore, #tpu.memory_space<semaphore_mem>>) src(%arg6 : memref<128xf32, #tpu.memory_space<vmem>>) dst(%dma_wait3A_893 : memref<10240xf32, #tpu.memory_space<vmem_shared>>)
        tpu.yield
      }) : () -> ()
      %run_scoped3A_840 = arith.constant 10 : i32
      "tpu.region"() ({
        %run_scoped3A_883 = tpu.sem_alloc : memref<!tpu.dma_semaphore, #tpu.memory_space<semaphore_mem>>
        %dma_start3A_884 = arith.constant 0 : i32
        %dma_start3A_885 = tpu.memref_slice %arg5[%run_scoped3A_840, %dma_start3A_884] : memref<40x128xi32, #tpu.memory_space<vmem>> -> memref<1x128xi32, #tpu.memory_space<vmem>>
        %dma_start3A_886 = tpu.memref_squeeze %dma_start3A_885 : memref<1x128xi32, #tpu.memory_space<vmem>> -> memref<128xi32, #tpu.memory_space<vmem>>
        %dma_start3A_887 = arith.constant 0 : i32
        %dma_start3A_888 = tpu.memref_slice %arg4[%dma_start3A_887] : memref<10240xf32, #tpu.memory_space<vmem_shared>> -> memref<10240xf32, #tpu.memory_space<vmem_shared>>
        tpu.enqueue_indirect_dma source(%arg6 : memref<128xf32, #tpu.memory_space<vmem>>) target(%dma_start3A_888 : memref<10240xf32, #tpu.memory_space<vmem_shared>>) offsets(%dma_start3A_886 : memref<128xi32, #tpu.memory_space<vmem>>) semaphore(%run_scoped3A_883 : memref<!tpu.dma_semaphore, #tpu.memory_space<semaphore_mem>>) {add = true}
        %dma_wait3A_889 = arith.constant 0 : i32
        %dma_wait3A_890 = tpu.memref_slice %arg5[%run_scoped3A_840, %dma_wait3A_889] : memref<40x128xi32, #tpu.memory_space<vmem>> -> memref<1x128xi32, #tpu.memory_space<vmem>>
        %dma_wait3A_891 = tpu.memref_squeeze %dma_wait3A_890 : memref<1x128xi32, #tpu.memory_space<vmem>> -> memref<128xi32, #tpu.memory_space<vmem>>
        %dma_wait3A_892 = arith.constant 0 : i32
        %dma_wait3A_893 = tpu.memref_slice %arg4[%dma_wait3A_892] : memref<10240xf32, #tpu.memory_space<vmem_shared>> -> memref<10240xf32, #tpu.memory_space<vmem_shared>>
        tpu.wait_indirect_dma semaphore(%run_scoped3A_883 : memref<!tpu.dma_semaphore, #tpu.memory_space<semaphore_mem>>) src(%arg6 : memref<128xf32, #tpu.memory_space<vmem>>) dst(%dma_wait3A_893 : memref<10240xf32, #tpu.memory_space<vmem_shared>>)
        tpu.yield
      }) : () -> ()
      %run_scoped3A_841 = arith.constant 11 : i32
      "tpu.region"() ({
        %run_scoped3A_883 = tpu.sem_alloc : memref<!tpu.dma_semaphore, #tpu.memory_space<semaphore_mem>>
        %dma_start3A_884 = arith.constant 0 : i32
        %dma_start3A_885 = tpu.memref_slice %arg5[%run_scoped3A_841, %dma_start3A_884] : memref<40x128xi32, #tpu.memory_space<vmem>> -> memref<1x128xi32, #tpu.memory_space<vmem>>
        %dma_start3A_886 = tpu.memref_squeeze %dma_start3A_885 : memref<1x128xi32, #tpu.memory_space<vmem>> -> memref<128xi32, #tpu.memory_space<vmem>>
        %dma_start3A_887 = arith.constant 0 : i32
        %dma_start3A_888 = tpu.memref_slice %arg4[%dma_start3A_887] : memref<10240xf32, #tpu.memory_space<vmem_shared>> -> memref<10240xf32, #tpu.memory_space<vmem_shared>>
        tpu.enqueue_indirect_dma source(%arg6 : memref<128xf32, #tpu.memory_space<vmem>>) target(%dma_start3A_888 : memref<10240xf32, #tpu.memory_space<vmem_shared>>) offsets(%dma_start3A_886 : memref<128xi32, #tpu.memory_space<vmem>>) semaphore(%run_scoped3A_883 : memref<!tpu.dma_semaphore, #tpu.memory_space<semaphore_mem>>) {add = true}
        %dma_wait3A_889 = arith.constant 0 : i32
        %dma_wait3A_890 = tpu.memref_slice %arg5[%run_scoped3A_841, %dma_wait3A_889] : memref<40x128xi32, #tpu.memory_space<vmem>> -> memref<1x128xi32, #tpu.memory_space<vmem>>
        %dma_wait3A_891 = tpu.memref_squeeze %dma_wait3A_890 : memref<1x128xi32, #tpu.memory_space<vmem>> -> memref<128xi32, #tpu.memory_space<vmem>>
        %dma_wait3A_892 = arith.constant 0 : i32
        %dma_wait3A_893 = tpu.memref_slice %arg4[%dma_wait3A_892] : memref<10240xf32, #tpu.memory_space<vmem_shared>> -> memref<10240xf32, #tpu.memory_space<vmem_shared>>
        tpu.wait_indirect_dma semaphore(%run_scoped3A_883 : memref<!tpu.dma_semaphore, #tpu.memory_space<semaphore_mem>>) src(%arg6 : memref<128xf32, #tpu.memory_space<vmem>>) dst(%dma_wait3A_893 : memref<10240xf32, #tpu.memory_space<vmem_shared>>)
        tpu.yield
      }) : () -> ()
      %run_scoped3A_842 = arith.constant 12 : i32
      "tpu.region"() ({
        %run_scoped3A_883 = tpu.sem_alloc : memref<!tpu.dma_semaphore, #tpu.memory_space<semaphore_mem>>
        %dma_start3A_884 = arith.constant 0 : i32
        %dma_start3A_885 = tpu.memref_slice %arg5[%run_scoped3A_842, %dma_start3A_884] : memref<40x128xi32, #tpu.memory_space<vmem>> -> memref<1x128xi32, #tpu.memory_space<vmem>>
        %dma_start3A_886 = tpu.memref_squeeze %dma_start3A_885 : memref<1x128xi32, #tpu.memory_space<vmem>> -> memref<128xi32, #tpu.memory_space<vmem>>
        %dma_start3A_887 = arith.constant 0 : i32
        %dma_start3A_888 = tpu.memref_slice %arg4[%dma_start3A_887] : memref<10240xf32, #tpu.memory_space<vmem_shared>> -> memref<10240xf32, #tpu.memory_space<vmem_shared>>
        tpu.enqueue_indirect_dma source(%arg6 : memref<128xf32, #tpu.memory_space<vmem>>) target(%dma_start3A_888 : memref<10240xf32, #tpu.memory_space<vmem_shared>>) offsets(%dma_start3A_886 : memref<128xi32, #tpu.memory_space<vmem>>) semaphore(%run_scoped3A_883 : memref<!tpu.dma_semaphore, #tpu.memory_space<semaphore_mem>>) {add = true}
        %dma_wait3A_889 = arith.constant 0 : i32
        %dma_wait3A_890 = tpu.memref_slice %arg5[%run_scoped3A_842, %dma_wait3A_889] : memref<40x128xi32, #tpu.memory_space<vmem>> -> memref<1x128xi32, #tpu.memory_space<vmem>>
        %dma_wait3A_891 = tpu.memref_squeeze %dma_wait3A_890 : memref<1x128xi32, #tpu.memory_space<vmem>> -> memref<128xi32, #tpu.memory_space<vmem>>
        %dma_wait3A_892 = arith.constant 0 : i32
        %dma_wait3A_893 = tpu.memref_slice %arg4[%dma_wait3A_892] : memref<10240xf32, #tpu.memory_space<vmem_shared>> -> memref<10240xf32, #tpu.memory_space<vmem_shared>>
        tpu.wait_indirect_dma semaphore(%run_scoped3A_883 : memref<!tpu.dma_semaphore, #tpu.memory_space<semaphore_mem>>) src(%arg6 : memref<128xf32, #tpu.memory_space<vmem>>) dst(%dma_wait3A_893 : memref<10240xf32, #tpu.memory_space<vmem_shared>>)
        tpu.yield
      }) : () -> ()
      %run_scoped3A_843 = arith.constant 13 : i32
      "tpu.region"() ({
        %run_scoped3A_883 = tpu.sem_alloc : memref<!tpu.dma_semaphore, #tpu.memory_space<semaphore_mem>>
        %dma_start3A_884 = arith.constant 0 : i32
        %dma_start3A_885 = tpu.memref_slice %arg5[%run_scoped3A_843, %dma_start3A_884] : memref<40x128xi32, #tpu.memory_space<vmem>> -> memref<1x128xi32, #tpu.memory_space<vmem>>
        %dma_start3A_886 = tpu.memref_squeeze %dma_start3A_885 : memref<1x128xi32, #tpu.memory_space<vmem>> -> memref<128xi32, #tpu.memory_space<vmem>>
        %dma_start3A_887 = arith.constant 0 : i32
        %dma_start3A_888 = tpu.memref_slice %arg4[%dma_start3A_887] : memref<10240xf32, #tpu.memory_space<vmem_shared>> -> memref<10240xf32, #tpu.memory_space<vmem_shared>>
        tpu.enqueue_indirect_dma source(%arg6 : memref<128xf32, #tpu.memory_space<vmem>>) target(%dma_start3A_888 : memref<10240xf32, #tpu.memory_space<vmem_shared>>) offsets(%dma_start3A_886 : memref<128xi32, #tpu.memory_space<vmem>>) semaphore(%run_scoped3A_883 : memref<!tpu.dma_semaphore, #tpu.memory_space<semaphore_mem>>) {add = true}
        %dma_wait3A_889 = arith.constant 0 : i32
        %dma_wait3A_890 = tpu.memref_slice %arg5[%run_scoped3A_843, %dma_wait3A_889] : memref<40x128xi32, #tpu.memory_space<vmem>> -> memref<1x128xi32, #tpu.memory_space<vmem>>
        %dma_wait3A_891 = tpu.memref_squeeze %dma_wait3A_890 : memref<1x128xi32, #tpu.memory_space<vmem>> -> memref<128xi32, #tpu.memory_space<vmem>>
        %dma_wait3A_892 = arith.constant 0 : i32
        %dma_wait3A_893 = tpu.memref_slice %arg4[%dma_wait3A_892] : memref<10240xf32, #tpu.memory_space<vmem_shared>> -> memref<10240xf32, #tpu.memory_space<vmem_shared>>
        tpu.wait_indirect_dma semaphore(%run_scoped3A_883 : memref<!tpu.dma_semaphore, #tpu.memory_space<semaphore_mem>>) src(%arg6 : memref<128xf32, #tpu.memory_space<vmem>>) dst(%dma_wait3A_893 : memref<10240xf32, #tpu.memory_space<vmem_shared>>)
        tpu.yield
      }) : () -> ()
      %run_scoped3A_844 = arith.constant 14 : i32
      "tpu.region"() ({
        %run_scoped3A_883 = tpu.sem_alloc : memref<!tpu.dma_semaphore, #tpu.memory_space<semaphore_mem>>
        %dma_start3A_884 = arith.constant 0 : i32
        %dma_start3A_885 = tpu.memref_slice %arg5[%run_scoped3A_844, %dma_start3A_884] : memref<40x128xi32, #tpu.memory_space<vmem>> -> memref<1x128xi32, #tpu.memory_space<vmem>>
        %dma_start3A_886 = tpu.memref_squeeze %dma_start3A_885 : memref<1x128xi32, #tpu.memory_space<vmem>> -> memref<128xi32, #tpu.memory_space<vmem>>
        %dma_start3A_887 = arith.constant 0 : i32
        %dma_start3A_888 = tpu.memref_slice %arg4[%dma_start3A_887] : memref<10240xf32, #tpu.memory_space<vmem_shared>> -> memref<10240xf32, #tpu.memory_space<vmem_shared>>
        tpu.enqueue_indirect_dma source(%arg6 : memref<128xf32, #tpu.memory_space<vmem>>) target(%dma_start3A_888 : memref<10240xf32, #tpu.memory_space<vmem_shared>>) offsets(%dma_start3A_886 : memref<128xi32, #tpu.memory_space<vmem>>) semaphore(%run_scoped3A_883 : memref<!tpu.dma_semaphore, #tpu.memory_space<semaphore_mem>>) {add = true}
        %dma_wait3A_889 = arith.constant 0 : i32
        %dma_wait3A_890 = tpu.memref_slice %arg5[%run_scoped3A_844, %dma_wait3A_889] : memref<40x128xi32, #tpu.memory_space<vmem>> -> memref<1x128xi32, #tpu.memory_space<vmem>>
        %dma_wait3A_891 = tpu.memref_squeeze %dma_wait3A_890 : memref<1x128xi32, #tpu.memory_space<vmem>> -> memref<128xi32, #tpu.memory_space<vmem>>
        %dma_wait3A_892 = arith.constant 0 : i32
        %dma_wait3A_893 = tpu.memref_slice %arg4[%dma_wait3A_892] : memref<10240xf32, #tpu.memory_space<vmem_shared>> -> memref<10240xf32, #tpu.memory_space<vmem_shared>>
        tpu.wait_indirect_dma semaphore(%run_scoped3A_883 : memref<!tpu.dma_semaphore, #tpu.memory_space<semaphore_mem>>) src(%arg6 : memref<128xf32, #tpu.memory_space<vmem>>) dst(%dma_wait3A_893 : memref<10240xf32, #tpu.memory_space<vmem_shared>>)
        tpu.yield
      }) : () -> ()
      %run_scoped3A_845 = arith.constant 15 : i32
      "tpu.region"() ({
        %run_scoped3A_883 = tpu.sem_alloc : memref<!tpu.dma_semaphore, #tpu.memory_space<semaphore_mem>>
        %dma_start3A_884 = arith.constant 0 : i32
        %dma_start3A_885 = tpu.memref_slice %arg5[%run_scoped3A_845, %dma_start3A_884] : memref<40x128xi32, #tpu.memory_space<vmem>> -> memref<1x128xi32, #tpu.memory_space<vmem>>
        %dma_start3A_886 = tpu.memref_squeeze %dma_start3A_885 : memref<1x128xi32, #tpu.memory_space<vmem>> -> memref<128xi32, #tpu.memory_space<vmem>>
        %dma_start3A_887 = arith.constant 0 : i32
        %dma_start3A_888 = tpu.memref_slice %arg4[%dma_start3A_887] : memref<10240xf32, #tpu.memory_space<vmem_shared>> -> memref<10240xf32, #tpu.memory_space<vmem_shared>>
        tpu.enqueue_indirect_dma source(%arg6 : memref<128xf32, #tpu.memory_space<vmem>>) target(%dma_start3A_888 : memref<10240xf32, #tpu.memory_space<vmem_shared>>) offsets(%dma_start3A_886 : memref<128xi32, #tpu.memory_space<vmem>>) semaphore(%run_scoped3A_883 : memref<!tpu.dma_semaphore, #tpu.memory_space<semaphore_mem>>) {add = true}
        %dma_wait3A_889 = arith.constant 0 : i32
        %dma_wait3A_890 = tpu.memref_slice %arg5[%run_scoped3A_845, %dma_wait3A_889] : memref<40x128xi32, #tpu.memory_space<vmem>> -> memref<1x128xi32, #tpu.memory_space<vmem>>
        %dma_wait3A_891 = tpu.memref_squeeze %dma_wait3A_890 : memref<1x128xi32, #tpu.memory_space<vmem>> -> memref<128xi32, #tpu.memory_space<vmem>>
        %dma_wait3A_892 = arith.constant 0 : i32
        %dma_wait3A_893 = tpu.memref_slice %arg4[%dma_wait3A_892] : memref<10240xf32, #tpu.memory_space<vmem_shared>> -> memref<10240xf32, #tpu.memory_space<vmem_shared>>
        tpu.wait_indirect_dma semaphore(%run_scoped3A_883 : memref<!tpu.dma_semaphore, #tpu.memory_space<semaphore_mem>>) src(%arg6 : memref<128xf32, #tpu.memory_space<vmem>>) dst(%dma_wait3A_893 : memref<10240xf32, #tpu.memory_space<vmem_shared>>)
        tpu.yield
      }) : () -> ()
      %run_scoped3A_846 = arith.constant 16 : i32
      "tpu.region"() ({
        %run_scoped3A_883 = tpu.sem_alloc : memref<!tpu.dma_semaphore, #tpu.memory_space<semaphore_mem>>
        %dma_start3A_884 = arith.constant 0 : i32
        %dma_start3A_885 = tpu.memref_slice %arg5[%run_scoped3A_846, %dma_start3A_884] : memref<40x128xi32, #tpu.memory_space<vmem>> -> memref<1x128xi32, #tpu.memory_space<vmem>>
        %dma_start3A_886 = tpu.memref_squeeze %dma_start3A_885 : memref<1x128xi32, #tpu.memory_space<vmem>> -> memref<128xi32, #tpu.memory_space<vmem>>
        %dma_start3A_887 = arith.constant 0 : i32
        %dma_start3A_888 = tpu.memref_slice %arg4[%dma_start3A_887] : memref<10240xf32, #tpu.memory_space<vmem_shared>> -> memref<10240xf32, #tpu.memory_space<vmem_shared>>
        tpu.enqueue_indirect_dma source(%arg6 : memref<128xf32, #tpu.memory_space<vmem>>) target(%dma_start3A_888 : memref<10240xf32, #tpu.memory_space<vmem_shared>>) offsets(%dma_start3A_886 : memref<128xi32, #tpu.memory_space<vmem>>) semaphore(%run_scoped3A_883 : memref<!tpu.dma_semaphore, #tpu.memory_space<semaphore_mem>>) {add = true}
        %dma_wait3A_889 = arith.constant 0 : i32
        %dma_wait3A_890 = tpu.memref_slice %arg5[%run_scoped3A_846, %dma_wait3A_889] : memref<40x128xi32, #tpu.memory_space<vmem>> -> memref<1x128xi32, #tpu.memory_space<vmem>>
        %dma_wait3A_891 = tpu.memref_squeeze %dma_wait3A_890 : memref<1x128xi32, #tpu.memory_space<vmem>> -> memref<128xi32, #tpu.memory_space<vmem>>
        %dma_wait3A_892 = arith.constant 0 : i32
        %dma_wait3A_893 = tpu.memref_slice %arg4[%dma_wait3A_892] : memref<10240xf32, #tpu.memory_space<vmem_shared>> -> memref<10240xf32, #tpu.memory_space<vmem_shared>>
        tpu.wait_indirect_dma semaphore(%run_scoped3A_883 : memref<!tpu.dma_semaphore, #tpu.memory_space<semaphore_mem>>) src(%arg6 : memref<128xf32, #tpu.memory_space<vmem>>) dst(%dma_wait3A_893 : memref<10240xf32, #tpu.memory_space<vmem_shared>>)
        tpu.yield
      }) : () -> ()
      %run_scoped3A_847 = arith.constant 17 : i32
      "tpu.region"() ({
        %run_scoped3A_883 = tpu.sem_alloc : memref<!tpu.dma_semaphore, #tpu.memory_space<semaphore_mem>>
        %dma_start3A_884 = arith.constant 0 : i32
        %dma_start3A_885 = tpu.memref_slice %arg5[%run_scoped3A_847, %dma_start3A_884] : memref<40x128xi32, #tpu.memory_space<vmem>> -> memref<1x128xi32, #tpu.memory_space<vmem>>
        %dma_start3A_886 = tpu.memref_squeeze %dma_start3A_885 : memref<1x128xi32, #tpu.memory_space<vmem>> -> memref<128xi32, #tpu.memory_space<vmem>>
        %dma_start3A_887 = arith.constant 0 : i32
        %dma_start3A_888 = tpu.memref_slice %arg4[%dma_start3A_887] : memref<10240xf32, #tpu.memory_space<vmem_shared>> -> memref<10240xf32, #tpu.memory_space<vmem_shared>>
        tpu.enqueue_indirect_dma source(%arg6 : memref<128xf32, #tpu.memory_space<vmem>>) target(%dma_start3A_888 : memref<10240xf32, #tpu.memory_space<vmem_shared>>) offsets(%dma_start3A_886 : memref<128xi32, #tpu.memory_space<vmem>>) semaphore(%run_scoped3A_883 : memref<!tpu.dma_semaphore, #tpu.memory_space<semaphore_mem>>) {add = true}
        %dma_wait3A_889 = arith.constant 0 : i32
        %dma_wait3A_890 = tpu.memref_slice %arg5[%run_scoped3A_847, %dma_wait3A_889] : memref<40x128xi32, #tpu.memory_space<vmem>> -> memref<1x128xi32, #tpu.memory_space<vmem>>
        %dma_wait3A_891 = tpu.memref_squeeze %dma_wait3A_890 : memref<1x128xi32, #tpu.memory_space<vmem>> -> memref<128xi32, #tpu.memory_space<vmem>>
        %dma_wait3A_892 = arith.constant 0 : i32
        %dma_wait3A_893 = tpu.memref_slice %arg4[%dma_wait3A_892] : memref<10240xf32, #tpu.memory_space<vmem_shared>> -> memref<10240xf32, #tpu.memory_space<vmem_shared>>
        tpu.wait_indirect_dma semaphore(%run_scoped3A_883 : memref<!tpu.dma_semaphore, #tpu.memory_space<semaphore_mem>>) src(%arg6 : memref<128xf32, #tpu.memory_space<vmem>>) dst(%dma_wait3A_893 : memref<10240xf32, #tpu.memory_space<vmem_shared>>)
        tpu.yield
      }) : () -> ()
      %run_scoped3A_848 = arith.constant 18 : i32
      "tpu.region"() ({
        %run_scoped3A_883 = tpu.sem_alloc : memref<!tpu.dma_semaphore, #tpu.memory_space<semaphore_mem>>
        %dma_start3A_884 = arith.constant 0 : i32
        %dma_start3A_885 = tpu.memref_slice %arg5[%run_scoped3A_848, %dma_start3A_884] : memref<40x128xi32, #tpu.memory_space<vmem>> -> memref<1x128xi32, #tpu.memory_space<vmem>>
        %dma_start3A_886 = tpu.memref_squeeze %dma_start3A_885 : memref<1x128xi32, #tpu.memory_space<vmem>> -> memref<128xi32, #tpu.memory_space<vmem>>
        %dma_start3A_887 = arith.constant 0 : i32
        %dma_start3A_888 = tpu.memref_slice %arg4[%dma_start3A_887] : memref<10240xf32, #tpu.memory_space<vmem_shared>> -> memref<10240xf32, #tpu.memory_space<vmem_shared>>
        tpu.enqueue_indirect_dma source(%arg6 : memref<128xf32, #tpu.memory_space<vmem>>) target(%dma_start3A_888 : memref<10240xf32, #tpu.memory_space<vmem_shared>>) offsets(%dma_start3A_886 : memref<128xi32, #tpu.memory_space<vmem>>) semaphore(%run_scoped3A_883 : memref<!tpu.dma_semaphore, #tpu.memory_space<semaphore_mem>>) {add = true}
        %dma_wait3A_889 = arith.constant 0 : i32
        %dma_wait3A_890 = tpu.memref_slice %arg5[%run_scoped3A_848, %dma_wait3A_889] : memref<40x128xi32, #tpu.memory_space<vmem>> -> memref<1x128xi32, #tpu.memory_space<vmem>>
        %dma_wait3A_891 = tpu.memref_squeeze %dma_wait3A_890 : memref<1x128xi32, #tpu.memory_space<vmem>> -> memref<128xi32, #tpu.memory_space<vmem>>
        %dma_wait3A_892 = arith.constant 0 : i32
        %dma_wait3A_893 = tpu.memref_slice %arg4[%dma_wait3A_892] : memref<10240xf32, #tpu.memory_space<vmem_shared>> -> memref<10240xf32, #tpu.memory_space<vmem_shared>>
        tpu.wait_indirect_dma semaphore(%run_scoped3A_883 : memref<!tpu.dma_semaphore, #tpu.memory_space<semaphore_mem>>) src(%arg6 : memref<128xf32, #tpu.memory_space<vmem>>) dst(%dma_wait3A_893 : memref<10240xf32, #tpu.memory_space<vmem_shared>>)
        tpu.yield
      }) : () -> ()
      %run_scoped3A_849 = arith.constant 19 : i32
      "tpu.region"() ({
        %run_scoped3A_883 = tpu.sem_alloc : memref<!tpu.dma_semaphore, #tpu.memory_space<semaphore_mem>>
        %dma_start3A_884 = arith.constant 0 : i32
        %dma_start3A_885 = tpu.memref_slice %arg5[%run_scoped3A_849, %dma_start3A_884] : memref<40x128xi32, #tpu.memory_space<vmem>> -> memref<1x128xi32, #tpu.memory_space<vmem>>
        %dma_start3A_886 = tpu.memref_squeeze %dma_start3A_885 : memref<1x128xi32, #tpu.memory_space<vmem>> -> memref<128xi32, #tpu.memory_space<vmem>>
        %dma_start3A_887 = arith.constant 0 : i32
        %dma_start3A_888 = tpu.memref_slice %arg4[%dma_start3A_887] : memref<10240xf32, #tpu.memory_space<vmem_shared>> -> memref<10240xf32, #tpu.memory_space<vmem_shared>>
        tpu.enqueue_indirect_dma source(%arg6 : memref<128xf32, #tpu.memory_space<vmem>>) target(%dma_start3A_888 : memref<10240xf32, #tpu.memory_space<vmem_shared>>) offsets(%dma_start3A_886 : memref<128xi32, #tpu.memory_space<vmem>>) semaphore(%run_scoped3A_883 : memref<!tpu.dma_semaphore, #tpu.memory_space<semaphore_mem>>) {add = true}
        %dma_wait3A_889 = arith.constant 0 : i32
        %dma_wait3A_890 = tpu.memref_slice %arg5[%run_scoped3A_849, %dma_wait3A_889] : memref<40x128xi32, #tpu.memory_space<vmem>> -> memref<1x128xi32, #tpu.memory_space<vmem>>
        %dma_wait3A_891 = tpu.memref_squeeze %dma_wait3A_890 : memref<1x128xi32, #tpu.memory_space<vmem>> -> memref<128xi32, #tpu.memory_space<vmem>>
        %dma_wait3A_892 = arith.constant 0 : i32
        %dma_wait3A_893 = tpu.memref_slice %arg4[%dma_wait3A_892] : memref<10240xf32, #tpu.memory_space<vmem_shared>> -> memref<10240xf32, #tpu.memory_space<vmem_shared>>
        tpu.wait_indirect_dma semaphore(%run_scoped3A_883 : memref<!tpu.dma_semaphore, #tpu.memory_space<semaphore_mem>>) src(%arg6 : memref<128xf32, #tpu.memory_space<vmem>>) dst(%dma_wait3A_893 : memref<10240xf32, #tpu.memory_space<vmem_shared>>)
        tpu.yield
      }) : () -> ()
      %run_scoped3A_850 = arith.constant 20 : i32
      "tpu.region"() ({
        %run_scoped3A_883 = tpu.sem_alloc : memref<!tpu.dma_semaphore, #tpu.memory_space<semaphore_mem>>
        %dma_start3A_884 = arith.constant 0 : i32
        %dma_start3A_885 = tpu.memref_slice %arg5[%run_scoped3A_850, %dma_start3A_884] : memref<40x128xi32, #tpu.memory_space<vmem>> -> memref<1x128xi32, #tpu.memory_space<vmem>>
        %dma_start3A_886 = tpu.memref_squeeze %dma_start3A_885 : memref<1x128xi32, #tpu.memory_space<vmem>> -> memref<128xi32, #tpu.memory_space<vmem>>
        %dma_start3A_887 = arith.constant 0 : i32
        %dma_start3A_888 = tpu.memref_slice %arg4[%dma_start3A_887] : memref<10240xf32, #tpu.memory_space<vmem_shared>> -> memref<10240xf32, #tpu.memory_space<vmem_shared>>
        tpu.enqueue_indirect_dma source(%arg6 : memref<128xf32, #tpu.memory_space<vmem>>) target(%dma_start3A_888 : memref<10240xf32, #tpu.memory_space<vmem_shared>>) offsets(%dma_start3A_886 : memref<128xi32, #tpu.memory_space<vmem>>) semaphore(%run_scoped3A_883 : memref<!tpu.dma_semaphore, #tpu.memory_space<semaphore_mem>>) {add = true}
        %dma_wait3A_889 = arith.constant 0 : i32
        %dma_wait3A_890 = tpu.memref_slice %arg5[%run_scoped3A_850, %dma_wait3A_889] : memref<40x128xi32, #tpu.memory_space<vmem>> -> memref<1x128xi32, #tpu.memory_space<vmem>>
        %dma_wait3A_891 = tpu.memref_squeeze %dma_wait3A_890 : memref<1x128xi32, #tpu.memory_space<vmem>> -> memref<128xi32, #tpu.memory_space<vmem>>
        %dma_wait3A_892 = arith.constant 0 : i32
        %dma_wait3A_893 = tpu.memref_slice %arg4[%dma_wait3A_892] : memref<10240xf32, #tpu.memory_space<vmem_shared>> -> memref<10240xf32, #tpu.memory_space<vmem_shared>>
        tpu.wait_indirect_dma semaphore(%run_scoped3A_883 : memref<!tpu.dma_semaphore, #tpu.memory_space<semaphore_mem>>) src(%arg6 : memref<128xf32, #tpu.memory_space<vmem>>) dst(%dma_wait3A_893 : memref<10240xf32, #tpu.memory_space<vmem_shared>>)
        tpu.yield
      }) : () -> ()
      %run_scoped3A_851 = arith.constant 21 : i32
      "tpu.region"() ({
        %run_scoped3A_883 = tpu.sem_alloc : memref<!tpu.dma_semaphore, #tpu.memory_space<semaphore_mem>>
        %dma_start3A_884 = arith.constant 0 : i32
        %dma_start3A_885 = tpu.memref_slice %arg5[%run_scoped3A_851, %dma_start3A_884] : memref<40x128xi32, #tpu.memory_space<vmem>> -> memref<1x128xi32, #tpu.memory_space<vmem>>
        %dma_start3A_886 = tpu.memref_squeeze %dma_start3A_885 : memref<1x128xi32, #tpu.memory_space<vmem>> -> memref<128xi32, #tpu.memory_space<vmem>>
        %dma_start3A_887 = arith.constant 0 : i32
        %dma_start3A_888 = tpu.memref_slice %arg4[%dma_start3A_887] : memref<10240xf32, #tpu.memory_space<vmem_shared>> -> memref<10240xf32, #tpu.memory_space<vmem_shared>>
        tpu.enqueue_indirect_dma source(%arg6 : memref<128xf32, #tpu.memory_space<vmem>>) target(%dma_start3A_888 : memref<10240xf32, #tpu.memory_space<vmem_shared>>) offsets(%dma_start3A_886 : memref<128xi32, #tpu.memory_space<vmem>>) semaphore(%run_scoped3A_883 : memref<!tpu.dma_semaphore, #tpu.memory_space<semaphore_mem>>) {add = true}
        %dma_wait3A_889 = arith.constant 0 : i32
        %dma_wait3A_890 = tpu.memref_slice %arg5[%run_scoped3A_851, %dma_wait3A_889] : memref<40x128xi32, #tpu.memory_space<vmem>> -> memref<1x128xi32, #tpu.memory_space<vmem>>
        %dma_wait3A_891 = tpu.memref_squeeze %dma_wait3A_890 : memref<1x128xi32, #tpu.memory_space<vmem>> -> memref<128xi32, #tpu.memory_space<vmem>>
        %dma_wait3A_892 = arith.constant 0 : i32
        %dma_wait3A_893 = tpu.memref_slice %arg4[%dma_wait3A_892] : memref<10240xf32, #tpu.memory_space<vmem_shared>> -> memref<10240xf32, #tpu.memory_space<vmem_shared>>
        tpu.wait_indirect_dma semaphore(%run_scoped3A_883 : memref<!tpu.dma_semaphore, #tpu.memory_space<semaphore_mem>>) src(%arg6 : memref<128xf32, #tpu.memory_space<vmem>>) dst(%dma_wait3A_893 : memref<10240xf32, #tpu.memory_space<vmem_shared>>)
        tpu.yield
      }) : () -> ()
      %run_scoped3A_852 = arith.constant 22 : i32
      "tpu.region"() ({
        %run_scoped3A_883 = tpu.sem_alloc : memref<!tpu.dma_semaphore, #tpu.memory_space<semaphore_mem>>
        %dma_start3A_884 = arith.constant 0 : i32
        %dma_start3A_885 = tpu.memref_slice %arg5[%run_scoped3A_852, %dma_start3A_884] : memref<40x128xi32, #tpu.memory_space<vmem>> -> memref<1x128xi32, #tpu.memory_space<vmem>>
        %dma_start3A_886 = tpu.memref_squeeze %dma_start3A_885 : memref<1x128xi32, #tpu.memory_space<vmem>> -> memref<128xi32, #tpu.memory_space<vmem>>
        %dma_start3A_887 = arith.constant 0 : i32
        %dma_start3A_888 = tpu.memref_slice %arg4[%dma_start3A_887] : memref<10240xf32, #tpu.memory_space<vmem_shared>> -> memref<10240xf32, #tpu.memory_space<vmem_shared>>
        tpu.enqueue_indirect_dma source(%arg6 : memref<128xf32, #tpu.memory_space<vmem>>) target(%dma_start3A_888 : memref<10240xf32, #tpu.memory_space<vmem_shared>>) offsets(%dma_start3A_886 : memref<128xi32, #tpu.memory_space<vmem>>) semaphore(%run_scoped3A_883 : memref<!tpu.dma_semaphore, #tpu.memory_space<semaphore_mem>>) {add = true}
        %dma_wait3A_889 = arith.constant 0 : i32
        %dma_wait3A_890 = tpu.memref_slice %arg5[%run_scoped3A_852, %dma_wait3A_889] : memref<40x128xi32, #tpu.memory_space<vmem>> -> memref<1x128xi32, #tpu.memory_space<vmem>>
        %dma_wait3A_891 = tpu.memref_squeeze %dma_wait3A_890 : memref<1x128xi32, #tpu.memory_space<vmem>> -> memref<128xi32, #tpu.memory_space<vmem>>
        %dma_wait3A_892 = arith.constant 0 : i32
        %dma_wait3A_893 = tpu.memref_slice %arg4[%dma_wait3A_892] : memref<10240xf32, #tpu.memory_space<vmem_shared>> -> memref<10240xf32, #tpu.memory_space<vmem_shared>>
        tpu.wait_indirect_dma semaphore(%run_scoped3A_883 : memref<!tpu.dma_semaphore, #tpu.memory_space<semaphore_mem>>) src(%arg6 : memref<128xf32, #tpu.memory_space<vmem>>) dst(%dma_wait3A_893 : memref<10240xf32, #tpu.memory_space<vmem_shared>>)
        tpu.yield
      }) : () -> ()
      %run_scoped3A_853 = arith.constant 23 : i32
      "tpu.region"() ({
        %run_scoped3A_883 = tpu.sem_alloc : memref<!tpu.dma_semaphore, #tpu.memory_space<semaphore_mem>>
        %dma_start3A_884 = arith.constant 0 : i32
        %dma_start3A_885 = tpu.memref_slice %arg5[%run_scoped3A_853, %dma_start3A_884] : memref<40x128xi32, #tpu.memory_space<vmem>> -> memref<1x128xi32, #tpu.memory_space<vmem>>
        %dma_start3A_886 = tpu.memref_squeeze %dma_start3A_885 : memref<1x128xi32, #tpu.memory_space<vmem>> -> memref<128xi32, #tpu.memory_space<vmem>>
        %dma_start3A_887 = arith.constant 0 : i32
        %dma_start3A_888 = tpu.memref_slice %arg4[%dma_start3A_887] : memref<10240xf32, #tpu.memory_space<vmem_shared>> -> memref<10240xf32, #tpu.memory_space<vmem_shared>>
        tpu.enqueue_indirect_dma source(%arg6 : memref<128xf32, #tpu.memory_space<vmem>>) target(%dma_start3A_888 : memref<10240xf32, #tpu.memory_space<vmem_shared>>) offsets(%dma_start3A_886 : memref<128xi32, #tpu.memory_space<vmem>>) semaphore(%run_scoped3A_883 : memref<!tpu.dma_semaphore, #tpu.memory_space<semaphore_mem>>) {add = true}
        %dma_wait3A_889 = arith.constant 0 : i32
        %dma_wait3A_890 = tpu.memref_slice %arg5[%run_scoped3A_853, %dma_wait3A_889] : memref<40x128xi32, #tpu.memory_space<vmem>> -> memref<1x128xi32, #tpu.memory_space<vmem>>
        %dma_wait3A_891 = tpu.memref_squeeze %dma_wait3A_890 : memref<1x128xi32, #tpu.memory_space<vmem>> -> memref<128xi32, #tpu.memory_space<vmem>>
        %dma_wait3A_892 = arith.constant 0 : i32
        %dma_wait3A_893 = tpu.memref_slice %arg4[%dma_wait3A_892] : memref<10240xf32, #tpu.memory_space<vmem_shared>> -> memref<10240xf32, #tpu.memory_space<vmem_shared>>
        tpu.wait_indirect_dma semaphore(%run_scoped3A_883 : memref<!tpu.dma_semaphore, #tpu.memory_space<semaphore_mem>>) src(%arg6 : memref<128xf32, #tpu.memory_space<vmem>>) dst(%dma_wait3A_893 : memref<10240xf32, #tpu.memory_space<vmem_shared>>)
        tpu.yield
      }) : () -> ()
      %run_scoped3A_854 = arith.constant 24 : i32
      "tpu.region"() ({
        %run_scoped3A_883 = tpu.sem_alloc : memref<!tpu.dma_semaphore, #tpu.memory_space<semaphore_mem>>
        %dma_start3A_884 = arith.constant 0 : i32
        %dma_start3A_885 = tpu.memref_slice %arg5[%run_scoped3A_854, %dma_start3A_884] : memref<40x128xi32, #tpu.memory_space<vmem>> -> memref<1x128xi32, #tpu.memory_space<vmem>>
        %dma_start3A_886 = tpu.memref_squeeze %dma_start3A_885 : memref<1x128xi32, #tpu.memory_space<vmem>> -> memref<128xi32, #tpu.memory_space<vmem>>
        %dma_start3A_887 = arith.constant 0 : i32
        %dma_start3A_888 = tpu.memref_slice %arg4[%dma_start3A_887] : memref<10240xf32, #tpu.memory_space<vmem_shared>> -> memref<10240xf32, #tpu.memory_space<vmem_shared>>
        tpu.enqueue_indirect_dma source(%arg6 : memref<128xf32, #tpu.memory_space<vmem>>) target(%dma_start3A_888 : memref<10240xf32, #tpu.memory_space<vmem_shared>>) offsets(%dma_start3A_886 : memref<128xi32, #tpu.memory_space<vmem>>) semaphore(%run_scoped3A_883 : memref<!tpu.dma_semaphore, #tpu.memory_space<semaphore_mem>>) {add = true}
        %dma_wait3A_889 = arith.constant 0 : i32
        %dma_wait3A_890 = tpu.memref_slice %arg5[%run_scoped3A_854, %dma_wait3A_889] : memref<40x128xi32, #tpu.memory_space<vmem>> -> memref<1x128xi32, #tpu.memory_space<vmem>>
        %dma_wait3A_891 = tpu.memref_squeeze %dma_wait3A_890 : memref<1x128xi32, #tpu.memory_space<vmem>> -> memref<128xi32, #tpu.memory_space<vmem>>
        %dma_wait3A_892 = arith.constant 0 : i32
        %dma_wait3A_893 = tpu.memref_slice %arg4[%dma_wait3A_892] : memref<10240xf32, #tpu.memory_space<vmem_shared>> -> memref<10240xf32, #tpu.memory_space<vmem_shared>>
        tpu.wait_indirect_dma semaphore(%run_scoped3A_883 : memref<!tpu.dma_semaphore, #tpu.memory_space<semaphore_mem>>) src(%arg6 : memref<128xf32, #tpu.memory_space<vmem>>) dst(%dma_wait3A_893 : memref<10240xf32, #tpu.memory_space<vmem_shared>>)
        tpu.yield
      }) : () -> ()
      %run_scoped3A_855 = arith.constant 25 : i32
      "tpu.region"() ({
        %run_scoped3A_883 = tpu.sem_alloc : memref<!tpu.dma_semaphore, #tpu.memory_space<semaphore_mem>>
        %dma_start3A_884 = arith.constant 0 : i32
        %dma_start3A_885 = tpu.memref_slice %arg5[%run_scoped3A_855, %dma_start3A_884] : memref<40x128xi32, #tpu.memory_space<vmem>> -> memref<1x128xi32, #tpu.memory_space<vmem>>
        %dma_start3A_886 = tpu.memref_squeeze %dma_start3A_885 : memref<1x128xi32, #tpu.memory_space<vmem>> -> memref<128xi32, #tpu.memory_space<vmem>>
        %dma_start3A_887 = arith.constant 0 : i32
        %dma_start3A_888 = tpu.memref_slice %arg4[%dma_start3A_887] : memref<10240xf32, #tpu.memory_space<vmem_shared>> -> memref<10240xf32, #tpu.memory_space<vmem_shared>>
        tpu.enqueue_indirect_dma source(%arg6 : memref<128xf32, #tpu.memory_space<vmem>>) target(%dma_start3A_888 : memref<10240xf32, #tpu.memory_space<vmem_shared>>) offsets(%dma_start3A_886 : memref<128xi32, #tpu.memory_space<vmem>>) semaphore(%run_scoped3A_883 : memref<!tpu.dma_semaphore, #tpu.memory_space<semaphore_mem>>) {add = true}
        %dma_wait3A_889 = arith.constant 0 : i32
        %dma_wait3A_890 = tpu.memref_slice %arg5[%run_scoped3A_855, %dma_wait3A_889] : memref<40x128xi32, #tpu.memory_space<vmem>> -> memref<1x128xi32, #tpu.memory_space<vmem>>
        %dma_wait3A_891 = tpu.memref_squeeze %dma_wait3A_890 : memref<1x128xi32, #tpu.memory_space<vmem>> -> memref<128xi32, #tpu.memory_space<vmem>>
        %dma_wait3A_892 = arith.constant 0 : i32
        %dma_wait3A_893 = tpu.memref_slice %arg4[%dma_wait3A_892] : memref<10240xf32, #tpu.memory_space<vmem_shared>> -> memref<10240xf32, #tpu.memory_space<vmem_shared>>
        tpu.wait_indirect_dma semaphore(%run_scoped3A_883 : memref<!tpu.dma_semaphore, #tpu.memory_space<semaphore_mem>>) src(%arg6 : memref<128xf32, #tpu.memory_space<vmem>>) dst(%dma_wait3A_893 : memref<10240xf32, #tpu.memory_space<vmem_shared>>)
        tpu.yield
      }) : () -> ()
      %run_scoped3A_856 = arith.constant 26 : i32
      "tpu.region"() ({
        %run_scoped3A_883 = tpu.sem_alloc : memref<!tpu.dma_semaphore, #tpu.memory_space<semaphore_mem>>
        %dma_start3A_884 = arith.constant 0 : i32
        %dma_start3A_885 = tpu.memref_slice %arg5[%run_scoped3A_856, %dma_start3A_884] : memref<40x128xi32, #tpu.memory_space<vmem>> -> memref<1x128xi32, #tpu.memory_space<vmem>>
        %dma_start3A_886 = tpu.memref_squeeze %dma_start3A_885 : memref<1x128xi32, #tpu.memory_space<vmem>> -> memref<128xi32, #tpu.memory_space<vmem>>
        %dma_start3A_887 = arith.constant 0 : i32
        %dma_start3A_888 = tpu.memref_slice %arg4[%dma_start3A_887] : memref<10240xf32, #tpu.memory_space<vmem_shared>> -> memref<10240xf32, #tpu.memory_space<vmem_shared>>
        tpu.enqueue_indirect_dma source(%arg6 : memref<128xf32, #tpu.memory_space<vmem>>) target(%dma_start3A_888 : memref<10240xf32, #tpu.memory_space<vmem_shared>>) offsets(%dma_start3A_886 : memref<128xi32, #tpu.memory_space<vmem>>) semaphore(%run_scoped3A_883 : memref<!tpu.dma_semaphore, #tpu.memory_space<semaphore_mem>>) {add = true}
        %dma_wait3A_889 = arith.constant 0 : i32
        %dma_wait3A_890 = tpu.memref_slice %arg5[%run_scoped3A_856, %dma_wait3A_889] : memref<40x128xi32, #tpu.memory_space<vmem>> -> memref<1x128xi32, #tpu.memory_space<vmem>>
        %dma_wait3A_891 = tpu.memref_squeeze %dma_wait3A_890 : memref<1x128xi32, #tpu.memory_space<vmem>> -> memref<128xi32, #tpu.memory_space<vmem>>
        %dma_wait3A_892 = arith.constant 0 : i32
        %dma_wait3A_893 = tpu.memref_slice %arg4[%dma_wait3A_892] : memref<10240xf32, #tpu.memory_space<vmem_shared>> -> memref<10240xf32, #tpu.memory_space<vmem_shared>>
        tpu.wait_indirect_dma semaphore(%run_scoped3A_883 : memref<!tpu.dma_semaphore, #tpu.memory_space<semaphore_mem>>) src(%arg6 : memref<128xf32, #tpu.memory_space<vmem>>) dst(%dma_wait3A_893 : memref<10240xf32, #tpu.memory_space<vmem_shared>>)
        tpu.yield
      }) : () -> ()
      %run_scoped3A_857 = arith.constant 27 : i32
      "tpu.region"() ({
        %run_scoped3A_883 = tpu.sem_alloc : memref<!tpu.dma_semaphore, #tpu.memory_space<semaphore_mem>>
        %dma_start3A_884 = arith.constant 0 : i32
        %dma_start3A_885 = tpu.memref_slice %arg5[%run_scoped3A_857, %dma_start3A_884] : memref<40x128xi32, #tpu.memory_space<vmem>> -> memref<1x128xi32, #tpu.memory_space<vmem>>
        %dma_start3A_886 = tpu.memref_squeeze %dma_start3A_885 : memref<1x128xi32, #tpu.memory_space<vmem>> -> memref<128xi32, #tpu.memory_space<vmem>>
        %dma_start3A_887 = arith.constant 0 : i32
        %dma_start3A_888 = tpu.memref_slice %arg4[%dma_start3A_887] : memref<10240xf32, #tpu.memory_space<vmem_shared>> -> memref<10240xf32, #tpu.memory_space<vmem_shared>>
        tpu.enqueue_indirect_dma source(%arg6 : memref<128xf32, #tpu.memory_space<vmem>>) target(%dma_start3A_888 : memref<10240xf32, #tpu.memory_space<vmem_shared>>) offsets(%dma_start3A_886 : memref<128xi32, #tpu.memory_space<vmem>>) semaphore(%run_scoped3A_883 : memref<!tpu.dma_semaphore, #tpu.memory_space<semaphore_mem>>) {add = true}
        %dma_wait3A_889 = arith.constant 0 : i32
        %dma_wait3A_890 = tpu.memref_slice %arg5[%run_scoped3A_857, %dma_wait3A_889] : memref<40x128xi32, #tpu.memory_space<vmem>> -> memref<1x128xi32, #tpu.memory_space<vmem>>
        %dma_wait3A_891 = tpu.memref_squeeze %dma_wait3A_890 : memref<1x128xi32, #tpu.memory_space<vmem>> -> memref<128xi32, #tpu.memory_space<vmem>>
        %dma_wait3A_892 = arith.constant 0 : i32
        %dma_wait3A_893 = tpu.memref_slice %arg4[%dma_wait3A_892] : memref<10240xf32, #tpu.memory_space<vmem_shared>> -> memref<10240xf32, #tpu.memory_space<vmem_shared>>
        tpu.wait_indirect_dma semaphore(%run_scoped3A_883 : memref<!tpu.dma_semaphore, #tpu.memory_space<semaphore_mem>>) src(%arg6 : memref<128xf32, #tpu.memory_space<vmem>>) dst(%dma_wait3A_893 : memref<10240xf32, #tpu.memory_space<vmem_shared>>)
        tpu.yield
      }) : () -> ()
      %run_scoped3A_858 = arith.constant 28 : i32
      "tpu.region"() ({
        %run_scoped3A_883 = tpu.sem_alloc : memref<!tpu.dma_semaphore, #tpu.memory_space<semaphore_mem>>
        %dma_start3A_884 = arith.constant 0 : i32
        %dma_start3A_885 = tpu.memref_slice %arg5[%run_scoped3A_858, %dma_start3A_884] : memref<40x128xi32, #tpu.memory_space<vmem>> -> memref<1x128xi32, #tpu.memory_space<vmem>>
        %dma_start3A_886 = tpu.memref_squeeze %dma_start3A_885 : memref<1x128xi32, #tpu.memory_space<vmem>> -> memref<128xi32, #tpu.memory_space<vmem>>
        %dma_start3A_887 = arith.constant 0 : i32
        %dma_start3A_888 = tpu.memref_slice %arg4[%dma_start3A_887] : memref<10240xf32, #tpu.memory_space<vmem_shared>> -> memref<10240xf32, #tpu.memory_space<vmem_shared>>
        tpu.enqueue_indirect_dma source(%arg6 : memref<128xf32, #tpu.memory_space<vmem>>) target(%dma_start3A_888 : memref<10240xf32, #tpu.memory_space<vmem_shared>>) offsets(%dma_start3A_886 : memref<128xi32, #tpu.memory_space<vmem>>) semaphore(%run_scoped3A_883 : memref<!tpu.dma_semaphore, #tpu.memory_space<semaphore_mem>>) {add = true}
        %dma_wait3A_889 = arith.constant 0 : i32
        %dma_wait3A_890 = tpu.memref_slice %arg5[%run_scoped3A_858, %dma_wait3A_889] : memref<40x128xi32, #tpu.memory_space<vmem>> -> memref<1x128xi32, #tpu.memory_space<vmem>>
        %dma_wait3A_891 = tpu.memref_squeeze %dma_wait3A_890 : memref<1x128xi32, #tpu.memory_space<vmem>> -> memref<128xi32, #tpu.memory_space<vmem>>
        %dma_wait3A_892 = arith.constant 0 : i32
        %dma_wait3A_893 = tpu.memref_slice %arg4[%dma_wait3A_892] : memref<10240xf32, #tpu.memory_space<vmem_shared>> -> memref<10240xf32, #tpu.memory_space<vmem_shared>>
        tpu.wait_indirect_dma semaphore(%run_scoped3A_883 : memref<!tpu.dma_semaphore, #tpu.memory_space<semaphore_mem>>) src(%arg6 : memref<128xf32, #tpu.memory_space<vmem>>) dst(%dma_wait3A_893 : memref<10240xf32, #tpu.memory_space<vmem_shared>>)
        tpu.yield
      }) : () -> ()
      %run_scoped3A_859 = arith.constant 29 : i32
      "tpu.region"() ({
        %run_scoped3A_883 = tpu.sem_alloc : memref<!tpu.dma_semaphore, #tpu.memory_space<semaphore_mem>>
        %dma_start3A_884 = arith.constant 0 : i32
        %dma_start3A_885 = tpu.memref_slice %arg5[%run_scoped3A_859, %dma_start3A_884] : memref<40x128xi32, #tpu.memory_space<vmem>> -> memref<1x128xi32, #tpu.memory_space<vmem>>
        %dma_start3A_886 = tpu.memref_squeeze %dma_start3A_885 : memref<1x128xi32, #tpu.memory_space<vmem>> -> memref<128xi32, #tpu.memory_space<vmem>>
        %dma_start3A_887 = arith.constant 0 : i32
        %dma_start3A_888 = tpu.memref_slice %arg4[%dma_start3A_887] : memref<10240xf32, #tpu.memory_space<vmem_shared>> -> memref<10240xf32, #tpu.memory_space<vmem_shared>>
        tpu.enqueue_indirect_dma source(%arg6 : memref<128xf32, #tpu.memory_space<vmem>>) target(%dma_start3A_888 : memref<10240xf32, #tpu.memory_space<vmem_shared>>) offsets(%dma_start3A_886 : memref<128xi32, #tpu.memory_space<vmem>>) semaphore(%run_scoped3A_883 : memref<!tpu.dma_semaphore, #tpu.memory_space<semaphore_mem>>) {add = true}
        %dma_wait3A_889 = arith.constant 0 : i32
        %dma_wait3A_890 = tpu.memref_slice %arg5[%run_scoped3A_859, %dma_wait3A_889] : memref<40x128xi32, #tpu.memory_space<vmem>> -> memref<1x128xi32, #tpu.memory_space<vmem>>
        %dma_wait3A_891 = tpu.memref_squeeze %dma_wait3A_890 : memref<1x128xi32, #tpu.memory_space<vmem>> -> memref<128xi32, #tpu.memory_space<vmem>>
        %dma_wait3A_892 = arith.constant 0 : i32
        %dma_wait3A_893 = tpu.memref_slice %arg4[%dma_wait3A_892] : memref<10240xf32, #tpu.memory_space<vmem_shared>> -> memref<10240xf32, #tpu.memory_space<vmem_shared>>
        tpu.wait_indirect_dma semaphore(%run_scoped3A_883 : memref<!tpu.dma_semaphore, #tpu.memory_space<semaphore_mem>>) src(%arg6 : memref<128xf32, #tpu.memory_space<vmem>>) dst(%dma_wait3A_893 : memref<10240xf32, #tpu.memory_space<vmem_shared>>)
        tpu.yield
      }) : () -> ()
      %run_scoped3A_860 = arith.constant 30 : i32
      "tpu.region"() ({
        %run_scoped3A_883 = tpu.sem_alloc : memref<!tpu.dma_semaphore, #tpu.memory_space<semaphore_mem>>
        %dma_start3A_884 = arith.constant 0 : i32
        %dma_start3A_885 = tpu.memref_slice %arg5[%run_scoped3A_860, %dma_start3A_884] : memref<40x128xi32, #tpu.memory_space<vmem>> -> memref<1x128xi32, #tpu.memory_space<vmem>>
        %dma_start3A_886 = tpu.memref_squeeze %dma_start3A_885 : memref<1x128xi32, #tpu.memory_space<vmem>> -> memref<128xi32, #tpu.memory_space<vmem>>
        %dma_start3A_887 = arith.constant 0 : i32
        %dma_start3A_888 = tpu.memref_slice %arg4[%dma_start3A_887] : memref<10240xf32, #tpu.memory_space<vmem_shared>> -> memref<10240xf32, #tpu.memory_space<vmem_shared>>
        tpu.enqueue_indirect_dma source(%arg6 : memref<128xf32, #tpu.memory_space<vmem>>) target(%dma_start3A_888 : memref<10240xf32, #tpu.memory_space<vmem_shared>>) offsets(%dma_start3A_886 : memref<128xi32, #tpu.memory_space<vmem>>) semaphore(%run_scoped3A_883 : memref<!tpu.dma_semaphore, #tpu.memory_space<semaphore_mem>>) {add = true}
        %dma_wait3A_889 = arith.constant 0 : i32
        %dma_wait3A_890 = tpu.memref_slice %arg5[%run_scoped3A_860, %dma_wait3A_889] : memref<40x128xi32, #tpu.memory_space<vmem>> -> memref<1x128xi32, #tpu.memory_space<vmem>>
        %dma_wait3A_891 = tpu.memref_squeeze %dma_wait3A_890 : memref<1x128xi32, #tpu.memory_space<vmem>> -> memref<128xi32, #tpu.memory_space<vmem>>
        %dma_wait3A_892 = arith.constant 0 : i32
        %dma_wait3A_893 = tpu.memref_slice %arg4[%dma_wait3A_892] : memref<10240xf32, #tpu.memory_space<vmem_shared>> -> memref<10240xf32, #tpu.memory_space<vmem_shared>>
        tpu.wait_indirect_dma semaphore(%run_scoped3A_883 : memref<!tpu.dma_semaphore, #tpu.memory_space<semaphore_mem>>) src(%arg6 : memref<128xf32, #tpu.memory_space<vmem>>) dst(%dma_wait3A_893 : memref<10240xf32, #tpu.memory_space<vmem_shared>>)
        tpu.yield
      }) : () -> ()
      %run_scoped3A_861 = arith.constant 31 : i32
      "tpu.region"() ({
        %run_scoped3A_883 = tpu.sem_alloc : memref<!tpu.dma_semaphore, #tpu.memory_space<semaphore_mem>>
        %dma_start3A_884 = arith.constant 0 : i32
        %dma_start3A_885 = tpu.memref_slice %arg5[%run_scoped3A_861, %dma_start3A_884] : memref<40x128xi32, #tpu.memory_space<vmem>> -> memref<1x128xi32, #tpu.memory_space<vmem>>
        %dma_start3A_886 = tpu.memref_squeeze %dma_start3A_885 : memref<1x128xi32, #tpu.memory_space<vmem>> -> memref<128xi32, #tpu.memory_space<vmem>>
        %dma_start3A_887 = arith.constant 0 : i32
        %dma_start3A_888 = tpu.memref_slice %arg4[%dma_start3A_887] : memref<10240xf32, #tpu.memory_space<vmem_shared>> -> memref<10240xf32, #tpu.memory_space<vmem_shared>>
        tpu.enqueue_indirect_dma source(%arg6 : memref<128xf32, #tpu.memory_space<vmem>>) target(%dma_start3A_888 : memref<10240xf32, #tpu.memory_space<vmem_shared>>) offsets(%dma_start3A_886 : memref<128xi32, #tpu.memory_space<vmem>>) semaphore(%run_scoped3A_883 : memref<!tpu.dma_semaphore, #tpu.memory_space<semaphore_mem>>) {add = true}
        %dma_wait3A_889 = arith.constant 0 : i32
        %dma_wait3A_890 = tpu.memref_slice %arg5[%run_scoped3A_861, %dma_wait3A_889] : memref<40x128xi32, #tpu.memory_space<vmem>> -> memref<1x128xi32, #tpu.memory_space<vmem>>
        %dma_wait3A_891 = tpu.memref_squeeze %dma_wait3A_890 : memref<1x128xi32, #tpu.memory_space<vmem>> -> memref<128xi32, #tpu.memory_space<vmem>>
        %dma_wait3A_892 = arith.constant 0 : i32
        %dma_wait3A_893 = tpu.memref_slice %arg4[%dma_wait3A_892] : memref<10240xf32, #tpu.memory_space<vmem_shared>> -> memref<10240xf32, #tpu.memory_space<vmem_shared>>
        tpu.wait_indirect_dma semaphore(%run_scoped3A_883 : memref<!tpu.dma_semaphore, #tpu.memory_space<semaphore_mem>>) src(%arg6 : memref<128xf32, #tpu.memory_space<vmem>>) dst(%dma_wait3A_893 : memref<10240xf32, #tpu.memory_space<vmem_shared>>)
        tpu.yield
      }) : () -> ()
      %run_scoped3A_862 = arith.constant 32 : i32
      "tpu.region"() ({
        %run_scoped3A_883 = tpu.sem_alloc : memref<!tpu.dma_semaphore, #tpu.memory_space<semaphore_mem>>
        %dma_start3A_884 = arith.constant 0 : i32
        %dma_start3A_885 = tpu.memref_slice %arg5[%run_scoped3A_862, %dma_start3A_884] : memref<40x128xi32, #tpu.memory_space<vmem>> -> memref<1x128xi32, #tpu.memory_space<vmem>>
        %dma_start3A_886 = tpu.memref_squeeze %dma_start3A_885 : memref<1x128xi32, #tpu.memory_space<vmem>> -> memref<128xi32, #tpu.memory_space<vmem>>
        %dma_start3A_887 = arith.constant 0 : i32
        %dma_start3A_888 = tpu.memref_slice %arg4[%dma_start3A_887] : memref<10240xf32, #tpu.memory_space<vmem_shared>> -> memref<10240xf32, #tpu.memory_space<vmem_shared>>
        tpu.enqueue_indirect_dma source(%arg6 : memref<128xf32, #tpu.memory_space<vmem>>) target(%dma_start3A_888 : memref<10240xf32, #tpu.memory_space<vmem_shared>>) offsets(%dma_start3A_886 : memref<128xi32, #tpu.memory_space<vmem>>) semaphore(%run_scoped3A_883 : memref<!tpu.dma_semaphore, #tpu.memory_space<semaphore_mem>>) {add = true}
        %dma_wait3A_889 = arith.constant 0 : i32
        %dma_wait3A_890 = tpu.memref_slice %arg5[%run_scoped3A_862, %dma_wait3A_889] : memref<40x128xi32, #tpu.memory_space<vmem>> -> memref<1x128xi32, #tpu.memory_space<vmem>>
        %dma_wait3A_891 = tpu.memref_squeeze %dma_wait3A_890 : memref<1x128xi32, #tpu.memory_space<vmem>> -> memref<128xi32, #tpu.memory_space<vmem>>
        %dma_wait3A_892 = arith.constant 0 : i32
        %dma_wait3A_893 = tpu.memref_slice %arg4[%dma_wait3A_892] : memref<10240xf32, #tpu.memory_space<vmem_shared>> -> memref<10240xf32, #tpu.memory_space<vmem_shared>>
        tpu.wait_indirect_dma semaphore(%run_scoped3A_883 : memref<!tpu.dma_semaphore, #tpu.memory_space<semaphore_mem>>) src(%arg6 : memref<128xf32, #tpu.memory_space<vmem>>) dst(%dma_wait3A_893 : memref<10240xf32, #tpu.memory_space<vmem_shared>>)
        tpu.yield
      }) : () -> ()
      %run_scoped3A_863 = arith.constant 33 : i32
      "tpu.region"() ({
        %run_scoped3A_883 = tpu.sem_alloc : memref<!tpu.dma_semaphore, #tpu.memory_space<semaphore_mem>>
        %dma_start3A_884 = arith.constant 0 : i32
        %dma_start3A_885 = tpu.memref_slice %arg5[%run_scoped3A_863, %dma_start3A_884] : memref<40x128xi32, #tpu.memory_space<vmem>> -> memref<1x128xi32, #tpu.memory_space<vmem>>
        %dma_start3A_886 = tpu.memref_squeeze %dma_start3A_885 : memref<1x128xi32, #tpu.memory_space<vmem>> -> memref<128xi32, #tpu.memory_space<vmem>>
        %dma_start3A_887 = arith.constant 0 : i32
        %dma_start3A_888 = tpu.memref_slice %arg4[%dma_start3A_887] : memref<10240xf32, #tpu.memory_space<vmem_shared>> -> memref<10240xf32, #tpu.memory_space<vmem_shared>>
        tpu.enqueue_indirect_dma source(%arg6 : memref<128xf32, #tpu.memory_space<vmem>>) target(%dma_start3A_888 : memref<10240xf32, #tpu.memory_space<vmem_shared>>) offsets(%dma_start3A_886 : memref<128xi32, #tpu.memory_space<vmem>>) semaphore(%run_scoped3A_883 : memref<!tpu.dma_semaphore, #tpu.memory_space<semaphore_mem>>) {add = true}
        %dma_wait3A_889 = arith.constant 0 : i32
        %dma_wait3A_890 = tpu.memref_slice %arg5[%run_scoped3A_863, %dma_wait3A_889] : memref<40x128xi32, #tpu.memory_space<vmem>> -> memref<1x128xi32, #tpu.memory_space<vmem>>
        %dma_wait3A_891 = tpu.memref_squeeze %dma_wait3A_890 : memref<1x128xi32, #tpu.memory_space<vmem>> -> memref<128xi32, #tpu.memory_space<vmem>>
        %dma_wait3A_892 = arith.constant 0 : i32
        %dma_wait3A_893 = tpu.memref_slice %arg4[%dma_wait3A_892] : memref<10240xf32, #tpu.memory_space<vmem_shared>> -> memref<10240xf32, #tpu.memory_space<vmem_shared>>
        tpu.wait_indirect_dma semaphore(%run_scoped3A_883 : memref<!tpu.dma_semaphore, #tpu.memory_space<semaphore_mem>>) src(%arg6 : memref<128xf32, #tpu.memory_space<vmem>>) dst(%dma_wait3A_893 : memref<10240xf32, #tpu.memory_space<vmem_shared>>)
        tpu.yield
      }) : () -> ()
      %run_scoped3A_864 = arith.constant 34 : i32
      "tpu.region"() ({
        %run_scoped3A_883 = tpu.sem_alloc : memref<!tpu.dma_semaphore, #tpu.memory_space<semaphore_mem>>
        %dma_start3A_884 = arith.constant 0 : i32
        %dma_start3A_885 = tpu.memref_slice %arg5[%run_scoped3A_864, %dma_start3A_884] : memref<40x128xi32, #tpu.memory_space<vmem>> -> memref<1x128xi32, #tpu.memory_space<vmem>>
        %dma_start3A_886 = tpu.memref_squeeze %dma_start3A_885 : memref<1x128xi32, #tpu.memory_space<vmem>> -> memref<128xi32, #tpu.memory_space<vmem>>
        %dma_start3A_887 = arith.constant 0 : i32
        %dma_start3A_888 = tpu.memref_slice %arg4[%dma_start3A_887] : memref<10240xf32, #tpu.memory_space<vmem_shared>> -> memref<10240xf32, #tpu.memory_space<vmem_shared>>
        tpu.enqueue_indirect_dma source(%arg6 : memref<128xf32, #tpu.memory_space<vmem>>) target(%dma_start3A_888 : memref<10240xf32, #tpu.memory_space<vmem_shared>>) offsets(%dma_start3A_886 : memref<128xi32, #tpu.memory_space<vmem>>) semaphore(%run_scoped3A_883 : memref<!tpu.dma_semaphore, #tpu.memory_space<semaphore_mem>>) {add = true}
        %dma_wait3A_889 = arith.constant 0 : i32
        %dma_wait3A_890 = tpu.memref_slice %arg5[%run_scoped3A_864, %dma_wait3A_889] : memref<40x128xi32, #tpu.memory_space<vmem>> -> memref<1x128xi32, #tpu.memory_space<vmem>>
        %dma_wait3A_891 = tpu.memref_squeeze %dma_wait3A_890 : memref<1x128xi32, #tpu.memory_space<vmem>> -> memref<128xi32, #tpu.memory_space<vmem>>
        %dma_wait3A_892 = arith.constant 0 : i32
        %dma_wait3A_893 = tpu.memref_slice %arg4[%dma_wait3A_892] : memref<10240xf32, #tpu.memory_space<vmem_shared>> -> memref<10240xf32, #tpu.memory_space<vmem_shared>>
        tpu.wait_indirect_dma semaphore(%run_scoped3A_883 : memref<!tpu.dma_semaphore, #tpu.memory_space<semaphore_mem>>) src(%arg6 : memref<128xf32, #tpu.memory_space<vmem>>) dst(%dma_wait3A_893 : memref<10240xf32, #tpu.memory_space<vmem_shared>>)
        tpu.yield
      }) : () -> ()
      %run_scoped3A_865 = arith.constant 35 : i32
      "tpu.region"() ({
        %run_scoped3A_883 = tpu.sem_alloc : memref<!tpu.dma_semaphore, #tpu.memory_space<semaphore_mem>>
        %dma_start3A_884 = arith.constant 0 : i32
        %dma_start3A_885 = tpu.memref_slice %arg5[%run_scoped3A_865, %dma_start3A_884] : memref<40x128xi32, #tpu.memory_space<vmem>> -> memref<1x128xi32, #tpu.memory_space<vmem>>
        %dma_start3A_886 = tpu.memref_squeeze %dma_start3A_885 : memref<1x128xi32, #tpu.memory_space<vmem>> -> memref<128xi32, #tpu.memory_space<vmem>>
        %dma_start3A_887 = arith.constant 0 : i32
        %dma_start3A_888 = tpu.memref_slice %arg4[%dma_start3A_887] : memref<10240xf32, #tpu.memory_space<vmem_shared>> -> memref<10240xf32, #tpu.memory_space<vmem_shared>>
        tpu.enqueue_indirect_dma source(%arg6 : memref<128xf32, #tpu.memory_space<vmem>>) target(%dma_start3A_888 : memref<10240xf32, #tpu.memory_space<vmem_shared>>) offsets(%dma_start3A_886 : memref<128xi32, #tpu.memory_space<vmem>>) semaphore(%run_scoped3A_883 : memref<!tpu.dma_semaphore, #tpu.memory_space<semaphore_mem>>) {add = true}
        %dma_wait3A_889 = arith.constant 0 : i32
        %dma_wait3A_890 = tpu.memref_slice %arg5[%run_scoped3A_865, %dma_wait3A_889] : memref<40x128xi32, #tpu.memory_space<vmem>> -> memref<1x128xi32, #tpu.memory_space<vmem>>
        %dma_wait3A_891 = tpu.memref_squeeze %dma_wait3A_890 : memref<1x128xi32, #tpu.memory_space<vmem>> -> memref<128xi32, #tpu.memory_space<vmem>>
        %dma_wait3A_892 = arith.constant 0 : i32
        %dma_wait3A_893 = tpu.memref_slice %arg4[%dma_wait3A_892] : memref<10240xf32, #tpu.memory_space<vmem_shared>> -> memref<10240xf32, #tpu.memory_space<vmem_shared>>
        tpu.wait_indirect_dma semaphore(%run_scoped3A_883 : memref<!tpu.dma_semaphore, #tpu.memory_space<semaphore_mem>>) src(%arg6 : memref<128xf32, #tpu.memory_space<vmem>>) dst(%dma_wait3A_893 : memref<10240xf32, #tpu.memory_space<vmem_shared>>)
        tpu.yield
      }) : () -> ()
      %run_scoped3A_866 = arith.constant 36 : i32
      "tpu.region"() ({
        %run_scoped3A_883 = tpu.sem_alloc : memref<!tpu.dma_semaphore, #tpu.memory_space<semaphore_mem>>
        %dma_start3A_884 = arith.constant 0 : i32
        %dma_start3A_885 = tpu.memref_slice %arg5[%run_scoped3A_866, %dma_start3A_884] : memref<40x128xi32, #tpu.memory_space<vmem>> -> memref<1x128xi32, #tpu.memory_space<vmem>>
        %dma_start3A_886 = tpu.memref_squeeze %dma_start3A_885 : memref<1x128xi32, #tpu.memory_space<vmem>> -> memref<128xi32, #tpu.memory_space<vmem>>
        %dma_start3A_887 = arith.constant 0 : i32
        %dma_start3A_888 = tpu.memref_slice %arg4[%dma_start3A_887] : memref<10240xf32, #tpu.memory_space<vmem_shared>> -> memref<10240xf32, #tpu.memory_space<vmem_shared>>
        tpu.enqueue_indirect_dma source(%arg6 : memref<128xf32, #tpu.memory_space<vmem>>) target(%dma_start3A_888 : memref<10240xf32, #tpu.memory_space<vmem_shared>>) offsets(%dma_start3A_886 : memref<128xi32, #tpu.memory_space<vmem>>) semaphore(%run_scoped3A_883 : memref<!tpu.dma_semaphore, #tpu.memory_space<semaphore_mem>>) {add = true}
        %dma_wait3A_889 = arith.constant 0 : i32
        %dma_wait3A_890 = tpu.memref_slice %arg5[%run_scoped3A_866, %dma_wait3A_889] : memref<40x128xi32, #tpu.memory_space<vmem>> -> memref<1x128xi32, #tpu.memory_space<vmem>>
        %dma_wait3A_891 = tpu.memref_squeeze %dma_wait3A_890 : memref<1x128xi32, #tpu.memory_space<vmem>> -> memref<128xi32, #tpu.memory_space<vmem>>
        %dma_wait3A_892 = arith.constant 0 : i32
        %dma_wait3A_893 = tpu.memref_slice %arg4[%dma_wait3A_892] : memref<10240xf32, #tpu.memory_space<vmem_shared>> -> memref<10240xf32, #tpu.memory_space<vmem_shared>>
        tpu.wait_indirect_dma semaphore(%run_scoped3A_883 : memref<!tpu.dma_semaphore, #tpu.memory_space<semaphore_mem>>) src(%arg6 : memref<128xf32, #tpu.memory_space<vmem>>) dst(%dma_wait3A_893 : memref<10240xf32, #tpu.memory_space<vmem_shared>>)
        tpu.yield
      }) : () -> ()
      %run_scoped3A_867 = arith.constant 37 : i32
      "tpu.region"() ({
        %run_scoped3A_883 = tpu.sem_alloc : memref<!tpu.dma_semaphore, #tpu.memory_space<semaphore_mem>>
        %dma_start3A_884 = arith.constant 0 : i32
        %dma_start3A_885 = tpu.memref_slice %arg5[%run_scoped3A_867, %dma_start3A_884] : memref<40x128xi32, #tpu.memory_space<vmem>> -> memref<1x128xi32, #tpu.memory_space<vmem>>
        %dma_start3A_886 = tpu.memref_squeeze %dma_start3A_885 : memref<1x128xi32, #tpu.memory_space<vmem>> -> memref<128xi32, #tpu.memory_space<vmem>>
        %dma_start3A_887 = arith.constant 0 : i32
        %dma_start3A_888 = tpu.memref_slice %arg4[%dma_start3A_887] : memref<10240xf32, #tpu.memory_space<vmem_shared>> -> memref<10240xf32, #tpu.memory_space<vmem_shared>>
        tpu.enqueue_indirect_dma source(%arg6 : memref<128xf32, #tpu.memory_space<vmem>>) target(%dma_start3A_888 : memref<10240xf32, #tpu.memory_space<vmem_shared>>) offsets(%dma_start3A_886 : memref<128xi32, #tpu.memory_space<vmem>>) semaphore(%run_scoped3A_883 : memref<!tpu.dma_semaphore, #tpu.memory_space<semaphore_mem>>) {add = true}
        %dma_wait3A_889 = arith.constant 0 : i32
        %dma_wait3A_890 = tpu.memref_slice %arg5[%run_scoped3A_867, %dma_wait3A_889] : memref<40x128xi32, #tpu.memory_space<vmem>> -> memref<1x128xi32, #tpu.memory_space<vmem>>
        %dma_wait3A_891 = tpu.memref_squeeze %dma_wait3A_890 : memref<1x128xi32, #tpu.memory_space<vmem>> -> memref<128xi32, #tpu.memory_space<vmem>>
        %dma_wait3A_892 = arith.constant 0 : i32
        %dma_wait3A_893 = tpu.memref_slice %arg4[%dma_wait3A_892] : memref<10240xf32, #tpu.memory_space<vmem_shared>> -> memref<10240xf32, #tpu.memory_space<vmem_shared>>
        tpu.wait_indirect_dma semaphore(%run_scoped3A_883 : memref<!tpu.dma_semaphore, #tpu.memory_space<semaphore_mem>>) src(%arg6 : memref<128xf32, #tpu.memory_space<vmem>>) dst(%dma_wait3A_893 : memref<10240xf32, #tpu.memory_space<vmem_shared>>)
        tpu.yield
      }) : () -> ()
      %run_scoped3A_868 = arith.constant 38 : i32
      "tpu.region"() ({
        %run_scoped3A_883 = tpu.sem_alloc : memref<!tpu.dma_semaphore, #tpu.memory_space<semaphore_mem>>
        %dma_start3A_884 = arith.constant 0 : i32
        %dma_start3A_885 = tpu.memref_slice %arg5[%run_scoped3A_868, %dma_start3A_884] : memref<40x128xi32, #tpu.memory_space<vmem>> -> memref<1x128xi32, #tpu.memory_space<vmem>>
        %dma_start3A_886 = tpu.memref_squeeze %dma_start3A_885 : memref<1x128xi32, #tpu.memory_space<vmem>> -> memref<128xi32, #tpu.memory_space<vmem>>
        %dma_start3A_887 = arith.constant 0 : i32
        %dma_start3A_888 = tpu.memref_slice %arg4[%dma_start3A_887] : memref<10240xf32, #tpu.memory_space<vmem_shared>> -> memref<10240xf32, #tpu.memory_space<vmem_shared>>
        tpu.enqueue_indirect_dma source(%arg6 : memref<128xf32, #tpu.memory_space<vmem>>) target(%dma_start3A_888 : memref<10240xf32, #tpu.memory_space<vmem_shared>>) offsets(%dma_start3A_886 : memref<128xi32, #tpu.memory_space<vmem>>) semaphore(%run_scoped3A_883 : memref<!tpu.dma_semaphore, #tpu.memory_space<semaphore_mem>>) {add = true}
        %dma_wait3A_889 = arith.constant 0 : i32
        %dma_wait3A_890 = tpu.memref_slice %arg5[%run_scoped3A_868, %dma_wait3A_889] : memref<40x128xi32, #tpu.memory_space<vmem>> -> memref<1x128xi32, #tpu.memory_space<vmem>>
        %dma_wait3A_891 = tpu.memref_squeeze %dma_wait3A_890 : memref<1x128xi32, #tpu.memory_space<vmem>> -> memref<128xi32, #tpu.memory_space<vmem>>
        %dma_wait3A_892 = arith.constant 0 : i32
        %dma_wait3A_893 = tpu.memref_slice %arg4[%dma_wait3A_892] : memref<10240xf32, #tpu.memory_space<vmem_shared>> -> memref<10240xf32, #tpu.memory_space<vmem_shared>>
        tpu.wait_indirect_dma semaphore(%run_scoped3A_883 : memref<!tpu.dma_semaphore, #tpu.memory_space<semaphore_mem>>) src(%arg6 : memref<128xf32, #tpu.memory_space<vmem>>) dst(%dma_wait3A_893 : memref<10240xf32, #tpu.memory_space<vmem_shared>>)
        tpu.yield
      }) : () -> ()
      %run_scoped3A_869 = arith.constant 39 : i32
      "tpu.region"() ({
        %run_scoped3A_883 = tpu.sem_alloc : memref<!tpu.dma_semaphore, #tpu.memory_space<semaphore_mem>>
        %dma_start3A_884 = arith.constant 0 : i32
        %dma_start3A_885 = tpu.memref_slice %arg5[%run_scoped3A_869, %dma_start3A_884] : memref<40x128xi32, #tpu.memory_space<vmem>> -> memref<1x128xi32, #tpu.memory_space<vmem>>
        %dma_start3A_886 = tpu.memref_squeeze %dma_start3A_885 : memref<1x128xi32, #tpu.memory_space<vmem>> -> memref<128xi32, #tpu.memory_space<vmem>>
        %dma_start3A_887 = arith.constant 0 : i32
        %dma_start3A_888 = tpu.memref_slice %arg4[%dma_start3A_887] : memref<10240xf32, #tpu.memory_space<vmem_shared>> -> memref<10240xf32, #tpu.memory_space<vmem_shared>>
        tpu.enqueue_indirect_dma source(%arg6 : memref<128xf32, #tpu.memory_space<vmem>>) target(%dma_start3A_888 : memref<10240xf32, #tpu.memory_space<vmem_shared>>) offsets(%dma_start3A_886 : memref<128xi32, #tpu.memory_space<vmem>>) semaphore(%run_scoped3A_883 : memref<!tpu.dma_semaphore, #tpu.memory_space<semaphore_mem>>) {add = true}
        %dma_wait3A_889 = arith.constant 0 : i32
        %dma_wait3A_890 = tpu.memref_slice %arg5[%run_scoped3A_869, %dma_wait3A_889] : memref<40x128xi32, #tpu.memory_space<vmem>> -> memref<1x128xi32, #tpu.memory_space<vmem>>
        %dma_wait3A_891 = tpu.memref_squeeze %dma_wait3A_890 : memref<1x128xi32, #tpu.memory_space<vmem>> -> memref<128xi32, #tpu.memory_space<vmem>>
        %dma_wait3A_892 = arith.constant 0 : i32
        %dma_wait3A_893 = tpu.memref_slice %arg4[%dma_wait3A_892] : memref<10240xf32, #tpu.memory_space<vmem_shared>> -> memref<10240xf32, #tpu.memory_space<vmem_shared>>
        tpu.wait_indirect_dma semaphore(%run_scoped3A_883 : memref<!tpu.dma_semaphore, #tpu.memory_space<semaphore_mem>>) src(%arg6 : memref<128xf32, #tpu.memory_space<vmem>>) dst(%dma_wait3A_893 : memref<10240xf32, #tpu.memory_space<vmem_shared>>)
        tpu.yield
      }) : () -> ()
      %barrier3A_870 = arith.constant 0 : index
      tpu.barrier barrier_id(%barrier3A_870)
      %mul3A_871 = arith.constant 640 : i32
      %mul3A_872 = arith.muli %arg1, %mul3A_871 : i32
      "tpu.region"() ({
        %run_scoped3A_883 = tpu.sem_alloc : memref<!tpu.dma_semaphore, #tpu.memory_space<semaphore_mem>>
        %dma_start3A_884 = tpu.memref_slice %arg4[%mul3A_872] : memref<10240xf32, #tpu.memory_space<vmem_shared>> -> memref<640xf32, #tpu.memory_space<vmem_shared>>
        %dma_start3A_885 = tpu.memref_slice %arg4[%mul3A_872] : memref<10240xf32, #tpu.memory_space<vmem_shared>> -> memref<640xf32, #tpu.memory_space<vmem_shared>>
        tpu.enqueue_dma source(%dma_start3A_885 : memref<640xf32, #tpu.memory_space<vmem_shared>>) target(%arg8 : memref<640xf32, #tpu.memory_space<vmem>>) target_semaphore(%run_scoped3A_883 : memref<!tpu.dma_semaphore, #tpu.memory_space<semaphore_mem>>)
        %dma_wait3A_886 = tpu.memref_slice %arg4[%mul3A_872] : memref<10240xf32, #tpu.memory_space<vmem_shared>> -> memref<640xf32, #tpu.memory_space<vmem_shared>>
        %dma_wait3A_887 = tpu.memref_slice %arg4[%mul3A_872] : memref<10240xf32, #tpu.memory_space<vmem_shared>> -> memref<640xf32, #tpu.memory_space<vmem_shared>>
        tpu.wait_dma2 semaphore(%run_scoped3A_883 : memref<!tpu.dma_semaphore, #tpu.memory_space<semaphore_mem>>) src(%dma_wait3A_887 : memref<640xf32, #tpu.memory_space<vmem_shared>>) dst(%arg8 : memref<640xf32, #tpu.memory_space<vmem>>)
        tpu.yield
      }) : () -> ()
      %mul3A_873 = arith.constant 2 : i32
      %mul3A_874 = arith.muli %scan3A_24, %mul3A_873 : i32
      %add3A_875 = arith.addi %mul3A_874, %arg0 : i32
      %mul3A_876 = arith.constant 10240 : i32
      %mul3A_877 = arith.muli %add3A_875, %mul3A_876 : i32
      %mul3A_878 = arith.constant 640 : i32
      %mul3A_879 = arith.muli %arg1, %mul3A_878 : i32
      %add3A_880 = arith.addi %mul3A_877, %mul3A_879 : i32
      "tpu.region"() ({
        %run_scoped3A_883 = tpu.sem_alloc : memref<!tpu.dma_semaphore, #tpu.memory_space<semaphore_mem>>
        %dma_start3A_884 = tpu.memref_slice %arg3[%add3A_880] : memref<327680xf32, #tpu.memory_space<hbm>> -> memref<640xf32, #tpu.memory_space<hbm>>
        %dma_start3A_885 = tpu.memref_slice %arg3[%add3A_880] : memref<327680xf32, #tpu.memory_space<hbm>> -> memref<640xf32, #tpu.memory_space<hbm>>
        tpu.enqueue_dma source(%arg8 : memref<640xf32, #tpu.memory_space<vmem>>) target(%dma_start3A_885 : memref<640xf32, #tpu.memory_space<hbm>>) target_semaphore(%run_scoped3A_883 : memref<!tpu.dma_semaphore, #tpu.memory_space<semaphore_mem>>)
        %dma_wait3A_886 = tpu.memref_slice %arg3[%add3A_880] : memref<327680xf32, #tpu.memory_space<hbm>> -> memref<640xf32, #tpu.memory_space<hbm>>
        %dma_wait3A_887 = tpu.memref_slice %arg3[%add3A_880] : memref<327680xf32, #tpu.memory_space<hbm>> -> memref<640xf32, #tpu.memory_space<hbm>>
        tpu.wait_dma2 semaphore(%run_scoped3A_883 : memref<!tpu.dma_semaphore, #tpu.memory_space<semaphore_mem>>) src(%arg8 : memref<640xf32, #tpu.memory_space<vmem>>) dst(%dma_wait3A_887 : memref<640xf32, #tpu.memory_space<hbm>>)
        tpu.yield
      }) : () -> ()
      %barrier3A_881 = arith.constant 0 : index
      tpu.barrier barrier_id(%barrier3A_881)
      %scan3A_882 = arith.constant 0 : i32
      scf.yield %scan3A_882 : i32
    }
    %scan3A_23 = arith.constant 16 : i32
    return
  }
}

</mosaic_0001>

<sc_bundles>
// kernel: _sc_deg.3.cloned.1.call-start
scs
__scs_entry_jumppad:
0x0: {  	(pc) =	sbr.rel $0x88, $3  }
0x1: {  	(tag) =	ssettag $0x0;
	lr =	simm.s32 $0x1  }
0x2: {  	[smem:$0x3FA0] =	sst lr;
	_ =	strace $0xD0000000  }
0x3: {  	_ = 	snop  }
0x4: {  	_ = 	snop  }
0x5: {  	_ = 	snop  }
0x6: {  	_ = 	snop  }
0x7: {  	_ = 	snop  }
__scs_overlays_trampoline_lowered:
0x8: {  	[smem:$0x3FAF] =	sst s0  }
0x9: {  	[smem:$0x3FB0] =	sst s1  }
0xa: {  	[smem:$0x3FB1] =	sst s2  }
0xb: {  	[smem:$0x3FB2] =	sst s3  }
0xc: {  	[smem:$0x3FB3] =	sst s4  }
0xd: {  	[smem:$0x3FB4] =	sst s5  }
0xe: {  	[smem:$0x3FB5] =	sst s6  }
0xf: {  	[smem:$0x3FB6] =	sst s7  }
0x10: {  	[smem:$0x3FB7] =	sst s8  }
0x11: {  	[smem:$0x3FB8] =	sst s9;
	s0 =	simm.s32 @!p0 $0x0  }
0x12: {  	s1 =	sld [smem:$0x3F9E];
	s0 =	simm.s32 @p0 $0x1  }
0x13: {  	[smem:$0x3FB9] =	sst s0;
	s0 =	simm.s32 @!p1 $0x0  }
0x14: {  	s2 =	sld [smem:$0x3F9D];
	s0 =	simm.s32 @p1 $0x1  }
0x15: {  	[smem:$0x3FBA] =	sst s0;
	s0 =	simm.s32 @!p2 $0x0  }
0x16: {  	s3 =	sld [smem:$0x3FDB];
	s0 =	simm.s32 @p2 $0x1  }
0x17: {  	s4 =	simm.s32 $0x1BF5;
	[smem:$0x3FBC] =	sst s0  }
0x18: {  	s0 =	sld [smem:$0x3F9F];
	_ =	swait.ge [sflag:s4], $0x0  }
0x19: {  	s7 =	sld [smem:$0x3FA0]  }
0x1a: {  	s8 =	sadd.s32 $0xFFFFE003, lr  }
0x1b: {  	s9 =	sadd.s32 $0xFFFFFEF7, lr;
	s5 =	simm.s32 $0xFFFFFFFF;
	p2 =	slt.u32 s8, $0xFFFFF086  }
0x1c: {  	p1 =	slt.u32 s9, $0xF7A;
	s5 =	simm.s32 @!p2 $0x0  }
0x1d: {  	s5 =	simm.s32 @p1 $0x1;
	p0 =	seq.s32 s7, s2  }
0x1e: {  	s7 =	smul.u32 @!p0 $0xF7A, s2;
	p2 =	seq.s32 @!p0 s5, $0x0  }
0x1f: {  	s9 =	smul.u32 $0xF7A, s1;
	s8 =	simm.s32 @!p0 $0x1BF5;
	p2 =	por !p2, p0  }
0x20: {  	[sflag:s8] =	ssyncset.s32 @!p0 $0xFFFFF086;
	s6 =	sadd.s32 @!p0 s3, s7;
	s7 =	simm.s32 @!p0 $0x108  }
0x21: {  	s3 =	sadd.s32 s3, s9;
	s6 =	sadd.s32 @!p0 $0x88, s6;
	s7 =	simm.s32 @p2 $0x1082  }
0x22: {  	[simem:s7], [sflag:s8] =	dma.local @!p0 [hbm:s6], $0xF7A  }
0x23: {  	s9 =	sor.u32 $0xD0000000, s2;
	s6 =	simm.s32 $0x108;
	_ =	swait.ge @!p0 [sflag:s8], $0x0  }
0x24: {  	s3 =	sadd.s32 $0x88, s3;
	s6 =	simm.s32 @!p1 $0x1082;
	[sflag:s4] =	ssyncset.s32 $0xFFFFF086  }
0x25: {  	[simem:s6], [sflag:s4] =	dma.local [hbm:s3], $0xF7A  }
0x26: {  	[smem:$0x3FA0] =	sst s1;
	(tag) =	ssettag s2;
	_ =	strace s9  }
0x27: {  	s1 =	sld [smem:$0x3FB0]  }
0x28: {  	s2 =	sld [smem:$0x3FB1]  }
0x29: {  	s4 =	sld [smem:$0x3FB3]  }
0x2a: {  	p0 =	seq.s32 s5, $0x0;
	s5 =	sld [smem:$0x3FB4]  }
0x2b: {  	s6 =	sld [smem:$0x3FB5]  }
0x2c: {  	s7 =	sld [smem:$0x3FB6]  }
0x2d: {  	s3 =	simm.s32 $0x108;
	s8 =	sld [smem:$0x3FB7]  }
0x2e: {  	s3 =	simm.s32 @!p0 $0x1082;
	s9 =	sld [smem:$0x3FB8]  }
0x2f: {  	lr =	sadd.s32 s0, s3;
	s0 =	sld [smem:$0x3FAF]  }
0x30: {  	s3 =	sld [smem:$0x3FB2]  }
0x31: {  	[smem:$0x3FBB] =	sst s10  }
0x32: {  	s10 =	sld [smem:$0x3FB9];
	_ =	sdelay $0x3  }
0x33: {  	p0 =	seq.s32 s10, $0x1;
	s10 =	sld [smem:$0x3FBB];
	_ =	sdelay $0x3  }
0x34: {  	[smem:$0x3FBB] =	sst s10  }
0x35: {  	s10 =	sld [smem:$0x3FBA];
	_ =	sdelay $0x3  }
0x36: {  	p1 =	seq.s32 s10, $0x1;
	s10 =	sld [smem:$0x3FBB];
	_ =	sdelay $0x3  }
0x37: {  	[smem:$0x3FBB] =	sst s10  }
0x38: {  	s10 =	sld [smem:$0x3FBC]  }
0x39: {  	_ = 	snop;
	(pc) =	sbr.ind lr, $3  }
0x3a: {  	_ = 	snop  }
0x3b: {  	_ = 	snop  }
0x3c: {  	p2 =	seq.s32 s10, $0x1;
	s10 =	sld [smem:$0x3FBB]  }
0x3d: {  	_ =	shalt  }
0x3e: {  	_ =	shalt  }
0x3f: {  	_ =	shalt  }
0x40: {  	_ =	shalt  }
0x41: {  	_ =	shalt  }
0x42: {  	_ =	shalt  }
0x43: {  	_ =	shalt  }
0x44: {  	_ =	shalt  }
0x45: {  	_ =	shalt  }
0x46: {  	_ =	shalt  }
0x47: {  	_ =	shalt  }
0x48: {  	_ =	shalt  }
0x49: {  	_ =	shalt  }
0x4a: {  	_ =	shalt  }
0x4b: {  	_ =	shalt  }
0x4c: {  	_ =	shalt  }
0x4d: {  	_ =	shalt  }
0x4e: {  	_ =	shalt  }
0x4f: {  	_ =	shalt  }
0x50: {  	_ =	shalt  }
0x51: {  	_ =	shalt  }
0x52: {  	_ =	shalt  }
0x53: {  	_ =	shalt  }
0x54: {  	_ =	shalt  }
0x55: {  	_ =	shalt  }
0x56: {  	_ =	shalt  }
0x57: {  	_ =	shalt  }
0x58: {  	_ =	shalt  }
0x59: {  	_ =	shalt  }
0x5a: {  	_ =	shalt  }
0x5b: {  	_ =	shalt  }
0x5c: {  	_ =	shalt  }
0x5d: {  	_ =	shalt  }
0x5e: {  	_ =	shalt  }
0x5f: {  	_ =	shalt  }
0x60: {  	_ =	shalt  }
0x61: {  	_ =	shalt  }
0x62: {  	_ =	shalt  }
0x63: {  	_ =	shalt  }
0x64: {  	_ =	shalt  }
0x65: {  	_ =	shalt  }
0x66: {  	_ =	shalt  }
0x67: {  	_ =	shalt  }
0x68: {  	_ =	shalt  }
0x69: {  	_ =	shalt  }
0x6a: {  	_ =	shalt  }
0x6b: {  	_ =	shalt  }
0x6c: {  	_ =	shalt  }
0x6d: {  	_ =	shalt  }
0x6e: {  	_ =	shalt  }
0x6f: {  	_ =	shalt  }
0x70: {  	_ =	shalt  }
0x71: {  	_ =	shalt  }
0x72: {  	_ =	shalt  }
0x73: {  	_ =	shalt  }
0x74: {  	_ =	shalt  }
0x75: {  	_ =	shalt  }
0x76: {  	_ =	shalt  }
0x77: {  	_ =	shalt  }
0x78: {  	_ =	shalt  }
0x79: {  	_ =	shalt  }
0x7a: {  	_ =	shalt  }
0x7b: {  	_ =	shalt  }
0x7c: {  	_ =	shalt  }
0x7d: {  	_ =	shalt  }
0x7e: {  	_ =	shalt  }
0x7f: {  	_ =	shalt  }
0x80: {  	_ =	shalt  }
0x81: {  	_ =	shalt  }
0x82: {  	_ =	shalt  }
0x83: {  	_ =	shalt  }
0x84: {  	_ =	shalt  }
0x85: {  	_ =	shalt  }
0x86: {  	_ =	shalt  }
0x87: {  	_ =	shalt  }
.Lfunc_end0:
.L_simem_size_0:
called_computation_lowered:
.L_overlay_start_0:
0x88: {  	s2 =	sld [smem:$0x3FD9]  }
0x89: {  	s3 =	sld [smem:$0x3FFE];
	_ =	sdelay $0x1  }
0x8a: {  	s1 =	srdreg.scid  }
0x8b: {  	s0 =	sand.u32 $0x1, s1  }
0x8c: {  	s18 =	sshll.u32 s0, $0xA;
	s2 =	sadd.s32 s3, s2  }
0x8d: {  	s2 =	sadd.s32 s2, s18  }
0x8e: {  	[smem:$0x3FC7] =	sst s2  }
0x8f: {  	_ = 	snop  }
0x90: {  	s2 =	sld [smem:$0x3FC9]  }
0x91: {  	s19 =	sld [smem:$0x3FD0];
	(tm) =	ssettm $0x1  }
0x92: {  	s4 =	sld [smem:$0x3FFB];
	_ =	sdelay $0x3  }
0x93: {  	_ =	strace s4  }
0x94: {  	s4 =	sld [smem:$0x3FFC];
	_ =	sdelay $0x3  }
0x95: {  	_ =	strace s4  }
0x96: {  	s4 =	sld [smem:$0x3FFD];
	_ =	sdelay $0x3  }
0x97: {  	_ =	strace s4  }
0x98: {  	_ =	strace $0x8FFFFFFF  }
0x99: {  	s20 =	sld [smem:$0x3FDB];
	_ =	sdelay $0x1  }
0x9a: {  	s5 =	simm.s32 $_scs_section_size  }
0x9b: {  	s6 =	simm.s32 $_size__tile_overlayer_lowered;
	s7 =	simm.s32 $_tile_overlayer_lowered  }
0x9c: {  	s23 =	simm.s32 $0x1BFF;
	s22 =	sshll.u32 s7, $0x1;
	s4 =	sadd.s32 s5, s20  }
0x9d: {  	s8 =	simm.s32 $0x0;
	s21 =	sshll.u32 s6, $0x1;
	s6 =	sadd.s32 s22, s4  }
0x9e: {  	[timem:s8], [sflag:s23] =	dma.local [hbm:s6], s21  }
0x9f: {  	_ =	swait.ge [sflag:s23], s21  }
0xa0: {  	s5 =	ssub.s32 $0x0, s21;
	[sflag:s23] =	ssyncset.done $0x0  }
0xa1: {  	[sflag:s23] =	ssyncadd.s32 s5;
	_ =	sdelay $0x1  }
0xa2: {  	s24 =	simm.s32 $0x1B8B  }
0xa3: {  	_ =	swait.ge [sflag:s24], $0x1  }
0xa4: {  	[sflag:s24] =	ssyncset.done $0x0  }
0xa5: {  	s25 =	simm.s32 $0x1B8E;
	[sflag:s24] =	ssyncadd.s32 $0xFFFFFFFF  }
0xa6: {  	s26 =	simm.s32 $execute0_lowered;
	[smem:$0x3FD2] =	sst s25  }
0xa7: {  	s5 =	sshll.u32 s26, $0x1;
	_ =	strace $0x80000046;
	[dreg:$0x1] =	wrdreg $0xFFFFFFFF  }
0xa8: {  	s28 =	simm.s32 $_size_execute0_lowered;
	s4 =	sadd.s32 s4, s5;
	[dreg:$0x0] =	wrdreg $0x0  }
0xa9: {  	s5 =	sshll.u32 s28, $0x1;
	[dreg:$0x2] =	wrdreg s4  }
0xaa: {  	[dreg:$0x3] =	wrdreg s5  }
0xab: {  	[dreg:$0x4] =	wrdreg $0xC0  }
0xac: {  	_ =	task [dreg:s8], $0x5FFFF  }
0xad: {  	[dreg:$0x1] =	wrdreg $0xFFFFFFFF  }
0xae: {  	[dreg:$0x0] =	wrdreg $0x60  }
0xaf: {  	[dreg:$0x2] =	wrdreg s2  }
0xb0: {  	[dreg:$0x3] =	wrdreg s19  }
0xb1: {  	[dreg:$0x4] =	wrdreg $0x0  }
0xb2: {  	[dreg:$0x5] =	wrdreg $0x9  }
0xb3: {  	_ =	task.clear_ibuf [dreg:s8], $0x6FFFF;
	_ =	strace $0x90000046  }
0xb4: {  	s29 =	simm.s32 $0x9;
	_ =	strace $0x80000048  }
0xb5: {  	_ =	swait.ge [sflag:s29], $0x1  }
0xb6: {  	[sflag:s29] =	ssyncadd.s32 $0xFFFFFFFF  }
0xb7: {  	_ =	strace $0x90000048  }
0xb8: {  	_ =	sfence  }
0xb9: {  	s30 =	sld [smem:$0x0];
	_ =	sdelay $0x2  }
0xba: {  	s31 =	sshll.u32 s1, $0xD;
	s1 =	sshrl.u32 s1, $0x2  }
0xbb: {  	s3 =	sand.u32 $0x4000, s31;
	s1 =	sadd.s32 s1, s30  }
0xbc: {  	s0 =	sor.u32 s3, s0;
	s1 =	sshll.u32 s1, $0x11  }
0xbd: {  	s0 =	sor.u32 s1, s0  }
0xbe: {  	s0 =	sadd.s32 $0x8F2B, s0  }
0xbf: {  	[sflag:s0] =	ssyncadd.remote.s32 $0x1  }
0xc0: {  	_ =	sfence.sel $0xFFFF  }
0xc1: {  	[dreg:$0x0] =	wrdreg $0xFFFFFFFF;
	(pc) =	sbr.abs _section_cstart, $3  }
0xc2: {  	[dreg:$0x1] =	wrdreg $0xFFFFFFFF  }
0xc3: {  	_ =	task.clear_ibuf [dreg:s8], $0x2FFFF;
	_ =	strace $0x9FFFFFFF  }
0xc4: {  	(tm) =	ssettm $0x7FFFFFFF  }
0xc5: {  	_ =	shalt  }
tec
execute0_lowered:
.L_overlay_start_1:
0x0: {  	(tag) =	ssettag $0x1  }
0x1: {  	s1 =	rddreg [dreg:$0x0]  }
0x2: {  	s0 =	rddreg [dreg:$0x1]  }
0x3: {  	s2 =	rddreg [dreg:$0x2];
	s3 =	srdreg.scid  }
0x4: {  	s7 =	stileid.u32;
	s30 =	simm.s32 $0x280;
	s31 =	simm.s32 $0x300  }
0x5: {  	s28 =	simm.s32 $0x380;
	s29 =	simm.s32 $0x480;
	s5 =	smul.u32 $0x280, s7  }
0x6: {  	s6 =	sand.u32 $0x1, s3;
	s3 =	simm.s32 $0x0;
	s7 =	smul.u32 $0x2800, s7  }
0x7: {  	s4 =	ssub.s32 $0x2, s6;
	[smem:$0x7FF] =	sst s3;
	s9 =	smul.u32 $0x1400, s6  }
0x8: {  	s6 =	smul.u32 $0x2800, s6;
	s8 =	sshrl.u32 s4, $0x1;
	_ =	strace $0x80000047  }
0x9: {  	s8 =	ssub.s32 s4, s8;
	s4 =	sadd.s32 s5, s2;
	s7 =	sadd.s32 s9, s7  }
0xa: {  	s5 =	sadd.s32 s5, s6;
	s8 =	smax.u32 s8, $0x1;
	s26 =	sshrl.u32 s7, $0x3  }
0xb: {  	s9 =	sadd.s32 $0x1380, s7;
	s10 =	sadd.s32 $0x1300, s7;
	s12 =	sadd.s32 $0x1280, s7  }
0xc: {  	s14 =	sadd.s32 $0x1200, s7;
	s15 =	sadd.s32 $0x1180, s7;
	s19 =	sadd.s32 $0x1100, s7  }
0xd: {  	s21 =	sadd.s32 $0x1080, s7;
	s22 =	sadd.s32 $0x1000, s7;
	[smem:$0x7FD] =	sst s4  }
0xe: {  	s5 =	sshrl.u32 s5, $0x3;
	[smem:$0x7F5] =	sst s8;
	s8 =	sadd.s32 s26, s1  }
0xf: {  	s9 =	sshrl.u32 s9, $0x3;
	s10 =	sshrl.u32 s10, $0x3;
	s13 =	sshrl.u32 s12, $0x3  }
0x10: {  	s17 =	sshrl.u32 s15, $0x3;
	s20 =	sshrl.u32 s19, $0x3;
	s24 =	sshrl.u32 s22, $0x3  }
0x11: {  	s26 =	sadd.s32 $0xF80, s7;
	s12 =	sadd.s32 $0xE80, s7;
	s19 =	sadd.s32 $0xD00, s7  }
0x12: {  	s0 =	sadd.s32 s5, s0;
	s5 =	simm.s32 $0x0;
	[dreg:$0x4] =	wrdreg s8  }
0x13: {  	s9 =	sadd.s32 s9, s1;
	s11 =	sadd.s32 s10, s1;
	[smem:$0x7FB] =	sst s0  }
0x14: {  	s8 =	sadd.s32 s13, s1;
	s18 =	sadd.s32 s17, s1;
	[dreg:$0x5] =	wrdreg s9  }
0x15: {  	s25 =	sadd.s32 s24, s1;
	s10 =	sshrl.u32 s26, $0x3;
	[dreg:$0x6] =	wrdreg s11  }
0x16: {  	s26 =	sadd.s32 $0xB80, s7;
	s0 =	simm.s32 $0x400;
	[dreg:$0x7] =	wrdreg s8  }
0x17: {  	s9 =	sshrl.u32 s14, $0x3;
	[dreg:$0x9] =	wrdreg s18;
	s8 =	sadd.s32 s20, s1  }
0x18: {  	[dreg:$0xc] =	wrdreg s25;
	s11 =	sadd.s32 $0xF00, s7;
	s14 =	sshrl.u32 s12, $0x3  }
0x19: {  	s18 =	sadd.s32 $0xD80, s7;
	s25 =	sadd.s32 $0xC00, s7;
	s12 =	sadd.s32 $0xB00, s7  }
0x1a: {  	s16 =	sadd.s32 s9, s1;
	s9 =	sshrl.u32 s21, $0x3;
	[dreg:$0xa] =	wrdreg s8  }
0x1b: {  	s8 =	sadd.s32 s10, s1;
	s15 =	sadd.s32 s14, s1;
	s21 =	sshrl.u32 s19, $0x3  }
0x1c: {  	s10 =	sshrl.u32 s26, $0x3;
	s14 =	sadd.s32 $0xA80, s7;
	s19 =	sadd.s32 $0x980, s7  }
0x1d: {  	s26 =	sadd.s32 $0x800, s7;
	[dreg:$0x8] =	wrdreg s16;
	s23 =	sadd.s32 s9, s1  }
0x1e: {  	s9 =	sshrl.u32 s11, $0x3;
	[dreg:$0xd] =	wrdreg s8;
	s16 =	sadd.s32 $0xE00, s7  }
0x1f: {  	[dreg:$0xf] =	wrdreg s15;
	s22 =	sadd.s32 s21, s1;
	s11 =	sadd.s32 s10, s1  }
0x20: {  	s15 =	sadd.s32 $0xA00, s7;
	s21 =	sadd.s32 $0x900, s7;
	s10 =	sadd.s32 $0x780, s7  }
0x21: {  	[dreg:$0xb] =	wrdreg s23;
	s13 =	sadd.s32 s9, s1;
	s17 =	sshrl.u32 s16, $0x3  }
0x22: {  	s9 =	sshrl.u32 s18, $0x3;
	s23 =	sadd.s32 $0xC80, s7;
	[dreg:$0x12] =	wrdreg s22  }
0x23: {  	[dreg:$0x15] =	wrdreg s11;
	s22 =	sadd.s32 $0x880, s7;
	s11 =	sadd.s32 $0x700, s7  }
0x24: {  	[dreg:$0xe] =	wrdreg s13;
	s8 =	sadd.s32 s17, s1;
	s20 =	sadd.s32 s9, s1  }
0x25: {  	s24 =	sshrl.u32 s23, $0x3;
	s9 =	sshrl.u32 s25, $0x3;
	s13 =	sshrl.u32 s12, $0x3  }
0x26: {  	s17 =	sshrl.u32 s15, $0x3;
	s15 =	sadd.s32 $0x680, s7;
	[dreg:$0x10] =	wrdreg s8  }
0x27: {  	[dreg:$0x11] =	wrdreg s20;
	s8 =	sadd.s32 s24, s1;
	s9 =	sadd.s32 s9, s1  }
0x28: {  	s18 =	sadd.s32 s17, s1;
	s20 =	sshrl.u32 s19, $0x3;
	s24 =	sshrl.u32 s22, $0x3  }
0x29: {  	s17 =	sadd.s32 $0x600, s7;
	s22 =	sadd.s32 $0x500, s7;
	[dreg:$0x13] =	wrdreg s8  }
0x2a: {  	[dreg:$0x14] =	wrdreg s9;
	s8 =	sadd.s32 s13, s1;
	s9 =	sshrl.u32 s14, $0x3  }
0x2b: {  	[dreg:$0x18] =	wrdreg s18;
	s25 =	sadd.s32 s24, s1;
	s13 =	sshrl.u32 s11, $0x3  }
0x2c: {  	s18 =	sadd.s32 $0x580, s7;
	s24 =	sadd.s32 $0x480, s7;
	[dreg:$0x16] =	wrdreg s8  }
0x2d: {  	s7 =	sadd.s32 $0x400, s7;
	s16 =	sadd.s32 s9, s1;
	[dreg:$0x1b] =	wrdreg s25  }
0x2e: {  	s8 =	sadd.s32 s20, s1;
	s9 =	sshrl.u32 s21, $0x3;
	[dreg:$0x17] =	wrdreg s16  }
0x2f: {  	s14 =	sadd.s32 s13, s1;
	s20 =	sshrl.u32 s18, $0x3;
	[dreg:$0x19] =	wrdreg s8  }
0x30: {  	s7 =	sshrl.u32 s7, $0x3;
	s23 =	sadd.s32 s9, s1;
	[dreg:$0x1e] =	wrdreg s14  }
0x31: {  	s9 =	sshrl.u32 s26, $0x3;
	s21 =	sadd.s32 s20, s1;
	[dreg:$0x1a] =	wrdreg s23  }
0x32: {  	s16 =	sshrl.u32 s15, $0x3;
	s26 =	simm.s32 $0x1700;
	[smem:$0x7F7] =	sst s21  }
0x33: {  	s8 =	sadd.s32 s9, s1;
	s9 =	sshrl.u32 s10, $0x3;
	[smem:$0x7FC] =	sst s26  }
0x34: {  	s23 =	sshrl.u32 s22, $0x3;
	[dreg:$0x1c] =	wrdreg s8;
	s12 =	sadd.s32 s9, s1  }
0x35: {  	s8 =	sadd.s32 s16, s1;
	s9 =	sshrl.u32 s17, $0x3;
	[dreg:$0x1d] =	wrdreg s12  }
0x36: {  	s21 =	simm.s32 $0x1;
	[dreg:$0x1f] =	wrdreg s8;
	s19 =	sadd.s32 s9, s1  }
0x37: {  	s8 =	sadd.s32 s23, s1;
	s9 =	sshrl.u32 s24, $0x3;
	[smem:$0x7F6] =	sst s19  }
0x38: {  	s22 =	simm.s32 $0x80;
	[smem:$0x7F8] =	sst s8;
	s25 =	sadd.s32 s9, s1  }
0x39: {  	s23 =	simm.s32 $0x1680;
	s1 =	sadd.s32 s7, s1;
	[smem:$0x7F9] =	sst s25  }
0x3a: {  	v0 =	vimm.f32 $0.0e+00;
	v1 =	vimm.f32 $1.000000000e+00;
	s7 =	simm.s32 $0x2;
	[smem:$0x7FA] =	sst s1;
	s1 =	simm.s32 $0x500  }
.LBB2_1:
0x3b: {  	[tilespmem:$0x1700] =	vst v0  }
0x3c: {  	[tilespmem:$0x1710] =	vst v0  }
0x3d: {  	[tilespmem:$0x1720] =	vst v0  }
0x3e: {  	[tilespmem:$0x1730] =	vst v0  }
0x3f: {  	[tilespmem:$0x1740] =	vst v0  }
0x40: {  	[tilespmem:$0x1750] =	vst v0  }
0x41: {  	[tilespmem:$0x1760] =	vst v0  }
0x42: {  	[tilespmem:$0x1770] =	vst v0  }
0x43: {  	[tilespmem:$0x1780] =	vst v0  }
0x44: {  	[tilespmem:$0x1790] =	vst v0  }
0x45: {  	[tilespmem:$0x17A0] =	vst v0  }
0x46: {  	[tilespmem:$0x17B0] =	vst v0  }
0x47: {  	[tilespmem:$0x17C0] =	vst v0  }
0x48: {  	[tilespmem:$0x17D0] =	vst v0  }
0x49: {  	[tilespmem:$0x17E0] =	vst v0  }
0x4a: {  	[tilespmem:$0x17F0] =	vst v0  }
0x4b: {  	[tilespmem:$0x1800] =	vst v0  }
0x4c: {  	[tilespmem:$0x1810] =	vst v0  }
0x4d: {  	[tilespmem:$0x1820] =	vst v0  }
0x4e: {  	[tilespmem:$0x1830] =	vst v0  }
0x4f: {  	[tilespmem:$0x1840] =	vst v0  }
0x50: {  	[tilespmem:$0x1850] =	vst v0  }
0x51: {  	[tilespmem:$0x1860] =	vst v0  }
0x52: {  	[tilespmem:$0x1870] =	vst v0  }
0x53: {  	[tilespmem:$0x1880] =	vst v0  }
0x54: {  	[tilespmem:$0x1890] =	vst v0  }
0x55: {  	[tilespmem:$0x18A0] =	vst v0  }
0x56: {  	[tilespmem:$0x18B0] =	vst v0  }
0x57: {  	[tilespmem:$0x18C0] =	vst v0  }
0x58: {  	[tilespmem:$0x18D0] =	vst v0  }
0x59: {  	[tilespmem:$0x18E0] =	vst v0  }
0x5a: {  	[tilespmem:$0x18F0] =	vst v0  }
0x5b: {  	[tilespmem:$0x1900] =	vst v0  }
0x5c: {  	[tilespmem:$0x1910] =	vst v0  }
0x5d: {  	[tilespmem:$0x1920] =	vst v0  }
0x5e: {  	[tilespmem:$0x1930] =	vst v0  }
0x5f: {  	[tilespmem:$0x1940] =	vst v0  }
0x60: {  	[tilespmem:$0x1950] =	vst v0  }
0x61: {  	[tilespmem:$0x1960] =	vst v0  }
0x62: {  	[tilespmem:$0x1970] =	vst v0  }
0x63: {  	[tilespmem:$0x1680] =	vst v1  }
0x64: {  	[tilespmem:$0x1690] =	vst v1  }
0x65: {  	[tilespmem:$0x16A0] =	vst v1  }
0x66: {  	[tilespmem:$0x16B0] =	vst v1  }
0x67: {  	[tilespmem:$0x16C0] =	vst v1  }
0x68: {  	[tilespmem:$0x16D0] =	vst v1;
	s25 =	sld [smem:$0x7FC]  }
0x69: {  	[tilespmem:$0x16E0] =	vst v1  }
0x6a: {  	[smem:$0x7F4] =	sst s5;
	[tilespmem:$0x16F0] =	vst v1  }
0x6b: {  	[spmem:s4] =	stream.linear.scatter [tilespmem:s25], [sflag:$0x2], $0x280, $0x38;
	[tilespmem:$0x1C00] =	vst v63  }
0x6c: {  	_ =	swait.ge [sflag:s7], $0x280  }
0x6d: {  	s5 =	rddreg [dreg:$0x4];
	[sflag:s7] =	ssyncset.done $0x0  }
0x6e: {  	[sflag:s7] =	ssyncadd.s32 $0xFFFFFD80;
	s25 =	sadd.s32 $0x0, s5  }
0x6f: {  	[tilespmem:s30], [sflag:$0x1] =	stream.linear.gather [hbm4b:s25+s3], $0x80, $0x38;
	[tilespmem:$0x1C00] =	vst v63  }
0x70: {  	s26 =	sadd.s32 $0x10, s25  }
0x71: {  	[tilespmem:s31], [sflag:$0x1] =	stream.linear.gather [hbm4b:s26+s3], $0x80, $0x38;
	[tilespmem:$0x1C00] =	vst v63  }
0x72: {  	s6 =	sadd.s32 $0x20, s25  }
0x73: {  	[tilespmem:s28], [sflag:$0x1] =	stream.linear.gather [hbm4b:s6+s3], $0x80, $0x38;
	[tilespmem:$0x1C00] =	vst v63  }
0x74: {  	s8 =	sadd.s32 $0x30, s25  }
0x75: {  	[tilespmem:s0], [sflag:$0x1] =	stream.linear.gather [hbm4b:s8+s3], $0x80, $0x38;
	[tilespmem:$0x1C00] =	vst v63  }
0x76: {  	s9 =	sadd.s32 $0x40, s25  }
0x77: {  	[tilespmem:s29], [sflag:$0x1] =	stream.linear.gather [hbm4b:s9+s3], $0x80, $0x38;
	[tilespmem:$0x1C00] =	vst v63  }
0x78: {  	s10 =	sadd.s32 $0x50, s25  }
0x79: {  	[tilespmem:s1], [sflag:$0x1] =	stream.linear.gather [hbm4b:s10+s3], $0x80, $0x38;
	[tilespmem:$0x1C00] =	vst v63  }
0x7a: {  	s12 =	sld [smem:$0x7FA];
	s11 =	sadd.s32 $0x60, s25;
	s8 =	simm.s32 $0x580  }
0x7b: {  	[tilespmem:s8], [sflag:$0x1] =	stream.linear.gather [hbm4b:s11+s3], $0x80, $0x38;
	[tilespmem:$0x1C00] =	vst v63  }
0x7c: {  	s13 =	sld [smem:$0x7F9];
	s25 =	sadd.s32 $0x70, s25;
	s9 =	simm.s32 $0x600  }
0x7d: {  	[tilespmem:s9], [sflag:$0x1] =	stream.linear.gather [hbm4b:s25+s3], $0x80, $0x38;
	[tilespmem:$0x1C00] =	vst v63  }
0x7e: {  	s14 =	sld [smem:$0x7F8];
	s26 =	sadd.s32 $0x0, s12;
	s10 =	simm.s32 $0x680  }
0x7f: {  	[tilespmem:s10], [sflag:$0x1] =	stream.linear.gather [hbm4b:s26+s3], $0x80, $0x38;
	[tilespmem:$0x1C00] =	vst v63  }
0x80: {  	s15 =	sld [smem:$0x7F7];
	s11 =	simm.s32 $0x700;
	s25 =	sadd.s32 $0x0, s13  }
0x81: {  	[tilespmem:s11], [sflag:$0x1] =	stream.linear.gather [hbm4b:s25+s3], $0x80, $0x38;
	[tilespmem:$0x1C00] =	vst v63  }
0x82: {  	s16 =	sld [smem:$0x7F6];
	s12 =	simm.s32 $0x780;
	s26 =	sadd.s32 $0x0, s14  }
0x83: {  	[tilespmem:s12], [sflag:$0x1] =	stream.linear.gather [hbm4b:s26+s3], $0x80, $0x38;
	[tilespmem:$0x1C00] =	vst v63  }
0x84: {  	s13 =	simm.s32 $0x800;
	s25 =	sadd.s32 $0x0, s15  }
0x85: {  	[tilespmem:s13], [sflag:$0x1] =	stream.linear.gather [hbm4b:s25+s3], $0x80, $0x38;
	[tilespmem:$0x1C00] =	vst v63  }
0x86: {  	s17 =	rddreg [dreg:$0x1f];
	s14 =	simm.s32 $0x880;
	s26 =	sadd.s32 $0x0, s16  }
0x87: {  	[tilespmem:s14], [sflag:$0x1] =	stream.linear.gather [hbm4b:s26+s3], $0x80, $0x38;
	[tilespmem:$0x1C00] =	vst v63  }
0x88: {  	s18 =	rddreg [dreg:$0x1e];
	s15 =	simm.s32 $0x900;
	s25 =	sadd.s32 $0x0, s17  }
0x89: {  	[tilespmem:s15], [sflag:$0x1] =	stream.linear.gather [hbm4b:s25+s3], $0x80, $0x38;
	[tilespmem:$0x1C00] =	vst v63  }
0x8a: {  	s19 =	rddreg [dreg:$0x1d];
	s16 =	simm.s32 $0x980;
	s26 =	sadd.s32 $0x0, s18  }
0x8b: {  	[tilespmem:s16], [sflag:$0x1] =	stream.linear.gather [hbm4b:s26+s3], $0x80, $0x38;
	[tilespmem:$0x1C00] =	vst v63  }
0x8c: {  	s20 =	rddreg [dreg:$0x1c];
	s17 =	simm.s32 $0xA00;
	s25 =	sadd.s32 $0x0, s19  }
0x8d: {  	[tilespmem:s17], [sflag:$0x1] =	stream.linear.gather [hbm4b:s25+s3], $0x80, $0x38;
	[tilespmem:$0x1C00] =	vst v63  }
0x8e: {  	s24 =	rddreg [dreg:$0x1b];
	s18 =	simm.s32 $0xA80;
	s26 =	sadd.s32 $0x0, s20  }
0x8f: {  	[tilespmem:s18], [sflag:$0x1] =	stream.linear.gather [hbm4b:s26+s3], $0x80, $0x38;
	[tilespmem:$0x1C00] =	vst v63  }
0x90: {  	s4 =	rddreg [dreg:$0x1a];
	s19 =	simm.s32 $0xB00;
	s25 =	sadd.s32 $0x0, s24  }
0x91: {  	[tilespmem:s19], [sflag:$0x1] =	stream.linear.gather [hbm4b:s25+s3], $0x80, $0x38;
	[tilespmem:$0x1C00] =	vst v63  }
0x92: {  	s5 =	rddreg [dreg:$0x19];
	s20 =	simm.s32 $0xB80;
	s26 =	sadd.s32 $0x0, s4  }
0x93: {  	[tilespmem:s20], [sflag:$0x1] =	stream.linear.gather [hbm4b:s26+s3], $0x80, $0x38;
	[tilespmem:$0x1C00] =	vst v63  }
0x94: {  	s6 =	rddreg [dreg:$0x18];
	s25 =	sadd.s32 $0x0, s5;
	s5 =	simm.s32 $0xC00  }
0x95: {  	[tilespmem:s5], [sflag:$0x1] =	stream.linear.gather [hbm4b:s25+s3], $0x80, $0x38;
	[tilespmem:$0x1C00] =	vst v63  }
0x96: {  	s24 =	rddreg [dreg:$0x17];
	s26 =	sadd.s32 $0x0, s6;
	s6 =	simm.s32 $0xC80  }
0x97: {  	[tilespmem:s6], [sflag:$0x1] =	stream.linear.gather [hbm4b:s26+s3], $0x80, $0x38;
	[tilespmem:$0x1C00] =	vst v63  }
0x98: {  	s4 =	rddreg [dreg:$0x16];
	s25 =	sadd.s32 $0x0, s24;
	s24 =	simm.s32 $0xD00  }
0x99: {  	[tilespmem:s24], [sflag:$0x1] =	stream.linear.gather [hbm4b:s25+s3], $0x80, $0x38;
	[tilespmem:$0x1C00] =	vst v63  }
0x9a: {  	s26 =	sadd.s32 $0x0, s4;
	s4 =	simm.s32 $0xD80;
	s25 =	rddreg [dreg:$0x15]  }
0x9b: {  	[tilespmem:s4], [sflag:$0x1] =	stream.linear.gather [hbm4b:s26+s3], $0x80, $0x38;
	[tilespmem:$0x1C00] =	vst v63  }
0x9c: {  	s25 =	sadd.s32 $0x0, s25;
	s26 =	rddreg [dreg:$0x14];
	s4 =	simm.s32 $0xE00  }
0x9d: {  	[tilespmem:s4], [sflag:$0x1] =	stream.linear.gather [hbm4b:s25+s3], $0x80, $0x38;
	[tilespmem:$0x1C00] =	vst v63  }
0x9e: {  	s26 =	sadd.s32 $0x0, s26;
	s25 =	rddreg [dreg:$0x13];
	s4 =	simm.s32 $0xE80  }
0x9f: {  	[tilespmem:s4], [sflag:$0x1] =	stream.linear.gather [hbm4b:s26+s3], $0x80, $0x38;
	[tilespmem:$0x1C00] =	vst v63  }
0xa0: {  	s25 =	sadd.s32 $0x0, s25;
	s26 =	rddreg [dreg:$0x12];
	s4 =	simm.s32 $0xF00  }
0xa1: {  	[tilespmem:s4], [sflag:$0x1] =	stream.linear.gather [hbm4b:s25+s3], $0x80, $0x38;
	[tilespmem:$0x1C00] =	vst v63  }
0xa2: {  	s26 =	sadd.s32 $0x0, s26;
	s25 =	rddreg [dreg:$0x11];
	s4 =	simm.s32 $0xF80  }
0xa3: {  	[tilespmem:s4], [sflag:$0x1] =	stream.linear.gather [hbm4b:s26+s3], $0x80, $0x38;
	[tilespmem:$0x1C00] =	vst v63  }
0xa4: {  	s25 =	sadd.s32 $0x0, s25;
	s26 =	rddreg [dreg:$0x10];
	s4 =	simm.s32 $0x1000  }
0xa5: {  	[tilespmem:s4], [sflag:$0x1] =	stream.linear.gather [hbm4b:s25+s3], $0x80, $0x38;
	[tilespmem:$0x1C00] =	vst v63  }
0xa6: {  	s26 =	sadd.s32 $0x0, s26;
	s25 =	rddreg [dreg:$0xf];
	s4 =	simm.s32 $0x1080  }
0xa7: {  	[tilespmem:s4], [sflag:$0x1] =	stream.linear.gather [hbm4b:s26+s3], $0x80, $0x38;
	[tilespmem:$0x1C00] =	vst v63  }
0xa8: {  	s25 =	sadd.s32 $0x0, s25;
	s26 =	rddreg [dreg:$0xe];
	s4 =	simm.s32 $0x1100  }
0xa9: {  	[tilespmem:s4], [sflag:$0x1] =	stream.linear.gather [hbm4b:s25+s3], $0x80, $0x38;
	[tilespmem:$0x1C00] =	vst v63  }
0xaa: {  	s26 =	sadd.s32 $0x0, s26;
	s25 =	rddreg [dreg:$0xd];
	s4 =	simm.s32 $0x1180  }
0xab: {  	[tilespmem:s4], [sflag:$0x1] =	stream.linear.gather [hbm4b:s26+s3], $0x80, $0x38;
	[tilespmem:$0x1C00] =	vst v63  }
0xac: {  	s25 =	sadd.s32 $0x0, s25;
	s26 =	rddreg [dreg:$0xc];
	s4 =	simm.s32 $0x1200  }
0xad: {  	[tilespmem:s4], [sflag:$0x1] =	stream.linear.gather [hbm4b:s25+s3], $0x80, $0x38;
	[tilespmem:$0x1C00] =	vst v63  }
0xae: {  	s26 =	sadd.s32 $0x0, s26;
	s25 =	rddreg [dreg:$0xb];
	s4 =	simm.s32 $0x1280  }
0xaf: {  	[tilespmem:s4], [sflag:$0x1] =	stream.linear.gather [hbm4b:s26+s3], $0x80, $0x38;
	[tilespmem:$0x1C00] =	vst v63  }
0xb0: {  	s25 =	sadd.s32 $0x0, s25;
	s26 =	rddreg [dreg:$0xa];
	s4 =	simm.s32 $0x1300  }
0xb1: {  	[tilespmem:s4], [sflag:$0x1] =	stream.linear.gather [hbm4b:s25+s3], $0x80, $0x38;
	[tilespmem:$0x1C00] =	vst v63  }
0xb2: {  	s26 =	sadd.s32 $0x0, s26;
	s25 =	rddreg [dreg:$0x9];
	s4 =	simm.s32 $0x1380  }
0xb3: {  	[tilespmem:s4], [sflag:$0x1] =	stream.linear.gather [hbm4b:s26+s3], $0x80, $0x38;
	[tilespmem:$0x1C00] =	vst v63  }
0xb4: {  	s25 =	sadd.s32 $0x0, s25;
	s26 =	rddreg [dreg:$0x8];
	s4 =	simm.s32 $0x1400  }
0xb5: {  	[tilespmem:s4], [sflag:$0x1] =	stream.linear.gather [hbm4b:s25+s3], $0x80, $0x38;
	[tilespmem:$0x1C00] =	vst v63  }
0xb6: {  	s26 =	sadd.s32 $0x0, s26;
	s25 =	rddreg [dreg:$0x7];
	s4 =	simm.s32 $0x1480  }
0xb7: {  	[tilespmem:s4], [sflag:$0x1] =	stream.linear.gather [hbm4b:s26+s3], $0x80, $0x38;
	[tilespmem:$0x1C00] =	vst v63  }
0xb8: {  	s25 =	sadd.s32 $0x0, s25;
	s26 =	rddreg [dreg:$0x6];
	s4 =	simm.s32 $0x1500  }
0xb9: {  	[tilespmem:s4], [sflag:$0x1] =	stream.linear.gather [hbm4b:s25+s3], $0x80, $0x38;
	[tilespmem:$0x1C00] =	vst v63  }
0xba: {  	s26 =	sadd.s32 $0x0, s26;
	s25 =	rddreg [dreg:$0x5];
	s4 =	simm.s32 $0x1580  }
0xbb: {  	[tilespmem:s4], [sflag:$0x1] =	stream.linear.gather [hbm4b:s26+s3], $0x80, $0x38;
	[tilespmem:$0x1C00] =	vst v63  }
0xbc: {  	s25 =	sadd.s32 $0x0, s25;
	s26 =	simm.s32 $0x1600  }
0xbd: {  	[tilespmem:s26], [sflag:$0x1] =	stream.linear.gather [hbm4b:s25+s3], $0x80, $0x38;
	[tilespmem:$0x1C00] =	vst v63  }
0xbe: {  	_ =	swait.ge [sflag:s21], $0x80  }
0xbf: {  	[sflag:s21] =	ssyncset.done $0x0  }
0xc0: {  	[sflag:s21] =	ssyncadd.s32 $0xFFFFFF80  }
0xc1: {  	_ =	swait.ge [sflag:s21], $0x80  }
0xc2: {  	[sflag:s21] =	ssyncset.done $0x0  }
0xc3: {  	[sflag:s21] =	ssyncadd.s32 $0xFFFFFF80  }
0xc4: {  	_ =	swait.ge [sflag:s21], $0x80  }
0xc5: {  	[sflag:s21] =	ssyncset.done $0x0  }
0xc6: {  	[sflag:s21] =	ssyncadd.s32 $0xFFFFFF80  }
0xc7: {  	_ =	swait.ge [sflag:s21], $0x80  }
0xc8: {  	[sflag:s21] =	ssyncset.done $0x0  }
0xc9: {  	[sflag:s21] =	ssyncadd.s32 $0xFFFFFF80  }
0xca: {  	_ =	swait.ge [sflag:s21], $0x80  }
0xcb: {  	[sflag:s21] =	ssyncset.done $0x0  }
0xcc: {  	[sflag:s21] =	ssyncadd.s32 $0xFFFFFF80  }
0xcd: {  	_ =	swait.ge [sflag:s21], $0x80  }
0xce: {  	[sflag:s21] =	ssyncset.done $0x0  }
0xcf: {  	[sflag:s21] =	ssyncadd.s32 $0xFFFFFF80  }
0xd0: {  	_ =	swait.ge [sflag:s21], $0x80  }
0xd1: {  	[sflag:s21] =	ssyncset.done $0x0  }
0xd2: {  	[sflag:s21] =	ssyncadd.s32 $0xFFFFFF80  }
0xd3: {  	_ =	swait.ge [sflag:s21], $0x80  }
0xd4: {  	[sflag:s21] =	ssyncset.done $0x0  }
0xd5: {  	[sflag:s21] =	ssyncadd.s32 $0xFFFFFF80  }
0xd6: {  	_ =	swait.ge [sflag:s21], $0x80  }
0xd7: {  	[sflag:s21] =	ssyncset.done $0x0  }
0xd8: {  	[sflag:s21] =	ssyncadd.s32 $0xFFFFFF80  }
0xd9: {  	_ =	swait.ge [sflag:s21], $0x80  }
0xda: {  	[sflag:s21] =	ssyncset.done $0x0  }
0xdb: {  	[sflag:s21] =	ssyncadd.s32 $0xFFFFFF80  }
0xdc: {  	_ =	swait.ge [sflag:s21], $0x80  }
0xdd: {  	[sflag:s21] =	ssyncset.done $0x0  }
0xde: {  	[sflag:s21] =	ssyncadd.s32 $0xFFFFFF80  }
0xdf: {  	_ =	swait.ge [sflag:s21], $0x80  }
0xe0: {  	[sflag:s21] =	ssyncset.done $0x0  }
0xe1: {  	[sflag:s21] =	ssyncadd.s32 $0xFFFFFF80  }
0xe2: {  	_ =	swait.ge [sflag:s21], $0x80  }
0xe3: {  	[sflag:s21] =	ssyncset.done $0x0  }
0xe4: {  	[sflag:s21] =	ssyncadd.s32 $0xFFFFFF80  }
0xe5: {  	_ =	swait.ge [sflag:s21], $0x80  }
0xe6: {  	[sflag:s21] =	ssyncset.done $0x0  }
0xe7: {  	[sflag:s21] =	ssyncadd.s32 $0xFFFFFF80  }
0xe8: {  	_ =	swait.ge [sflag:s21], $0x80  }
0xe9: {  	[sflag:s21] =	ssyncset.done $0x0  }
0xea: {  	[sflag:s21] =	ssyncadd.s32 $0xFFFFFF80  }
0xeb: {  	_ =	swait.ge [sflag:s21], $0x80  }
0xec: {  	[sflag:s21] =	ssyncset.done $0x0  }
0xed: {  	[sflag:s21] =	ssyncadd.s32 $0xFFFFFF80  }
0xee: {  	_ =	swait.ge [sflag:s21], $0x80  }
0xef: {  	[sflag:s21] =	ssyncset.done $0x0  }
0xf0: {  	[sflag:s21] =	ssyncadd.s32 $0xFFFFFF80  }
0xf1: {  	_ =	swait.ge [sflag:s21], $0x80  }
0xf2: {  	[sflag:s21] =	ssyncset.done $0x0  }
0xf3: {  	[sflag:s21] =	ssyncadd.s32 $0xFFFFFF80  }
0xf4: {  	_ =	swait.ge [sflag:s21], $0x80  }
0xf5: {  	[sflag:s21] =	ssyncset.done $0x0  }
0xf6: {  	[sflag:s21] =	ssyncadd.s32 $0xFFFFFF80  }
0xf7: {  	_ =	swait.ge [sflag:s21], $0x80  }
0xf8: {  	[sflag:s21] =	ssyncset.done $0x0  }
0xf9: {  	[sflag:s21] =	ssyncadd.s32 $0xFFFFFF80  }
0xfa: {  	_ =	swait.ge [sflag:s21], $0x80  }
0xfb: {  	[sflag:s21] =	ssyncset.done $0x0  }
0xfc: {  	[sflag:s21] =	ssyncadd.s32 $0xFFFFFF80  }
0xfd: {  	_ =	swait.ge [sflag:s21], $0x80  }
0xfe: {  	[sflag:s21] =	ssyncset.done $0x0  }
0xff: {  	[sflag:s21] =	ssyncadd.s32 $0xFFFFFF80  }
0x100: {  	_ =	swait.ge [sflag:s21], $0x80  }
0x101: {  	[sflag:s21] =	ssyncset.done $0x0  }
0x102: {  	[sflag:s21] =	ssyncadd.s32 $0xFFFFFF80  }
0x103: {  	_ =	swait.ge [sflag:s21], $0x80  }
0x104: {  	[sflag:s21] =	ssyncset.done $0x0  }
0x105: {  	[sflag:s21] =	ssyncadd.s32 $0xFFFFFF80  }
0x106: {  	_ =	swait.ge [sflag:s21], $0x80  }
0x107: {  	[sflag:s21] =	ssyncset.done $0x0  }
0x108: {  	[sflag:s21] =	ssyncadd.s32 $0xFFFFFF80  }
0x109: {  	_ =	swait.ge [sflag:s21], $0x80  }
0x10a: {  	[sflag:s21] =	ssyncset.done $0x0  }
0x10b: {  	[sflag:s21] =	ssyncadd.s32 $0xFFFFFF80  }
0x10c: {  	_ =	swait.ge [sflag:s21], $0x80  }
0x10d: {  	[sflag:s21] =	ssyncset.done $0x0  }
0x10e: {  	[sflag:s21] =	ssyncadd.s32 $0xFFFFFF80  }
0x10f: {  	_ =	swait.ge [sflag:s21], $0x80  }
0x110: {  	[sflag:s21] =	ssyncset.done $0x0  }
0x111: {  	[sflag:s21] =	ssyncadd.s32 $0xFFFFFF80  }
0x112: {  	_ =	swait.ge [sflag:s21], $0x80  }
0x113: {  	[sflag:s21] =	ssyncset.done $0x0  }
0x114: {  	[sflag:s21] =	ssyncadd.s32 $0xFFFFFF80  }
0x115: {  	_ =	swait.ge [sflag:s21], $0x80  }
0x116: {  	[sflag:s21] =	ssyncset.done $0x0  }
0x117: {  	[sflag:s21] =	ssyncadd.s32 $0xFFFFFF80  }
0x118: {  	_ =	swait.ge [sflag:s21], $0x80  }
0x119: {  	[sflag:s21] =	ssyncset.done $0x0  }
0x11a: {  	[sflag:s21] =	ssyncadd.s32 $0xFFFFFF80  }
0x11b: {  	_ =	swait.ge [sflag:s21], $0x80  }
0x11c: {  	[sflag:s21] =	ssyncset.done $0x0  }
0x11d: {  	[sflag:s21] =	ssyncadd.s32 $0xFFFFFF80  }
0x11e: {  	_ =	swait.ge [sflag:s21], $0x80  }
0x11f: {  	[sflag:s21] =	ssyncset.done $0x0  }
0x120: {  	[sflag:s21] =	ssyncadd.s32 $0xFFFFFF80  }
0x121: {  	_ =	swait.ge [sflag:s21], $0x80  }
0x122: {  	[sflag:s21] =	ssyncset.done $0x0  }
0x123: {  	[sflag:s21] =	ssyncadd.s32 $0xFFFFFF80  }
0x124: {  	_ =	swait.ge [sflag:s21], $0x80  }
0x125: {  	[sflag:s21] =	ssyncset.done $0x0  }
0x126: {  	[sflag:s21] =	ssyncadd.s32 $0xFFFFFF80  }
0x127: {  	_ =	swait.ge [sflag:s21], $0x80  }
0x128: {  	[sflag:s21] =	ssyncset.done $0x0  }
0x129: {  	[sflag:s21] =	ssyncadd.s32 $0xFFFFFF80  }
0x12a: {  	_ =	swait.ge [sflag:s21], $0x80  }
0x12b: {  	[sflag:s21] =	ssyncset.done $0x0  }
0x12c: {  	[sflag:s21] =	ssyncadd.s32 $0xFFFFFF80  }
0x12d: {  	_ =	swait.ge [sflag:s21], $0x80  }
0x12e: {  	[sflag:s21] =	ssyncset.done $0x0  }
0x12f: {  	[sflag:s21] =	ssyncadd.s32 $0xFFFFFF80  }
0x130: {  	_ =	swait.ge [sflag:s21], $0x80  }
0x131: {  	[sflag:s21] =	ssyncset.done $0x0  }
0x132: {  	[sflag:s21] =	ssyncadd.s32 $0xFFFFFF80  }
0x133: {  	_ =	swait.ge [sflag:s21], $0x80  }
0x134: {  	[sflag:s21] =	ssyncset.done $0x0  }
0x135: {  	[sflag:s21] =	ssyncadd.s32 $0xFFFFFF80  }
0x136: {  	[bflag:$0x0] =	sbarrier.arrive $0xFFFF  }
0x137: {  	[spmem:s2] =	stream.indirect.scatter.add.f32 [tilespmem:s23], [sflag:$0x2], $0x1, s30, s22, $0xb8;
	[tilespmem:$0x1C00] =	vst v63  }
0x138: {  	_ =	swait.ge [sflag:s7], $0x80  }
0x139: {  	[sflag:s7] =	ssyncset.done $0x0  }
0x13a: {  	[sflag:s7] =	ssyncadd.s32 $0xFFFFFF80  }
0x13b: {  	[spmem:s2] =	stream.indirect.scatter.add.f32 [tilespmem:s23], [sflag:$0x2], $0x1, s31, s22, $0xb8;
	[tilespmem:$0x1C00] =	vst v63  }
0x13c: {  	_ =	swait.ge [sflag:s7], $0x80  }
0x13d: {  	[sflag:s7] =	ssyncset.done $0x0  }
0x13e: {  	[sflag:s7] =	ssyncadd.s32 $0xFFFFFF80  }
0x13f: {  	[spmem:s2] =	stream.indirect.scatter.add.f32 [tilespmem:s23], [sflag:$0x2], $0x1, s28, s22, $0xb8;
	[tilespmem:$0x1C00] =	vst v63  }
0x140: {  	_ =	swait.ge [sflag:s7], $0x80  }
0x141: {  	[sflag:s7] =	ssyncset.done $0x0  }
0x142: {  	[sflag:s7] =	ssyncadd.s32 $0xFFFFFF80  }
0x143: {  	[spmem:s2] =	stream.indirect.scatter.add.f32 [tilespmem:s23], [sflag:$0x2], $0x1, s0, s22, $0xb8;
	[tilespmem:$0x1C00] =	vst v63  }
0x144: {  	_ =	swait.ge [sflag:s7], $0x80  }
0x145: {  	[sflag:s7] =	ssyncset.done $0x0  }
0x146: {  	[sflag:s7] =	ssyncadd.s32 $0xFFFFFF80  }
0x147: {  	[spmem:s2] =	stream.indirect.scatter.add.f32 [tilespmem:s23], [sflag:$0x2], $0x1, s29, s22, $0xb8;
	[tilespmem:$0x1C00] =	vst v63  }
0x148: {  	_ =	swait.ge [sflag:s7], $0x80  }
0x149: {  	[sflag:s7] =	ssyncset.done $0x0  }
0x14a: {  	[sflag:s7] =	ssyncadd.s32 $0xFFFFFF80  }
0x14b: {  	[spmem:s2] =	stream.indirect.scatter.add.f32 [tilespmem:s23], [sflag:$0x2], $0x1, s1, s22, $0xb8;
	[tilespmem:$0x1C00] =	vst v63  }
0x14c: {  	_ =	swait.ge [sflag:s7], $0x80  }
0x14d: {  	[sflag:s7] =	ssyncset.done $0x0  }
0x14e: {  	[sflag:s7] =	ssyncadd.s32 $0xFFFFFF80  }
0x14f: {  	[spmem:s2] =	stream.indirect.scatter.add.f32 [tilespmem:s23], [sflag:$0x2], $0x1, s8, s22, $0xb8;
	[tilespmem:$0x1C00] =	vst v63  }
0x150: {  	_ =	swait.ge [sflag:s7], $0x80  }
0x151: {  	[sflag:s7] =	ssyncset.done $0x0  }
0x152: {  	[sflag:s7] =	ssyncadd.s32 $0xFFFFFF80  }
0x153: {  	[spmem:s2] =	stream.indirect.scatter.add.f32 [tilespmem:s23], [sflag:$0x2], $0x1, s9, s22, $0xb8;
	[tilespmem:$0x1C00] =	vst v63  }
0x154: {  	_ =	swait.ge [sflag:s7], $0x80  }
0x155: {  	[sflag:s7] =	ssyncset.done $0x0  }
0x156: {  	[sflag:s7] =	ssyncadd.s32 $0xFFFFFF80  }
0x157: {  	[spmem:s2] =	stream.indirect.scatter.add.f32 [tilespmem:s23], [sflag:$0x2], $0x1, s10, s22, $0xb8;
	[tilespmem:$0x1C00] =	vst v63  }
0x158: {  	_ =	swait.ge [sflag:s7], $0x80  }
0x159: {  	[sflag:s7] =	ssyncset.done $0x0  }
0x15a: {  	[sflag:s7] =	ssyncadd.s32 $0xFFFFFF80  }
0x15b: {  	[spmem:s2] =	stream.indirect.scatter.add.f32 [tilespmem:s23], [sflag:$0x2], $0x1, s11, s22, $0xb8;
	[tilespmem:$0x1C00] =	vst v63  }
0x15c: {  	_ =	swait.ge [sflag:s7], $0x80  }
0x15d: {  	[sflag:s7] =	ssyncset.done $0x0  }
0x15e: {  	[sflag:s7] =	ssyncadd.s32 $0xFFFFFF80  }
0x15f: {  	[spmem:s2] =	stream.indirect.scatter.add.f32 [tilespmem:s23], [sflag:$0x2], $0x1, s12, s22, $0xb8;
	[tilespmem:$0x1C00] =	vst v63  }
0x160: {  	_ =	swait.ge [sflag:s7], $0x80  }
0x161: {  	[sflag:s7] =	ssyncset.done $0x0  }
0x162: {  	[sflag:s7] =	ssyncadd.s32 $0xFFFFFF80  }
0x163: {  	[spmem:s2] =	stream.indirect.scatter.add.f32 [tilespmem:s23], [sflag:$0x2], $0x1, s13, s22, $0xb8;
	[tilespmem:$0x1C00] =	vst v63  }
0x164: {  	_ =	swait.ge [sflag:s7], $0x80  }
0x165: {  	[sflag:s7] =	ssyncset.done $0x0  }
0x166: {  	[sflag:s7] =	ssyncadd.s32 $0xFFFFFF80  }
0x167: {  	[spmem:s2] =	stream.indirect.scatter.add.f32 [tilespmem:s23], [sflag:$0x2], $0x1, s14, s22, $0xb8;
	[tilespmem:$0x1C00] =	vst v63  }
0x168: {  	_ =	swait.ge [sflag:s7], $0x80  }
0x169: {  	[sflag:s7] =	ssyncset.done $0x0  }
0x16a: {  	[sflag:s7] =	ssyncadd.s32 $0xFFFFFF80  }
0x16b: {  	[spmem:s2] =	stream.indirect.scatter.add.f32 [tilespmem:s23], [sflag:$0x2], $0x1, s15, s22, $0xb8;
	[tilespmem:$0x1C00] =	vst v63  }
0x16c: {  	_ =	swait.ge [sflag:s7], $0x80  }
0x16d: {  	[sflag:s7] =	ssyncset.done $0x0  }
0x16e: {  	[sflag:s7] =	ssyncadd.s32 $0xFFFFFF80  }
0x16f: {  	[spmem:s2] =	stream.indirect.scatter.add.f32 [tilespmem:s23], [sflag:$0x2], $0x1, s16, s22, $0xb8;
	[tilespmem:$0x1C00] =	vst v63  }
0x170: {  	_ =	swait.ge [sflag:s7], $0x80  }
0x171: {  	[sflag:s7] =	ssyncset.done $0x0  }
0x172: {  	[sflag:s7] =	ssyncadd.s32 $0xFFFFFF80  }
0x173: {  	[spmem:s2] =	stream.indirect.scatter.add.f32 [tilespmem:s23], [sflag:$0x2], $0x1, s17, s22, $0xb8;
	[tilespmem:$0x1C00] =	vst v63  }
0x174: {  	_ =	swait.ge [sflag:s7], $0x80  }
0x175: {  	[sflag:s7] =	ssyncset.done $0x0  }
0x176: {  	[sflag:s7] =	ssyncadd.s32 $0xFFFFFF80  }
0x177: {  	[spmem:s2] =	stream.indirect.scatter.add.f32 [tilespmem:s23], [sflag:$0x2], $0x1, s18, s22, $0xb8;
	[tilespmem:$0x1C00] =	vst v63  }
0x178: {  	_ =	swait.ge [sflag:s7], $0x80  }
0x179: {  	[sflag:s7] =	ssyncset.done $0x0  }
0x17a: {  	[sflag:s7] =	ssyncadd.s32 $0xFFFFFF80  }
0x17b: {  	[spmem:s2] =	stream.indirect.scatter.add.f32 [tilespmem:s23], [sflag:$0x2], $0x1, s19, s22, $0xb8;
	[tilespmem:$0x1C00] =	vst v63  }
0x17c: {  	_ =	swait.ge [sflag:s7], $0x80  }
0x17d: {  	[sflag:s7] =	ssyncset.done $0x0  }
0x17e: {  	[sflag:s7] =	ssyncadd.s32 $0xFFFFFF80  }
0x17f: {  	[spmem:s2] =	stream.indirect.scatter.add.f32 [tilespmem:s23], [sflag:$0x2], $0x1, s20, s22, $0xb8;
	[tilespmem:$0x1C00] =	vst v63  }
0x180: {  	_ =	swait.ge [sflag:s7], $0x80  }
0x181: {  	[sflag:s7] =	ssyncset.done $0x0  }
0x182: {  	[sflag:s7] =	ssyncadd.s32 $0xFFFFFF80  }
0x183: {  	[spmem:s2] =	stream.indirect.scatter.add.f32 [tilespmem:s23], [sflag:$0x2], $0x1, s5, s22, $0xb8;
	[tilespmem:$0x1C00] =	vst v63  }
0x184: {  	_ =	swait.ge [sflag:s7], $0x80  }
0x185: {  	[sflag:s7] =	ssyncset.done $0x0  }
0x186: {  	[sflag:s7] =	ssyncadd.s32 $0xFFFFFF80  }
0x187: {  	[spmem:s2] =	stream.indirect.scatter.add.f32 [tilespmem:s23], [sflag:$0x2], $0x1, s6, s22, $0xb8;
	[tilespmem:$0x1C00] =	vst v63  }
0x188: {  	_ =	swait.ge [sflag:s7], $0x80  }
0x189: {  	[sflag:s7] =	ssyncset.done $0x0  }
0x18a: {  	[sflag:s7] =	ssyncadd.s32 $0xFFFFFF80  }
0x18b: {  	[spmem:s2] =	stream.indirect.scatter.add.f32 [tilespmem:s23], [sflag:$0x2], $0x1, s24, s22, $0xb8;
	[tilespmem:$0x1C00] =	vst v63  }
0x18c: {  	_ =	swait.ge [sflag:s7], $0x80  }
0x18d: {  	[sflag:s7] =	ssyncset.done $0x0  }
0x18e: {  	s6 =	simm.s32 $0xD80;
	[sflag:s7] =	ssyncadd.s32 $0xFFFFFF80  }
0x18f: {  	[spmem:s2] =	stream.indirect.scatter.add.f32 [tilespmem:s23], [sflag:$0x2], $0x1, s6, s22, $0xb8;
	[tilespmem:$0x1C00] =	vst v63  }
0x190: {  	s4 =	sld [smem:$0x7FD];
	_ =	swait.ge [sflag:s7], $0x80  }
0x191: {  	[sflag:s7] =	ssyncset.done $0x0  }
0x192: {  	s8 =	simm.s32 $0xE00;
	[sflag:s7] =	ssyncadd.s32 $0xFFFFFF80  }
0x193: {  	[spmem:s2] =	stream.indirect.scatter.add.f32 [tilespmem:s23], [sflag:$0x2], $0x1, s8, s22, $0xb8;
	[tilespmem:$0x1C00] =	vst v63  }
0x194: {  	_ =	swait.ge [sflag:s7], $0x80  }
0x195: {  	[sflag:s7] =	ssyncset.done $0x0  }
0x196: {  	s9 =	simm.s32 $0xE80;
	[sflag:s7] =	ssyncadd.s32 $0xFFFFFF80  }
0x197: {  	[spmem:s2] =	stream.indirect.scatter.add.f32 [tilespmem:s23], [sflag:$0x2], $0x1, s9, s22, $0xb8;
	[tilespmem:$0x1C00] =	vst v63  }
0x198: {  	_ =	swait.ge [sflag:s7], $0x80  }
0x199: {  	[sflag:s7] =	ssyncset.done $0x0  }
0x19a: {  	s10 =	simm.s32 $0xF00;
	[sflag:s7] =	ssyncadd.s32 $0xFFFFFF80  }
0x19b: {  	[spmem:s2] =	stream.indirect.scatter.add.f32 [tilespmem:s23], [sflag:$0x2], $0x1, s10, s22, $0xb8;
	[tilespmem:$0x1C00] =	vst v63  }
0x19c: {  	_ =	swait.ge [sflag:s7], $0x80  }
0x19d: {  	[sflag:s7] =	ssyncset.done $0x0  }
0x19e: {  	s11 =	simm.s32 $0xF80;
	[sflag:s7] =	ssyncadd.s32 $0xFFFFFF80  }
0x19f: {  	[spmem:s2] =	stream.indirect.scatter.add.f32 [tilespmem:s23], [sflag:$0x2], $0x1, s11, s22, $0xb8;
	[tilespmem:$0x1C00] =	vst v63  }
0x1a0: {  	_ =	swait.ge [sflag:s7], $0x80  }
0x1a1: {  	[sflag:s7] =	ssyncset.done $0x0  }
0x1a2: {  	s12 =	simm.s32 $0x1000;
	[sflag:s7] =	ssyncadd.s32 $0xFFFFFF80  }
0x1a3: {  	[spmem:s2] =	stream.indirect.scatter.add.f32 [tilespmem:s23], [sflag:$0x2], $0x1, s12, s22, $0xb8;
	[tilespmem:$0x1C00] =	vst v63  }
0x1a4: {  	_ =	swait.ge [sflag:s7], $0x80  }
0x1a5: {  	[sflag:s7] =	ssyncset.done $0x0  }
0x1a6: {  	s13 =	simm.s32 $0x1080;
	[sflag:s7] =	ssyncadd.s32 $0xFFFFFF80  }
0x1a7: {  	[spmem:s2] =	stream.indirect.scatter.add.f32 [tilespmem:s23], [sflag:$0x2], $0x1, s13, s22, $0xb8;
	[tilespmem:$0x1C00] =	vst v63  }
0x1a8: {  	_ =	swait.ge [sflag:s7], $0x80  }
0x1a9: {  	[sflag:s7] =	ssyncset.done $0x0  }
0x1aa: {  	s14 =	simm.s32 $0x1100;
	[sflag:s7] =	ssyncadd.s32 $0xFFFFFF80  }
0x1ab: {  	[spmem:s2] =	stream.indirect.scatter.add.f32 [tilespmem:s23], [sflag:$0x2], $0x1, s14, s22, $0xb8;
	[tilespmem:$0x1C00] =	vst v63  }
0x1ac: {  	_ =	swait.ge [sflag:s7], $0x80  }
0x1ad: {  	[sflag:s7] =	ssyncset.done $0x0  }
0x1ae: {  	s15 =	simm.s32 $0x1180;
	[sflag:s7] =	ssyncadd.s32 $0xFFFFFF80  }
0x1af: {  	[spmem:s2] =	stream.indirect.scatter.add.f32 [tilespmem:s23], [sflag:$0x2], $0x1, s15, s22, $0xb8;
	[tilespmem:$0x1C00] =	vst v63  }
0x1b0: {  	_ =	swait.ge [sflag:s7], $0x80  }
0x1b1: {  	[sflag:s7] =	ssyncset.done $0x0  }
0x1b2: {  	s16 =	simm.s32 $0x1200;
	[sflag:s7] =	ssyncadd.s32 $0xFFFFFF80  }
0x1b3: {  	[spmem:s2] =	stream.indirect.scatter.add.f32 [tilespmem:s23], [sflag:$0x2], $0x1, s16, s22, $0xb8;
	[tilespmem:$0x1C00] =	vst v63  }
0x1b4: {  	_ =	swait.ge [sflag:s7], $0x80  }
0x1b5: {  	[sflag:s7] =	ssyncset.done $0x0  }
0x1b6: {  	s17 =	simm.s32 $0x1280;
	[sflag:s7] =	ssyncadd.s32 $0xFFFFFF80  }
0x1b7: {  	[spmem:s2] =	stream.indirect.scatter.add.f32 [tilespmem:s23], [sflag:$0x2], $0x1, s17, s22, $0xb8;
	[tilespmem:$0x1C00] =	vst v63  }
0x1b8: {  	_ =	swait.ge [sflag:s7], $0x80  }
0x1b9: {  	[sflag:s7] =	ssyncset.done $0x0  }
0x1ba: {  	s18 =	simm.s32 $0x1300;
	[sflag:s7] =	ssyncadd.s32 $0xFFFFFF80  }
0x1bb: {  	[spmem:s2] =	stream.indirect.scatter.add.f32 [tilespmem:s23], [sflag:$0x2], $0x1, s18, s22, $0xb8;
	[tilespmem:$0x1C00] =	vst v63  }
0x1bc: {  	_ =	swait.ge [sflag:s7], $0x80  }
0x1bd: {  	[sflag:s7] =	ssyncset.done $0x0  }
0x1be: {  	s19 =	simm.s32 $0x1380;
	[sflag:s7] =	ssyncadd.s32 $0xFFFFFF80  }
0x1bf: {  	[spmem:s2] =	stream.indirect.scatter.add.f32 [tilespmem:s23], [sflag:$0x2], $0x1, s19, s22, $0xb8;
	[tilespmem:$0x1C00] =	vst v63  }
0x1c0: {  	_ =	swait.ge [sflag:s7], $0x80  }
0x1c1: {  	[sflag:s7] =	ssyncset.done $0x0  }
0x1c2: {  	s20 =	simm.s32 $0x1400;
	[sflag:s7] =	ssyncadd.s32 $0xFFFFFF80  }
0x1c3: {  	[spmem:s2] =	stream.indirect.scatter.add.f32 [tilespmem:s23], [sflag:$0x2], $0x1, s20, s22, $0xb8;
	[tilespmem:$0x1C00] =	vst v63  }
0x1c4: {  	_ =	swait.ge [sflag:s7], $0x80  }
0x1c5: {  	[sflag:s7] =	ssyncset.done $0x0  }
0x1c6: {  	s24 =	simm.s32 $0x1480;
	[sflag:s7] =	ssyncadd.s32 $0xFFFFFF80  }
0x1c7: {  	[spmem:s2] =	stream.indirect.scatter.add.f32 [tilespmem:s23], [sflag:$0x2], $0x1, s24, s22, $0xb8;
	[tilespmem:$0x1C00] =	vst v63  }
0x1c8: {  	_ =	swait.ge [sflag:s7], $0x80  }
0x1c9: {  	[sflag:s7] =	ssyncset.done $0x0  }
0x1ca: {  	s25 =	simm.s32 $0x1500;
	[sflag:s7] =	ssyncadd.s32 $0xFFFFFF80  }
0x1cb: {  	[spmem:s2] =	stream.indirect.scatter.add.f32 [tilespmem:s23], [sflag:$0x2], $0x1, s25, s22, $0xb8;
	[tilespmem:$0x1C00] =	vst v63  }
0x1cc: {  	_ =	swait.ge [sflag:s7], $0x80  }
0x1cd: {  	[sflag:s7] =	ssyncset.done $0x0  }
0x1ce: {  	s28 =	simm.s32 $0x1580;
	[sflag:s7] =	ssyncadd.s32 $0xFFFFFF80  }
0x1cf: {  	[spmem:s2] =	stream.indirect.scatter.add.f32 [tilespmem:s23], [sflag:$0x2], $0x1, s28, s22, $0xb8;
	[tilespmem:$0x1C00] =	vst v63  }
0x1d0: {  	_ =	swait.ge [sflag:s7], $0x80  }
0x1d1: {  	[sflag:s7] =	ssyncset.done $0x0  }
0x1d2: {  	[sflag:s7] =	ssyncadd.s32 $0xFFFFFF80  }
0x1d3: {  	[spmem:s2] =	stream.indirect.scatter.add.f32 [tilespmem:s23], [sflag:$0x2], $0x1, s26, s22, $0xb8;
	[tilespmem:$0x1C00] =	vst v63  }
0x1d4: {  	_ =	swait.ge [sflag:s7], $0x80  }
0x1d5: {  	[sflag:s7] =	ssyncset.done $0x0  }
0x1d6: {  	[sflag:s7] =	ssyncadd.s32 $0xFFFFFF80  }
0x1d7: {  	s29 =	simm.s32 $0x1980;
	[bflag:$0x0] =	sbarrier.arrive $0xFFFF  }
0x1d8: {  	[tilespmem:s29], [sflag:$0x2] =	stream.linear.gather [spmem:s4], $0x280, $0x38;
	[tilespmem:$0x1C00] =	vst v63  }
0x1d9: {  	_ =	swait.ge [sflag:s7], $0x280  }
0x1da: {  	s26 =	sld [smem:$0x7FB]  }
0x1db: {  	[sflag:s7] =	ssyncset.done $0x0  }
0x1dc: {  	[sflag:s7] =	ssyncadd.s32 $0xFFFFFD80  }
0x1dd: {  	[hbm4b:s26+s3] =	stream.linear.scatter [tilespmem:s29], [sflag:$0x2], $0x280, $0x38;
	[tilespmem:$0x1C00] =	vst v63  }
0x1de: {  	_ =	swait.ge [sflag:s7], $0x280  }
0x1df: {  	[sflag:s7] =	ssyncset.done $0x0  }
0x1e0: {  	s25 =	simm.s32 $0x5000;
	[sflag:s7] =	ssyncadd.s32 $0xFFFFFD80  }
.LBB2_2:
0x1e1: {  	[bflag:$0x0] =	sbarrier.arrive $0xFFFF  }
0x1e2: {  	s29 =	sld [smem:$0x7FC];
	_ =	sdelay $0x2  }
0x1e3: {  	[spmem:s4] =	stream.linear.scatter [tilespmem:s29], [sflag:$0x2], $0x280, $0x38;
	[tilespmem:$0x1C00] =	vst v63  }
0x1e4: {  	_ =	swait.ge [sflag:s7], $0x280  }
0x1e5: {  	s28 =	smov.u32 s25;
	s29 =	rddreg [dreg:$0x4];
	[sflag:s7] =	ssyncset.done $0x0  }
0x1e6: {  	[sflag:s7] =	ssyncadd.s32 $0xFFFFFD80;
	s29 =	sadd.s32 s28, s29  }
0x1e7: {  	[tilespmem:s30], [sflag:$0x1] =	stream.linear.gather [hbm4b:s29+s3], $0x80, $0x38;
	[tilespmem:$0x1C00] =	vst v63  }
0x1e8: {  	s30 =	sadd.s32 $0x10, s29  }
0x1e9: {  	[tilespmem:s31], [sflag:$0x1] =	stream.linear.gather [hbm4b:s30+s3], $0x80, $0x38;
	[tilespmem:$0x1C00] =	vst v63  }
0x1ea: {  	s0 =	simm.s32 $0x380;
	s30 =	sadd.s32 $0x20, s29  }
0x1eb: {  	[tilespmem:s0], [sflag:$0x1] =	stream.linear.gather [hbm4b:s30+s3], $0x80, $0x38;
	[tilespmem:$0x1C00] =	vst v63  }
0x1ec: {  	s0 =	simm.s32 $0x400;
	s30 =	sadd.s32 $0x30, s29  }
0x1ed: {  	[tilespmem:s0], [sflag:$0x1] =	stream.linear.gather [hbm4b:s30+s3], $0x80, $0x38;
	[tilespmem:$0x1C00] =	vst v63  }
0x1ee: {  	s1 =	simm.s32 $0x480;
	s30 =	sadd.s32 $0x40, s29  }
0x1ef: {  	[tilespmem:s1], [sflag:$0x1] =	stream.linear.gather [hbm4b:s30+s3], $0x80, $0x38;
	[tilespmem:$0x1C00] =	vst v63  }
0x1f0: {  	s1 =	simm.s32 $0x500;
	s30 =	sadd.s32 $0x50, s29  }
0x1f1: {  	[tilespmem:s1], [sflag:$0x1] =	stream.linear.gather [hbm4b:s30+s3], $0x80, $0x38;
	[tilespmem:$0x1C00] =	vst v63  }
0x1f2: {  	s9 =	simm.s32 $0x580;
	s31 =	sld [smem:$0x7FA];
	s30 =	sadd.s32 $0x60, s29  }
0x1f3: {  	[tilespmem:s9], [sflag:$0x1] =	stream.linear.gather [hbm4b:s30+s3], $0x80, $0x38;
	[tilespmem:$0x1C00] =	vst v63  }
0x1f4: {  	s10 =	simm.s32 $0x600;
	s29 =	sadd.s32 $0x70, s29;
	s30 =	sld [smem:$0x7F9]  }
0x1f5: {  	[tilespmem:s10], [sflag:$0x1] =	stream.linear.gather [hbm4b:s29+s3], $0x80, $0x38;
	[tilespmem:$0x1C00] =	vst v63  }
0x1f6: {  	s11 =	simm.s32 $0x680;
	s29 =	sadd.s32 s28, s31;
	s31 =	sld [smem:$0x7F8]  }
0x1f7: {  	[tilespmem:s11], [sflag:$0x1] =	stream.linear.gather [hbm4b:s29+s3], $0x80, $0x38;
	[tilespmem:$0x1C00] =	vst v63  }
0x1f8: {  	s12 =	simm.s32 $0x700;
	s29 =	sadd.s32 s28, s30;
	s30 =	sld [smem:$0x7F7]  }
0x1f9: {  	[tilespmem:s12], [sflag:$0x1] =	stream.linear.gather [hbm4b:s29+s3], $0x80, $0x38;
	[tilespmem:$0x1C00] =	vst v63  }
0x1fa: {  	s13 =	simm.s32 $0x780;
	s29 =	sadd.s32 s28, s31;
	s31 =	sld [smem:$0x7F6]  }
0x1fb: {  	[tilespmem:s13], [sflag:$0x1] =	stream.linear.gather [hbm4b:s29+s3], $0x80, $0x38;
	[tilespmem:$0x1C00] =	vst v63  }
0x1fc: {  	s14 =	simm.s32 $0x800;
	s29 =	sadd.s32 s28, s30  }
0x1fd: {  	[tilespmem:s14], [sflag:$0x1] =	stream.linear.gather [hbm4b:s29+s3], $0x80, $0x38;
	[tilespmem:$0x1C00] =	vst v63  }
0x1fe: {  	s15 =	simm.s32 $0x880;
	s30 =	rddreg [dreg:$0x1f];
	s29 =	sadd.s32 s28, s31  }
0x1ff: {  	[tilespmem:s15], [sflag:$0x1] =	stream.linear.gather [hbm4b:s29+s3], $0x80, $0x38;
	[tilespmem:$0x1C00] =	vst v63  }
0x200: {  	s16 =	simm.s32 $0x900;
	s31 =	rddreg [dreg:$0x1e];
	s29 =	sadd.s32 s28, s30  }
0x201: {  	[tilespmem:s16], [sflag:$0x1] =	stream.linear.gather [hbm4b:s29+s3], $0x80, $0x38;
	[tilespmem:$0x1C00] =	vst v63  }
0x202: {  	s17 =	simm.s32 $0x980;
	s30 =	rddreg [dreg:$0x1d];
	s29 =	sadd.s32 s28, s31  }
0x203: {  	[tilespmem:s17], [sflag:$0x1] =	stream.linear.gather [hbm4b:s29+s3], $0x80, $0x38;
	[tilespmem:$0x1C00] =	vst v63  }
0x204: {  	s18 =	simm.s32 $0xA00;
	s31 =	rddreg [dreg:$0x1c];
	s29 =	sadd.s32 s28, s30  }
0x205: {  	[tilespmem:s18], [sflag:$0x1] =	stream.linear.gather [hbm4b:s29+s3], $0x80, $0x38;
	[tilespmem:$0x1C00] =	vst v63  }
0x206: {  	s19 =	simm.s32 $0xA80;
	s30 =	rddreg [dreg:$0x1b];
	s29 =	sadd.s32 s28, s31  }
0x207: {  	[tilespmem:s19], [sflag:$0x1] =	stream.linear.gather [hbm4b:s29+s3], $0x80, $0x38;
	[tilespmem:$0x1C00] =	vst v63  }
0x208: {  	s20 =	simm.s32 $0xB00;
	s31 =	rddreg [dreg:$0x1a];
	s29 =	sadd.s32 s28, s30  }
0x209: {  	[tilespmem:s20], [sflag:$0x1] =	stream.linear.gather [hbm4b:s29+s3], $0x80, $0x38;
	[tilespmem:$0x1C00] =	vst v63  }
0x20a: {  	s24 =	simm.s32 $0xB80;
	s30 =	rddreg [dreg:$0x19];
	s29 =	sadd.s32 s28, s31  }
0x20b: {  	[tilespmem:s24], [sflag:$0x1] =	stream.linear.gather [hbm4b:s29+s3], $0x80, $0x38;
	[tilespmem:$0x1C00] =	vst v63  }
0x20c: {  	s5 =	simm.s32 $0xC00;
	s31 =	rddreg [dreg:$0x18];
	s29 =	sadd.s32 s28, s30  }
0x20d: {  	[tilespmem:s5], [sflag:$0x1] =	stream.linear.gather [hbm4b:s29+s3], $0x80, $0x38;
	[tilespmem:$0x1C00] =	vst v63  }
0x20e: {  	s6 =	simm.s32 $0xC80;
	s30 =	rddreg [dreg:$0x17];
	s29 =	sadd.s32 s28, s31  }
0x20f: {  	[tilespmem:s6], [sflag:$0x1] =	stream.linear.gather [hbm4b:s29+s3], $0x80, $0x38;
	[tilespmem:$0x1C00] =	vst v63  }
0x210: {  	s8 =	simm.s32 $0xD00;
	s31 =	rddreg [dreg:$0x16];
	s29 =	sadd.s32 s28, s30  }
0x211: {  	[tilespmem:s8], [sflag:$0x1] =	stream.linear.gather [hbm4b:s29+s3], $0x80, $0x38;
	[tilespmem:$0x1C00] =	vst v63  }
0x212: {  	s4 =	simm.s32 $0xD80;
	s30 =	rddreg [dreg:$0x15];
	s29 =	sadd.s32 s28, s31  }
0x213: {  	[tilespmem:s4], [sflag:$0x1] =	stream.linear.gather [hbm4b:s29+s3], $0x80, $0x38;
	[tilespmem:$0x1C00] =	vst v63  }
0x214: {  	s31 =	rddreg [dreg:$0x14];
	s29 =	sadd.s32 s28, s30;
	s4 =	simm.s32 $0xE00  }
0x215: {  	[tilespmem:s4], [sflag:$0x1] =	stream.linear.gather [hbm4b:s29+s3], $0x80, $0x38;
	[tilespmem:$0x1C00] =	vst v63  }
0x216: {  	s30 =	rddreg [dreg:$0x13];
	s29 =	sadd.s32 s28, s31;
	s4 =	simm.s32 $0xE80  }
0x217: {  	[tilespmem:s4], [sflag:$0x1] =	stream.linear.gather [hbm4b:s29+s3], $0x80, $0x38;
	[tilespmem:$0x1C00] =	vst v63  }
0x218: {  	s31 =	rddreg [dreg:$0x12];
	s29 =	sadd.s32 s28, s30;
	s4 =	simm.s32 $0xF00  }
0x219: {  	[tilespmem:s4], [sflag:$0x1] =	stream.linear.gather [hbm4b:s29+s3], $0x80, $0x38;
	[tilespmem:$0x1C00] =	vst v63  }
0x21a: {  	s30 =	rddreg [dreg:$0x11];
	s29 =	sadd.s32 s28, s31;
	s4 =	simm.s32 $0xF80  }
0x21b: {  	[tilespmem:s4], [sflag:$0x1] =	stream.linear.gather [hbm4b:s29+s3], $0x80, $0x38;
	[tilespmem:$0x1C00] =	vst v63  }
0x21c: {  	s31 =	rddreg [dreg:$0x10];
	s29 =	sadd.s32 s28, s30;
	s4 =	simm.s32 $0x1000  }
0x21d: {  	[tilespmem:s4], [sflag:$0x1] =	stream.linear.gather [hbm4b:s29+s3], $0x80, $0x38;
	[tilespmem:$0x1C00] =	vst v63  }
0x21e: {  	s30 =	rddreg [dreg:$0xf];
	s29 =	sadd.s32 s28, s31;
	s4 =	simm.s32 $0x1080  }
0x21f: {  	[tilespmem:s4], [sflag:$0x1] =	stream.linear.gather [hbm4b:s29+s3], $0x80, $0x38;
	[tilespmem:$0x1C00] =	vst v63  }
0x220: {  	s31 =	rddreg [dreg:$0xe];
	s29 =	sadd.s32 s28, s30;
	s4 =	simm.s32 $0x1100  }
0x221: {  	[tilespmem:s4], [sflag:$0x1] =	stream.linear.gather [hbm4b:s29+s3], $0x80, $0x38;
	[tilespmem:$0x1C00] =	vst v63  }
0x222: {  	s30 =	rddreg [dreg:$0xd];
	s29 =	sadd.s32 s28, s31;
	s4 =	simm.s32 $0x1180  }
0x223: {  	[tilespmem:s4], [sflag:$0x1] =	stream.linear.gather [hbm4b:s29+s3], $0x80, $0x38;
	[tilespmem:$0x1C00] =	vst v63  }
0x224: {  	s31 =	rddreg [dreg:$0xc];
	s29 =	sadd.s32 s28, s30;
	s4 =	simm.s32 $0x1200  }
0x225: {  	[tilespmem:s4], [sflag:$0x1] =	stream.linear.gather [hbm4b:s29+s3], $0x80, $0x38;
	[tilespmem:$0x1C00] =	vst v63  }
0x226: {  	s30 =	rddreg [dreg:$0xb];
	s29 =	sadd.s32 s28, s31;
	s4 =	simm.s32 $0x1280  }
0x227: {  	[tilespmem:s4], [sflag:$0x1] =	stream.linear.gather [hbm4b:s29+s3], $0x80, $0x38;
	[tilespmem:$0x1C00] =	vst v63  }
0x228: {  	s31 =	rddreg [dreg:$0xa];
	s29 =	sadd.s32 s28, s30;
	s4 =	simm.s32 $0x1300  }
0x229: {  	[tilespmem:s4], [sflag:$0x1] =	stream.linear.gather [hbm4b:s29+s3], $0x80, $0x38;
	[tilespmem:$0x1C00] =	vst v63  }
0x22a: {  	s30 =	rddreg [dreg:$0x9];
	s29 =	sadd.s32 s28, s31;
	s4 =	simm.s32 $0x1380  }
0x22b: {  	[tilespmem:s4], [sflag:$0x1] =	stream.linear.gather [hbm4b:s29+s3], $0x80, $0x38;
	[tilespmem:$0x1C00] =	vst v63  }
0x22c: {  	s31 =	rddreg [dreg:$0x8];
	s29 =	sadd.s32 s28, s30;
	s4 =	simm.s32 $0x1400  }
0x22d: {  	[tilespmem:s4], [sflag:$0x1] =	stream.linear.gather [hbm4b:s29+s3], $0x80, $0x38;
	[tilespmem:$0x1C00] =	vst v63  }
0x22e: {  	s30 =	rddreg [dreg:$0x7];
	s29 =	sadd.s32 s28, s31;
	s4 =	simm.s32 $0x1480  }
0x22f: {  	[tilespmem:s4], [sflag:$0x1] =	stream.linear.gather [hbm4b:s29+s3], $0x80, $0x38;
	[tilespmem:$0x1C00] =	vst v63  }
0x230: {  	s31 =	rddreg [dreg:$0x6];
	s29 =	sadd.s32 s28, s30;
	s4 =	simm.s32 $0x1500  }
0x231: {  	[tilespmem:s4], [sflag:$0x1] =	stream.linear.gather [hbm4b:s29+s3], $0x80, $0x38;
	[tilespmem:$0x1C00] =	vst v63  }
0x232: {  	s30 =	rddreg [dreg:$0x5];
	s29 =	sadd.s32 s28, s31;
	s4 =	simm.s32 $0x1580  }
0x233: {  	[tilespmem:s4], [sflag:$0x1] =	stream.linear.gather [hbm4b:s29+s3], $0x80, $0x38;
	[tilespmem:$0x1C00] =	vst v63  }
0x234: {  	s28 =	sadd.s32 s28, s30;
	s4 =	simm.s32 $0x1600  }
0x235: {  	[tilespmem:s4], [sflag:$0x1] =	stream.linear.gather [hbm4b:s28+s3], $0x80, $0x38;
	[tilespmem:$0x1C00] =	vst v63  }
0x236: {  	_ =	swait.ge [sflag:s21], $0x80  }
0x237: {  	[sflag:s21] =	ssyncset.done $0x0  }
0x238: {  	[sflag:s21] =	ssyncadd.s32 $0xFFFFFF80  }
0x239: {  	_ =	swait.ge [sflag:s21], $0x80  }
0x23a: {  	[sflag:s21] =	ssyncset.done $0x0  }
0x23b: {  	[sflag:s21] =	ssyncadd.s32 $0xFFFFFF80  }
0x23c: {  	_ =	swait.ge [sflag:s21], $0x80  }
0x23d: {  	[sflag:s21] =	ssyncset.done $0x0  }
0x23e: {  	[sflag:s21] =	ssyncadd.s32 $0xFFFFFF80  }
0x23f: {  	_ =	swait.ge [sflag:s21], $0x80  }
0x240: {  	[sflag:s21] =	ssyncset.done $0x0  }
0x241: {  	[sflag:s21] =	ssyncadd.s32 $0xFFFFFF80  }
0x242: {  	_ =	swait.ge [sflag:s21], $0x80  }
0x243: {  	[sflag:s21] =	ssyncset.done $0x0  }
0x244: {  	[sflag:s21] =	ssyncadd.s32 $0xFFFFFF80  }
0x245: {  	_ =	swait.ge [sflag:s21], $0x80  }
0x246: {  	[sflag:s21] =	ssyncset.done $0x0  }
0x247: {  	[sflag:s21] =	ssyncadd.s32 $0xFFFFFF80  }
0x248: {  	_ =	swait.ge [sflag:s21], $0x80  }
0x249: {  	[sflag:s21] =	ssyncset.done $0x0  }
0x24a: {  	[sflag:s21] =	ssyncadd.s32 $0xFFFFFF80  }
0x24b: {  	_ =	swait.ge [sflag:s21], $0x80  }
0x24c: {  	[sflag:s21] =	ssyncset.done $0x0  }
0x24d: {  	[sflag:s21] =	ssyncadd.s32 $0xFFFFFF80  }
0x24e: {  	_ =	swait.ge [sflag:s21], $0x80  }
0x24f: {  	[sflag:s21] =	ssyncset.done $0x0  }
0x250: {  	[sflag:s21] =	ssyncadd.s32 $0xFFFFFF80  }
0x251: {  	_ =	swait.ge [sflag:s21], $0x80  }
0x252: {  	[sflag:s21] =	ssyncset.done $0x0  }
0x253: {  	[sflag:s21] =	ssyncadd.s32 $0xFFFFFF80  }
0x254: {  	_ =	swait.ge [sflag:s21], $0x80  }
0x255: {  	[sflag:s21] =	ssyncset.done $0x0  }
0x256: {  	[sflag:s21] =	ssyncadd.s32 $0xFFFFFF80  }
0x257: {  	_ =	swait.ge [sflag:s21], $0x80  }
0x258: {  	[sflag:s21] =	ssyncset.done $0x0  }
0x259: {  	[sflag:s21] =	ssyncadd.s32 $0xFFFFFF80  }
0x25a: {  	_ =	swait.ge [sflag:s21], $0x80  }
0x25b: {  	[sflag:s21] =	ssyncset.done $0x0  }
0x25c: {  	[sflag:s21] =	ssyncadd.s32 $0xFFFFFF80  }
0x25d: {  	_ =	swait.ge [sflag:s21], $0x80  }
0x25e: {  	[sflag:s21] =	ssyncset.done $0x0  }
0x25f: {  	[sflag:s21] =	ssyncadd.s32 $0xFFFFFF80  }
0x260: {  	_ =	swait.ge [sflag:s21], $0x80  }
0x261: {  	[sflag:s21] =	ssyncset.done $0x0  }
0x262: {  	[sflag:s21] =	ssyncadd.s32 $0xFFFFFF80  }
0x263: {  	_ =	swait.ge [sflag:s21], $0x80  }
0x264: {  	[sflag:s21] =	ssyncset.done $0x0  }
0x265: {  	[sflag:s21] =	ssyncadd.s32 $0xFFFFFF80  }
0x266: {  	_ =	swait.ge [sflag:s21], $0x80  }
0x267: {  	[sflag:s21] =	ssyncset.done $0x0  }
0x268: {  	[sflag:s21] =	ssyncadd.s32 $0xFFFFFF80  }
0x269: {  	_ =	swait.ge [sflag:s21], $0x80  }
0x26a: {  	[sflag:s21] =	ssyncset.done $0x0  }
0x26b: {  	[sflag:s21] =	ssyncadd.s32 $0xFFFFFF80  }
0x26c: {  	_ =	swait.ge [sflag:s21], $0x80  }
0x26d: {  	[sflag:s21] =	ssyncset.done $0x0  }
0x26e: {  	[sflag:s21] =	ssyncadd.s32 $0xFFFFFF80  }
0x26f: {  	_ =	swait.ge [sflag:s21], $0x80  }
0x270: {  	[sflag:s21] =	ssyncset.done $0x0  }
0x271: {  	[sflag:s21] =	ssyncadd.s32 $0xFFFFFF80  }
0x272: {  	_ =	swait.ge [sflag:s21], $0x80  }
0x273: {  	[sflag:s21] =	ssyncset.done $0x0  }
0x274: {  	[sflag:s21] =	ssyncadd.s32 $0xFFFFFF80  }
0x275: {  	_ =	swait.ge [sflag:s21], $0x80  }
0x276: {  	[sflag:s21] =	ssyncset.done $0x0  }
0x277: {  	[sflag:s21] =	ssyncadd.s32 $0xFFFFFF80  }
0x278: {  	_ =	swait.ge [sflag:s21], $0x80  }
0x279: {  	[sflag:s21] =	ssyncset.done $0x0  }
0x27a: {  	[sflag:s21] =	ssyncadd.s32 $0xFFFFFF80  }
0x27b: {  	_ =	swait.ge [sflag:s21], $0x80  }
0x27c: {  	[sflag:s21] =	ssyncset.done $0x0  }
0x27d: {  	[sflag:s21] =	ssyncadd.s32 $0xFFFFFF80  }
0x27e: {  	_ =	swait.ge [sflag:s21], $0x80  }
0x27f: {  	[sflag:s21] =	ssyncset.done $0x0  }
0x280: {  	[sflag:s21] =	ssyncadd.s32 $0xFFFFFF80  }
0x281: {  	_ =	swait.ge [sflag:s21], $0x80  }
0x282: {  	[sflag:s21] =	ssyncset.done $0x0  }
0x283: {  	[sflag:s21] =	ssyncadd.s32 $0xFFFFFF80  }
0x284: {  	_ =	swait.ge [sflag:s21], $0x80  }
0x285: {  	[sflag:s21] =	ssyncset.done $0x0  }
0x286: {  	[sflag:s21] =	ssyncadd.s32 $0xFFFFFF80  }
0x287: {  	_ =	swait.ge [sflag:s21], $0x80  }
0x288: {  	[sflag:s21] =	ssyncset.done $0x0  }
0x289: {  	[sflag:s21] =	ssyncadd.s32 $0xFFFFFF80  }
0x28a: {  	_ =	swait.ge [sflag:s21], $0x80  }
0x28b: {  	[sflag:s21] =	ssyncset.done $0x0  }
0x28c: {  	[sflag:s21] =	ssyncadd.s32 $0xFFFFFF80  }
0x28d: {  	_ =	swait.ge [sflag:s21], $0x80  }
0x28e: {  	[sflag:s21] =	ssyncset.done $0x0  }
0x28f: {  	[sflag:s21] =	ssyncadd.s32 $0xFFFFFF80  }
0x290: {  	_ =	swait.ge [sflag:s21], $0x80  }
0x291: {  	[sflag:s21] =	ssyncset.done $0x0  }
0x292: {  	[sflag:s21] =	ssyncadd.s32 $0xFFFFFF80  }
0x293: {  	_ =	swait.ge [sflag:s21], $0x80  }
0x294: {  	[sflag:s21] =	ssyncset.done $0x0  }
0x295: {  	[sflag:s21] =	ssyncadd.s32 $0xFFFFFF80  }
0x296: {  	_ =	swait.ge [sflag:s21], $0x80  }
0x297: {  	[sflag:s21] =	ssyncset.done $0x0  }
0x298: {  	[sflag:s21] =	ssyncadd.s32 $0xFFFFFF80  }
0x299: {  	_ =	swait.ge [sflag:s21], $0x80  }
0x29a: {  	[sflag:s21] =	ssyncset.done $0x0  }
0x29b: {  	[sflag:s21] =	ssyncadd.s32 $0xFFFFFF80  }
0x29c: {  	_ =	swait.ge [sflag:s21], $0x80  }
0x29d: {  	[sflag:s21] =	ssyncset.done $0x0  }
0x29e: {  	[sflag:s21] =	ssyncadd.s32 $0xFFFFFF80  }
0x29f: {  	_ =	swait.ge [sflag:s21], $0x80  }
0x2a0: {  	[sflag:s21] =	ssyncset.done $0x0  }
0x2a1: {  	[sflag:s21] =	ssyncadd.s32 $0xFFFFFF80  }
0x2a2: {  	_ =	swait.ge [sflag:s21], $0x80  }
0x2a3: {  	[sflag:s21] =	ssyncset.done $0x0  }
0x2a4: {  	[sflag:s21] =	ssyncadd.s32 $0xFFFFFF80  }
0x2a5: {  	_ =	swait.ge [sflag:s21], $0x80  }
0x2a6: {  	[sflag:s21] =	ssyncset.done $0x0  }
0x2a7: {  	[sflag:s21] =	ssyncadd.s32 $0xFFFFFF80  }
0x2a8: {  	_ =	swait.ge [sflag:s21], $0x80  }
0x2a9: {  	[sflag:s21] =	ssyncset.done $0x0  }
0x2aa: {  	[sflag:s21] =	ssyncadd.s32 $0xFFFFFF80  }
0x2ab: {  	_ =	swait.ge [sflag:s21], $0x80  }
0x2ac: {  	[sflag:s21] =	ssyncset.done $0x0  }
0x2ad: {  	[sflag:s21] =	ssyncadd.s32 $0xFFFFFF80  }
0x2ae: {  	s30 =	simm.s32 $0x280;
	[bflag:$0x0] =	sbarrier.arrive $0xFFFF  }
0x2af: {  	[spmem:s2] =	stream.indirect.scatter.add.f32 [tilespmem:s23], [sflag:$0x2], $0x1, s30, s22, $0xb8;
	[tilespmem:$0x1C00] =	vst v63  }
0x2b0: {  	_ =	swait.ge [sflag:s7], $0x80  }
0x2b1: {  	[sflag:s7] =	ssyncset.done $0x0  }
0x2b2: {  	s31 =	simm.s32 $0x300;
	[sflag:s7] =	ssyncadd.s32 $0xFFFFFF80  }
0x2b3: {  	[spmem:s2] =	stream.indirect.scatter.add.f32 [tilespmem:s23], [sflag:$0x2], $0x1, s31, s22, $0xb8;
	[tilespmem:$0x1C00] =	vst v63  }
0x2b4: {  	_ =	swait.ge [sflag:s7], $0x80  }
0x2b5: {  	[sflag:s7] =	ssyncset.done $0x0  }
0x2b6: {  	s28 =	simm.s32 $0x380;
	[sflag:s7] =	ssyncadd.s32 $0xFFFFFF80  }
0x2b7: {  	[spmem:s2] =	stream.indirect.scatter.add.f32 [tilespmem:s23], [sflag:$0x2], $0x1, s28, s22, $0xb8;
	[tilespmem:$0x1C00] =	vst v63  }
0x2b8: {  	_ =	swait.ge [sflag:s7], $0x80  }
0x2b9: {  	[sflag:s7] =	ssyncset.done $0x0  }
0x2ba: {  	[sflag:s7] =	ssyncadd.s32 $0xFFFFFF80  }
0x2bb: {  	[spmem:s2] =	stream.indirect.scatter.add.f32 [tilespmem:s23], [sflag:$0x2], $0x1, s0, s22, $0xb8;
	[tilespmem:$0x1C00] =	vst v63  }
0x2bc: {  	_ =	swait.ge [sflag:s7], $0x80  }
0x2bd: {  	[sflag:s7] =	ssyncset.done $0x0  }
0x2be: {  	s29 =	simm.s32 $0x480;
	[sflag:s7] =	ssyncadd.s32 $0xFFFFFF80  }
0x2bf: {  	[spmem:s2] =	stream.indirect.scatter.add.f32 [tilespmem:s23], [sflag:$0x2], $0x1, s29, s22, $0xb8;
	[tilespmem:$0x1C00] =	vst v63  }
0x2c0: {  	_ =	swait.ge [sflag:s7], $0x80  }
0x2c1: {  	[sflag:s7] =	ssyncset.done $0x0  }
0x2c2: {  	[sflag:s7] =	ssyncadd.s32 $0xFFFFFF80  }
0x2c3: {  	[spmem:s2] =	stream.indirect.scatter.add.f32 [tilespmem:s23], [sflag:$0x2], $0x1, s1, s22, $0xb8;
	[tilespmem:$0x1C00] =	vst v63  }
0x2c4: {  	_ =	swait.ge [sflag:s7], $0x80  }
0x2c5: {  	[sflag:s7] =	ssyncset.done $0x0  }
0x2c6: {  	[sflag:s7] =	ssyncadd.s32 $0xFFFFFF80  }
0x2c7: {  	[spmem:s2] =	stream.indirect.scatter.add.f32 [tilespmem:s23], [sflag:$0x2], $0x1, s9, s22, $0xb8;
	[tilespmem:$0x1C00] =	vst v63  }
0x2c8: {  	_ =	swait.ge [sflag:s7], $0x80  }
0x2c9: {  	[sflag:s7] =	ssyncset.done $0x0  }
0x2ca: {  	[sflag:s7] =	ssyncadd.s32 $0xFFFFFF80  }
0x2cb: {  	[spmem:s2] =	stream.indirect.scatter.add.f32 [tilespmem:s23], [sflag:$0x2], $0x1, s10, s22, $0xb8;
	[tilespmem:$0x1C00] =	vst v63  }
0x2cc: {  	_ =	swait.ge [sflag:s7], $0x80  }
0x2cd: {  	[sflag:s7] =	ssyncset.done $0x0  }
0x2ce: {  	[sflag:s7] =	ssyncadd.s32 $0xFFFFFF80  }
0x2cf: {  	[spmem:s2] =	stream.indirect.scatter.add.f32 [tilespmem:s23], [sflag:$0x2], $0x1, s11, s22, $0xb8;
	[tilespmem:$0x1C00] =	vst v63  }
0x2d0: {  	_ =	swait.ge [sflag:s7], $0x80  }
0x2d1: {  	[sflag:s7] =	ssyncset.done $0x0  }
0x2d2: {  	[sflag:s7] =	ssyncadd.s32 $0xFFFFFF80  }
0x2d3: {  	[spmem:s2] =	stream.indirect.scatter.add.f32 [tilespmem:s23], [sflag:$0x2], $0x1, s12, s22, $0xb8;
	[tilespmem:$0x1C00] =	vst v63  }
0x2d4: {  	_ =	swait.ge [sflag:s7], $0x80  }
0x2d5: {  	[sflag:s7] =	ssyncset.done $0x0  }
0x2d6: {  	[sflag:s7] =	ssyncadd.s32 $0xFFFFFF80  }
0x2d7: {  	[spmem:s2] =	stream.indirect.scatter.add.f32 [tilespmem:s23], [sflag:$0x2], $0x1, s13, s22, $0xb8;
	[tilespmem:$0x1C00] =	vst v63  }
0x2d8: {  	_ =	swait.ge [sflag:s7], $0x80  }
0x2d9: {  	[sflag:s7] =	ssyncset.done $0x0  }
0x2da: {  	[sflag:s7] =	ssyncadd.s32 $0xFFFFFF80  }
0x2db: {  	[spmem:s2] =	stream.indirect.scatter.add.f32 [tilespmem:s23], [sflag:$0x2], $0x1, s14, s22, $0xb8;
	[tilespmem:$0x1C00] =	vst v63  }
0x2dc: {  	_ =	swait.ge [sflag:s7], $0x80  }
0x2dd: {  	[sflag:s7] =	ssyncset.done $0x0  }
0x2de: {  	[sflag:s7] =	ssyncadd.s32 $0xFFFFFF80  }
0x2df: {  	[spmem:s2] =	stream.indirect.scatter.add.f32 [tilespmem:s23], [sflag:$0x2], $0x1, s15, s22, $0xb8;
	[tilespmem:$0x1C00] =	vst v63  }
0x2e0: {  	_ =	swait.ge [sflag:s7], $0x80  }
0x2e1: {  	[sflag:s7] =	ssyncset.done $0x0  }
0x2e2: {  	[sflag:s7] =	ssyncadd.s32 $0xFFFFFF80  }
0x2e3: {  	[spmem:s2] =	stream.indirect.scatter.add.f32 [tilespmem:s23], [sflag:$0x2], $0x1, s16, s22, $0xb8;
	[tilespmem:$0x1C00] =	vst v63  }
0x2e4: {  	_ =	swait.ge [sflag:s7], $0x80  }
0x2e5: {  	[sflag:s7] =	ssyncset.done $0x0  }
0x2e6: {  	[sflag:s7] =	ssyncadd.s32 $0xFFFFFF80  }
0x2e7: {  	[spmem:s2] =	stream.indirect.scatter.add.f32 [tilespmem:s23], [sflag:$0x2], $0x1, s17, s22, $0xb8;
	[tilespmem:$0x1C00] =	vst v63  }
0x2e8: {  	_ =	swait.ge [sflag:s7], $0x80  }
0x2e9: {  	[sflag:s7] =	ssyncset.done $0x0  }
0x2ea: {  	[sflag:s7] =	ssyncadd.s32 $0xFFFFFF80  }
0x2eb: {  	[spmem:s2] =	stream.indirect.scatter.add.f32 [tilespmem:s23], [sflag:$0x2], $0x1, s18, s22, $0xb8;
	[tilespmem:$0x1C00] =	vst v63  }
0x2ec: {  	_ =	swait.ge [sflag:s7], $0x80  }
0x2ed: {  	[sflag:s7] =	ssyncset.done $0x0  }
0x2ee: {  	[sflag:s7] =	ssyncadd.s32 $0xFFFFFF80  }
0x2ef: {  	[spmem:s2] =	stream.indirect.scatter.add.f32 [tilespmem:s23], [sflag:$0x2], $0x1, s19, s22, $0xb8;
	[tilespmem:$0x1C00] =	vst v63  }
0x2f0: {  	_ =	swait.ge [sflag:s7], $0x80  }
0x2f1: {  	[sflag:s7] =	ssyncset.done $0x0  }
0x2f2: {  	[sflag:s7] =	ssyncadd.s32 $0xFFFFFF80  }
0x2f3: {  	[spmem:s2] =	stream.indirect.scatter.add.f32 [tilespmem:s23], [sflag:$0x2], $0x1, s20, s22, $0xb8;
	[tilespmem:$0x1C00] =	vst v63  }
0x2f4: {  	_ =	swait.ge [sflag:s7], $0x80  }
0x2f5: {  	[sflag:s7] =	ssyncset.done $0x0  }
0x2f6: {  	[sflag:s7] =	ssyncadd.s32 $0xFFFFFF80  }
0x2f7: {  	[spmem:s2] =	stream.indirect.scatter.add.f32 [tilespmem:s23], [sflag:$0x2], $0x1, s24, s22, $0xb8;
	[tilespmem:$0x1C00] =	vst v63  }
0x2f8: {  	_ =	swait.ge [sflag:s7], $0x80  }
0x2f9: {  	[sflag:s7] =	ssyncset.done $0x0  }
0x2fa: {  	[sflag:s7] =	ssyncadd.s32 $0xFFFFFF80  }
0x2fb: {  	[spmem:s2] =	stream.indirect.scatter.add.f32 [tilespmem:s23], [sflag:$0x2], $0x1, s5, s22, $0xb8;
	[tilespmem:$0x1C00] =	vst v63  }
0x2fc: {  	_ =	swait.ge [sflag:s7], $0x80  }
0x2fd: {  	[sflag:s7] =	ssyncset.done $0x0  }
0x2fe: {  	[sflag:s7] =	ssyncadd.s32 $0xFFFFFF80  }
0x2ff: {  	[spmem:s2] =	stream.indirect.scatter.add.f32 [tilespmem:s23], [sflag:$0x2], $0x1, s6, s22, $0xb8;
	[tilespmem:$0x1C00] =	vst v63  }
0x300: {  	_ =	swait.ge [sflag:s7], $0x80  }
0x301: {  	[sflag:s7] =	ssyncset.done $0x0  }
0x302: {  	[sflag:s7] =	ssyncadd.s32 $0xFFFFFF80  }
0x303: {  	[spmem:s2] =	stream.indirect.scatter.add.f32 [tilespmem:s23], [sflag:$0x2], $0x1, s8, s22, $0xb8;
	[tilespmem:$0x1C00] =	vst v63  }
0x304: {  	_ =	swait.ge [sflag:s7], $0x80  }
0x305: {  	[sflag:s7] =	ssyncset.done $0x0  }
0x306: {  	s18 =	simm.s32 $0xD80;
	[sflag:s7] =	ssyncadd.s32 $0xFFFFFF80  }
0x307: {  	[spmem:s2] =	stream.indirect.scatter.add.f32 [tilespmem:s23], [sflag:$0x2], $0x1, s18, s22, $0xb8;
	[tilespmem:$0x1C00] =	vst v63  }
0x308: {  	s4 =	sld [smem:$0x7FD];
	_ =	swait.ge [sflag:s7], $0x80  }
0x309: {  	[sflag:s7] =	ssyncset.done $0x0  }
0x30a: {  	s19 =	simm.s32 $0xE00;
	[sflag:s7] =	ssyncadd.s32 $0xFFFFFF80  }
0x30b: {  	[spmem:s2] =	stream.indirect.scatter.add.f32 [tilespmem:s23], [sflag:$0x2], $0x1, s19, s22, $0xb8;
	[tilespmem:$0x1C00] =	vst v63  }
0x30c: {  	_ =	swait.ge [sflag:s7], $0x80  }
0x30d: {  	[sflag:s7] =	ssyncset.done $0x0  }
0x30e: {  	s20 =	simm.s32 $0xE80;
	[sflag:s7] =	ssyncadd.s32 $0xFFFFFF80  }
0x30f: {  	[spmem:s2] =	stream.indirect.scatter.add.f32 [tilespmem:s23], [sflag:$0x2], $0x1, s20, s22, $0xb8;
	[tilespmem:$0x1C00] =	vst v63  }
0x310: {  	_ =	swait.ge [sflag:s7], $0x80  }
0x311: {  	[sflag:s7] =	ssyncset.done $0x0  }
0x312: {  	s24 =	simm.s32 $0xF00;
	[sflag:s7] =	ssyncadd.s32 $0xFFFFFF80  }
0x313: {  	[spmem:s2] =	stream.indirect.scatter.add.f32 [tilespmem:s23], [sflag:$0x2], $0x1, s24, s22, $0xb8;
	[tilespmem:$0x1C00] =	vst v63  }
0x314: {  	_ =	swait.ge [sflag:s7], $0x80  }
0x315: {  	[sflag:s7] =	ssyncset.done $0x0  }
0x316: {  	s6 =	simm.s32 $0xF80;
	[sflag:s7] =	ssyncadd.s32 $0xFFFFFF80  }
0x317: {  	[spmem:s2] =	stream.indirect.scatter.add.f32 [tilespmem:s23], [sflag:$0x2], $0x1, s6, s22, $0xb8;
	[tilespmem:$0x1C00] =	vst v63  }
0x318: {  	_ =	swait.ge [sflag:s7], $0x80  }
0x319: {  	[sflag:s7] =	ssyncset.done $0x0  }
0x31a: {  	s8 =	simm.s32 $0x1000;
	[sflag:s7] =	ssyncadd.s32 $0xFFFFFF80  }
0x31b: {  	[spmem:s2] =	stream.indirect.scatter.add.f32 [tilespmem:s23], [sflag:$0x2], $0x1, s8, s22, $0xb8;
	[tilespmem:$0x1C00] =	vst v63  }
0x31c: {  	_ =	swait.ge [sflag:s7], $0x80  }
0x31d: {  	[sflag:s7] =	ssyncset.done $0x0  }
0x31e: {  	s9 =	simm.s32 $0x1080;
	[sflag:s7] =	ssyncadd.s32 $0xFFFFFF80  }
0x31f: {  	[spmem:s2] =	stream.indirect.scatter.add.f32 [tilespmem:s23], [sflag:$0x2], $0x1, s9, s22, $0xb8;
	[tilespmem:$0x1C00] =	vst v63  }
0x320: {  	_ =	swait.ge [sflag:s7], $0x80  }
0x321: {  	[sflag:s7] =	ssyncset.done $0x0  }
0x322: {  	s10 =	simm.s32 $0x1100;
	[sflag:s7] =	ssyncadd.s32 $0xFFFFFF80  }
0x323: {  	[spmem:s2] =	stream.indirect.scatter.add.f32 [tilespmem:s23], [sflag:$0x2], $0x1, s10, s22, $0xb8;
	[tilespmem:$0x1C00] =	vst v63  }
0x324: {  	_ =	swait.ge [sflag:s7], $0x80  }
0x325: {  	[sflag:s7] =	ssyncset.done $0x0  }
0x326: {  	s11 =	simm.s32 $0x1180;
	[sflag:s7] =	ssyncadd.s32 $0xFFFFFF80  }
0x327: {  	[spmem:s2] =	stream.indirect.scatter.add.f32 [tilespmem:s23], [sflag:$0x2], $0x1, s11, s22, $0xb8;
	[tilespmem:$0x1C00] =	vst v63  }
0x328: {  	_ =	swait.ge [sflag:s7], $0x80  }
0x329: {  	[sflag:s7] =	ssyncset.done $0x0  }
0x32a: {  	s12 =	simm.s32 $0x1200;
	[sflag:s7] =	ssyncadd.s32 $0xFFFFFF80  }
0x32b: {  	[spmem:s2] =	stream.indirect.scatter.add.f32 [tilespmem:s23], [sflag:$0x2], $0x1, s12, s22, $0xb8;
	[tilespmem:$0x1C00] =	vst v63  }
0x32c: {  	_ =	swait.ge [sflag:s7], $0x80  }
0x32d: {  	[sflag:s7] =	ssyncset.done $0x0  }
0x32e: {  	s13 =	simm.s32 $0x1280;
	[sflag:s7] =	ssyncadd.s32 $0xFFFFFF80  }
0x32f: {  	[spmem:s2] =	stream.indirect.scatter.add.f32 [tilespmem:s23], [sflag:$0x2], $0x1, s13, s22, $0xb8;
	[tilespmem:$0x1C00] =	vst v63  }
0x330: {  	_ =	swait.ge [sflag:s7], $0x80  }
0x331: {  	[sflag:s7] =	ssyncset.done $0x0  }
0x332: {  	s14 =	simm.s32 $0x1300;
	[sflag:s7] =	ssyncadd.s32 $0xFFFFFF80  }
0x333: {  	[spmem:s2] =	stream.indirect.scatter.add.f32 [tilespmem:s23], [sflag:$0x2], $0x1, s14, s22, $0xb8;
	[tilespmem:$0x1C00] =	vst v63  }
0x334: {  	_ =	swait.ge [sflag:s7], $0x80  }
0x335: {  	[sflag:s7] =	ssyncset.done $0x0  }
0x336: {  	s15 =	simm.s32 $0x1380;
	[sflag:s7] =	ssyncadd.s32 $0xFFFFFF80  }
0x337: {  	[spmem:s2] =	stream.indirect.scatter.add.f32 [tilespmem:s23], [sflag:$0x2], $0x1, s15, s22, $0xb8;
	[tilespmem:$0x1C00] =	vst v63  }
0x338: {  	_ =	swait.ge [sflag:s7], $0x80  }
0x339: {  	[sflag:s7] =	ssyncset.done $0x0  }
0x33a: {  	s16 =	simm.s32 $0x1400;
	[sflag:s7] =	ssyncadd.s32 $0xFFFFFF80  }
0x33b: {  	[spmem:s2] =	stream.indirect.scatter.add.f32 [tilespmem:s23], [sflag:$0x2], $0x1, s16, s22, $0xb8;
	[tilespmem:$0x1C00] =	vst v63  }
0x33c: {  	_ =	swait.ge [sflag:s7], $0x80  }
0x33d: {  	[sflag:s7] =	ssyncset.done $0x0  }
0x33e: {  	s17 =	simm.s32 $0x1480;
	[sflag:s7] =	ssyncadd.s32 $0xFFFFFF80  }
0x33f: {  	[spmem:s2] =	stream.indirect.scatter.add.f32 [tilespmem:s23], [sflag:$0x2], $0x1, s17, s22, $0xb8;
	[tilespmem:$0x1C00] =	vst v63  }
0x340: {  	_ =	swait.ge [sflag:s7], $0x80  }
0x341: {  	[sflag:s7] =	ssyncset.done $0x0  }
0x342: {  	s18 =	simm.s32 $0x1500;
	[sflag:s7] =	ssyncadd.s32 $0xFFFFFF80  }
0x343: {  	[spmem:s2] =	stream.indirect.scatter.add.f32 [tilespmem:s23], [sflag:$0x2], $0x1, s18, s22, $0xb8;
	[tilespmem:$0x1C00] =	vst v63  }
0x344: {  	_ =	swait.ge [sflag:s7], $0x80  }
0x345: {  	[sflag:s7] =	ssyncset.done $0x0  }
0x346: {  	s19 =	simm.s32 $0x1580;
	[sflag:s7] =	ssyncadd.s32 $0xFFFFFF80  }
0x347: {  	[spmem:s2] =	stream.indirect.scatter.add.f32 [tilespmem:s23], [sflag:$0x2], $0x1, s19, s22, $0xb8;
	[tilespmem:$0x1C00] =	vst v63  }
0x348: {  	_ =	swait.ge [sflag:s7], $0x80  }
0x349: {  	[sflag:s7] =	ssyncset.done $0x0  }
0x34a: {  	s20 =	simm.s32 $0x1600;
	[sflag:s7] =	ssyncadd.s32 $0xFFFFFF80  }
0x34b: {  	[spmem:s2] =	stream.indirect.scatter.add.f32 [tilespmem:s23], [sflag:$0x2], $0x1, s20, s22, $0xb8;
	[tilespmem:$0x1C00] =	vst v63  }
0x34c: {  	_ =	swait.ge [sflag:s7], $0x80  }
0x34d: {  	[sflag:s7] =	ssyncset.done $0x0  }
0x34e: {  	[sflag:s7] =	ssyncadd.s32 $0xFFFFFF80  }
0x34f: {  	s24 =	simm.s32 $0x1980;
	[bflag:$0x0] =	sbarrier.arrive $0xFFFF  }
0x350: {  	[tilespmem:s24], [sflag:$0x2] =	stream.linear.gather [spmem:s4], $0x280, $0x38;
	[tilespmem:$0x1C00] =	vst v63  }
0x351: {  	_ =	swait.ge [sflag:s7], $0x280  }
0x352: {  	p0 =	sne.s32 s25, $0x4B000;
	[sflag:s7] =	ssyncset.done $0x0  }
.Ltmp0:
0x353: {  	s26 =	sadd.s32 $0xA00, s26;
	[sflag:s7] =	ssyncadd.s32 $0xFFFFFD80;
	(pc) =	sbr.rel @p0 .LBB2_2-.Ltmp0, $4  }
0x354: {  	[hbm4b:s26+s3] =	stream.linear.scatter [tilespmem:s24], [sflag:$0x2], $0x280, $0x38;
	[tilespmem:$0x1C00] =	vst v63  }
0x355: {  	_ =	swait.ge [sflag:s7], $0x280  }
0x356: {  	[sflag:s7] =	ssyncset.done $0x0  }
0x357: {  	s25 =	sadd.s32 $0x5000, s25;
	[sflag:s7] =	ssyncadd.s32 $0xFFFFFD80  }
0x358: {  	s5 =	sld [smem:$0x7F4]  }
0x359: {  	s25 =	sld [smem:$0x7F5];
	_ =	sdelay $0x1  }
0x35a: {  	s5 =	sadd.s32 $0x1, s5  }
0x35b: {  	p0 =	sne.s32 s5, s25  }
.Ltmp1:
0x35c: {  	_ = 	snop;
	(pc) =	sbr.rel @p0 .LBB2_1-.Ltmp1, $2  }
0x35d: {  	_ =	sdelay $0x1  }
0x35e: {  	[bflag:$0x0] =	sbarrier.arrive $0xFFFF;
	_ =	sdelay $0x1  }
0x35f: {  	_ =	sfence.sel $0x180000  }
0x360: {  	[bflag:$0x0] =	sbarrier.arrive $0xFFFF  }
0x361: {  	_ =	strace $0x90000047  }
0x362: {  	s0 =	stileid.u32;
	[bflag:$0x2] =	sbarrier.arrive $0xFFFF  }
0x363: {  	p0 =	sne.s32 s0, $0x0;
	s0 =	rddreg [dreg:$0x3]  }
0x364: {  	s0 =	sadd.s32 @!p0 $0x100000, s0  }
0x365: {  	[sflag:s0] =	ssyncadd.tile.s32 @!p0 $0x1;
	_ =	shalt  }
.Lfunc_end2:
_tile_overlayer_lowered:
.L_overlay_start_2:
0x366: {  	(tag) =	ssettag $0x2  }
0x367: {  	s0 =	rddreg [dreg:$0x0];
	s2 =	stileid.u32  }
0x368: {  	s1 =	rddreg [dreg:$0x1];
	p0 =	sne.s32 s2, $0x0  }
0x369: {  	s3 =	rddreg [dreg:$0x2];
	[bflag:$0x3] =	sbarrier.arrive $0xFFFF;
	s2 =	simm.s32 @!p0 $0x1C02  }
0x36a: {  	[timem:s3], [sflag:s2] =	dma.local @!p0 [hbm:s0], s1  }
0x36b: {  	s0 =	simm.s32 @!p0 $0x2  }
0x36c: {  	_ =	swait.ge @!p0 [sflag:s0], s1  }
0x36d: {  	s1 =	ssub.s32 @!p0 $0x0, s1;
	[sflag:s0] =	ssyncset.done @!p0 $0x0  }
0x36e: {  	[sflag:s0] =	ssyncadd.s32 @!p0 s1  }
0x36f: {  	[bflag:$0x3] =	sbarrier.arrive $0xFFFF  }
0x370: {  	_ =	shalt  }

</sc_bundles>
